<compile_context>
chip_gen: v7x
topology: tpu7x:2x2x1
jax: 0.10.2.dev20260603
libtpu: 0.0.44.dev20260713+nightly
codegen_flags: <defaults>
</compile_context>

<pallas_src>
import functools

import jax
import jax.numpy as jnp
from jax import lax
from jax.experimental import pallas as pl
from jax.experimental.pallas import tpu as pltpu
from jax.experimental.pallas import tpu_sc as plsc

N = 10000
NP = 10112
E = 160000
NC, NS = 2, 16
NW = NC * NS
E_PAD = 163840
EPW = E_PAD // NW
RPW = NP // NS

@functools.lru_cache(maxsize=None)
def _make_sc_segsum(d, k, dt=jnp.bfloat16):
    steps = EPW // k

    @functools.partial(
        pl.kernel,
        mesh=plsc.VectorSubcoreMesh(core_axis_name="c", subcore_axis_name="s"),
        compiler_params=pltpu.CompilerParams(use_tc_tiling_on_sc=False),
        out_type=jax.ShapeDtypeStruct((NC, NP, d), dt),
        scratch_types=[
            pltpu.VMEM((steps, k), jnp.int32),
            pltpu.VMEM((steps, k), jnp.int32),
            [pltpu.VMEM((k, d), dt)] * 4,
            pltpu.VMEM_SHARED((NP, d), dt),
            [pltpu.SemaphoreType.DMA] * 4,
            [pltpu.SemaphoreType.DMA] * 4,
        ],
    )
    def segsum(y_hbm, src_hbm, dst_hbm, zeros_hbm, out_hbm,
               sidx, didx, rows, accum, gs, ss):
        c = lax.axis_index("c")
        s = lax.axis_index("s")
        wid = s * NC + c
        rbase = s * RPW

        pltpu.sync_copy(src_hbm.at[wid], sidx)
        pltpu.sync_copy(dst_hbm.at[wid], didx)
        pltpu.sync_copy(zeros_hbm.at[pl.ds(rbase, RPW)],
                        accum.at[pl.ds(rbase, RPW)])
        plsc.subcore_barrier()

        def start_gather(t, b):
            pltpu.async_copy(y_hbm.at[sidx.at[t]], rows[b], gs[b])

        def wait_gather(b):
            pltpu.make_async_copy(y_hbm.at[sidx.at[0]], rows[b], gs[b]).wait()

        def start_scatter(t, b):
            pltpu.async_copy(rows[b], accum.at[didx.at[t]], ss[b], add=True)

        def wait_scatter(b):
            pltpu.make_async_copy(rows[b], accum.at[didx.at[0]], ss[b]).wait()

        start_gather(0, 0)
        start_gather(1, 1)
        for t in range(2):
            wait_gather(t % 4)
            start_gather(t + 2, (t + 2) % 4)
            start_scatter(t, t % 4)

        @pl.loop(0, (steps - 4) // 4)
        def _(u):
            for b in range(4):
                t = 4 * u + 2 + b
                bb = (2 + b) % 4
                wait_gather(bb)
                wait_scatter(b)
                start_gather(t + 2, b)
                start_scatter(t, bb)

        for i in range(2):
            t = steps - 2 + i
            b = t % 4
            wait_gather(b)
            start_scatter(t, b)
        for i in range(4):
            wait_scatter((steps - 4 + i) % 4)

        plsc.subcore_barrier()
        pltpu.sync_copy(accum.at[pl.ds(rbase, RPW)],
                        out_hbm.at[c, pl.ds(rbase, RPW)])

    return segsum


R = 1000
_GRID = N // R


def _tc0_body(x_ref, wl_ref, wr_ref, xl_ref, xr_ref):
    x = x_ref[...]
    y = jnp.dot(x, wl_ref[...], preferred_element_type=jnp.float32)
    col = lax.broadcasted_iota(jnp.int32, (R, 160), 1)
    xl_ref[...] = (y + jnp.where(col == 128, 1.0, 0.0)).astype(jnp.bfloat16)
    xr_ref[...] = jnp.dot(x, wr_ref[...], preferred_element_type=jnp.float32)


def _tc0(x, wl_ext, wr_t):
    return pl.pallas_call(
        _tc0_body,
        grid=(_GRID,),
        in_specs=[
            pl.BlockSpec((R, 256), lambda i: (i, 0)),
            pl.BlockSpec((256, 160), lambda i: (0, 0)),
            pl.BlockSpec((256, 128), lambda i: (0, 0)),
        ],
        out_specs=[
            pl.BlockSpec((R, 160), lambda i: (i, 0)),
            pl.BlockSpec((R, 128), lambda i: (i, 0)),
        ],
        out_shape=[
            jax.ShapeDtypeStruct((N, 160), jnp.bfloat16),
            jax.ShapeDtypeStruct((N, 128), jnp.float32),
        ],
    )(x, wl_ext, wr_t)


def _fuse1_body(p0_ref, p1_ref, xr_ref, b_ref, wl_ref, wr_ref,
                xl1_ref, xr1_ref, invd_ref):
    p0 = p0_ref[0].astype(jnp.float32)
    p1 = p1_ref[0].astype(jnp.float32)
    ssum = p0[:, :128] + p1[:, :128]
    deg = p0[:, 128:129] + p1[:, 128:129]
    invd = 1.0 / jnp.maximum(deg, 1.0)
    h = jnp.maximum(ssum * invd + b_ref[...] + xr_ref[...], 0.0)
    xl1_ref[...] = jnp.dot(h, wl_ref[...],
                           preferred_element_type=jnp.float32).astype(jnp.bfloat16)
    xr1_ref[...] = jnp.dot(h, wr_ref[...], preferred_element_type=jnp.float32)
    invd_ref[...] = invd


def _fuse1(parts, xr0, bl0, wl1_t, wr1_t):
    return pl.pallas_call(
        _fuse1_body,
        grid=(_GRID,),
        in_specs=[
            pl.BlockSpec((1, R, 160), lambda i: (0, i, 0)),
            pl.BlockSpec((1, R, 160), lambda i: (1, i, 0)),
            pl.BlockSpec((R, 128), lambda i: (i, 0)),
            pl.BlockSpec((1, 128), lambda i: (0, 0)),
            pl.BlockSpec((128, 128), lambda i: (0, 0)),
            pl.BlockSpec((128, 128), lambda i: (0, 0)),
        ],
        out_specs=[
            pl.BlockSpec((R, 128), lambda i: (i, 0)),
            pl.BlockSpec((R, 128), lambda i: (i, 0)),
            pl.BlockSpec((R, 1), lambda i: (i, 0)),
        ],
        out_shape=[
            jax.ShapeDtypeStruct((N, 128), jnp.bfloat16),
            jax.ShapeDtypeStruct((N, 128), jnp.float32),
            jax.ShapeDtypeStruct((N, 1), jnp.float32),
        ],
    )(parts, parts, xr0, bl0, wl1_t, wr1_t)


def _fuse2_body(p0_ref, p1_ref, xr_ref, invd_ref, b_ref, wl_ref, wr_ref,
                xl2_ref, xr2_ref):
    ssum = p0_ref[0].astype(jnp.float32) + p1_ref[0].astype(jnp.float32)
    h = jnp.maximum(ssum * invd_ref[...] + b_ref[...] + xr_ref[...], 0.0)
    xl2_ref[...] = jnp.dot(h, wl_ref[...],
                           preferred_element_type=jnp.float32).astype(jnp.bfloat16)
    xr2_ref[...] = jnp.dot(h, wr_ref[...], preferred_element_type=jnp.float32)


def _fuse2(parts, xr1, invd, bl1, wl2_t, wr2_t):
    return pl.pallas_call(
        _fuse2_body,
        grid=(_GRID,),
        in_specs=[
            pl.BlockSpec((1, R, 128), lambda i: (0, i, 0)),
            pl.BlockSpec((1, R, 128), lambda i: (1, i, 0)),
            pl.BlockSpec((R, 128), lambda i: (i, 0)),
            pl.BlockSpec((R, 1), lambda i: (i, 0)),
            pl.BlockSpec((1, 128), lambda i: (0, 0)),
            pl.BlockSpec((128, 64), lambda i: (0, 0)),
            pl.BlockSpec((128, 64), lambda i: (0, 0)),
        ],
        out_specs=[
            pl.BlockSpec((R, 64), lambda i: (i, 0)),
            pl.BlockSpec((R, 64), lambda i: (i, 0)),
        ],
        out_shape=[
            jax.ShapeDtypeStruct((N, 64), jnp.bfloat16),
            jax.ShapeDtypeStruct((N, 64), jnp.float32),
        ],
    )(parts, parts, xr1, invd, bl1, wl2_t, wr2_t)


def _final_body(p0_ref, p1_ref, xr_ref, invd_ref, b_ref, out_ref):
    ssum = p0_ref[0].astype(jnp.float32) + p1_ref[0].astype(jnp.float32)
    out_ref[...] = ssum * invd_ref[...] + b_ref[...] + xr_ref[...]


def _final(parts, xr2, invd, bl2):
    return pl.pallas_call(
        _final_body,
        grid=(_GRID,),
        in_specs=[
            pl.BlockSpec((1, R, 64), lambda i: (0, i, 0)),
            pl.BlockSpec((1, R, 64), lambda i: (1, i, 0)),
            pl.BlockSpec((R, 64), lambda i: (i, 0)),
            pl.BlockSpec((R, 1), lambda i: (i, 0)),
            pl.BlockSpec((1, 64), lambda i: (0, 0)),
        ],
        out_specs=pl.BlockSpec((R, 64), lambda i: (i, 0)),
        out_shape=jax.ShapeDtypeStruct((N, 64), jnp.float32),
    )(parts, parts, xr2, invd, bl2)


def kernel(x, edge_index, Wl0, bl0, Wr0, Wl1, bl1, Wr1, Wl2, bl2, Wr2):
    src = edge_index[0]
    dst = edge_index[1]
    pad = E_PAD - E
    src_f = jnp.concatenate([src, jnp.zeros((pad,), jnp.int32)])
    dst_f = jnp.concatenate([dst, jnp.full((pad,), N, jnp.int32)])
    def _idx(kk):
        return src_f.reshape(NW, EPW // kk, kk), dst_f.reshape(NW, EPW // kk, kk)
    src40, dst40 = _idx(40)
    src64, dst64 = _idx(64)
    src128, dst128 = _idx(128)

    wl0_ext = jnp.concatenate([Wl0.T, jnp.zeros((256, 32), jnp.float32)], axis=1)
    z160 = jnp.zeros((NP, 160), jnp.bfloat16)
    z128 = jnp.zeros((NP, 128), jnp.bfloat16)
    z64 = jnp.zeros((NP, 64), jnp.bfloat16)

    xl0, xr0 = _tc0(x, wl0_ext, Wr0.T)
    parts0 = _make_sc_segsum(160, 64)(xl0, src64, dst64, z160)
    xl1, xr1, invd = _fuse1(parts0, xr0, bl0.reshape(1, -1), Wl1.T, Wr1.T)
    parts1 = _make_sc_segsum(128, 128)(xl1, src128, dst128, z128)
    xl2, xr2 = _fuse2(parts1, xr1, invd, bl1.reshape(1, -1), Wl2.T, Wr2.T)
    parts2 = _make_sc_segsum(64, 128)(xl2, src128, dst128, z64)
    return _final(parts2, xr2, invd, bl2.reshape(1, -1))

# --- scband reference (transcript-rebuilt; emitter-appended) ---
"""Pipeline reference for scband-graph-sage-16492674416823 (READ-ONLY COPY).

The authoritative reference and input builder live on the scoring server;
editing this copy changes nothing except your own understanding.
"""

import jax, jax.numpy as jnp
import numpy as np

N = 10000
E = 160000
D_IN = 256
D_HID = 128
D_OUT = 64


def _glorot(k, shape):
    fan_out, fan_in = shape
    limit = float(np.sqrt(6.0 / (fan_in + fan_out)))
    return jax.random.uniform(k, shape, minval=-limit, maxval=limit, dtype=jnp.float32)


def setup_inputs(seed: int = 0) -> dict:
    key = jax.random.key(seed)
    ks = jax.random.split(key, 10)
    x = jax.random.normal(ks[0], (N, D_IN), dtype=jnp.float32)
    edge_index = jax.random.randint(ks[1], (2, E), 0, N, dtype=jnp.int32)
    Wl0 = _glorot(ks[2], (D_HID, D_IN)); bl0 = jnp.zeros((D_HID,), dtype=jnp.float32); Wr0 = _glorot(ks[3], (D_HID, D_IN))
    Wl1 = _glorot(ks[4], (D_HID, D_HID)); bl1 = jnp.zeros((D_HID,), dtype=jnp.float32); Wr1 = _glorot(ks[5], (D_HID, D_HID))
    Wl2 = _glorot(ks[6], (D_OUT, D_HID)); bl2 = jnp.zeros((D_OUT,), dtype=jnp.float32); Wr2 = _glorot(ks[7], (D_OUT, D_HID))
    return {"x": x, "edge_index": edge_index,
            "Wl0": Wl0, "bl0": bl0, "Wr0": Wr0,
            "Wl1": Wl1, "bl1": bl1, "Wr1": Wr1,
            "Wl2": Wl2, "bl2": bl2, "Wr2": Wr2}


def _sage_conv(x, edge_index, Wl, bl, Wr):
    # PyG SAGEConv (aggr='mean'): out = lin_l(mean_{j in N(i)} x_j) + lin_r(x_i)
    src = edge_index[0]
    dst = edge_index[1]
    msgs = jnp.take(x, src, axis=0)
    summed = jax.ops.segment_sum(msgs, dst, num_segments=N)
    deg = jax.ops.segment_sum(jnp.ones((E,), dtype=x.dtype), dst, num_segments=N)
    mean = summed / jnp.clip(deg, 1.0, None)[:, None]
    return mean @ Wl.T + bl + x @ Wr.T


def reference(x, edge_index, Wl0, bl0, Wr0, Wl1, bl1, Wr1, Wl2, bl2, Wr2):
    # eval mode: dropout is identity
    h = jax.nn.relu(_sage_conv(x, edge_index, Wl0, bl0, Wr0))
    h = jax.nn.relu(_sage_conv(h, edge_index, Wl1, bl1, Wr1))
    out = _sage_conv(h, edge_index, Wl2, bl2, Wr2)
    return out

if __name__ == "__main__":
    import jax
    _d = setup_inputs()
    print(jax.jit(kernel)(*tuple(_d.values())))

</pallas_src>

<mosaic_0001>
#map = affine_map<(d0, d1) -> (0, 0)>
#map1 = affine_map<(d0, d1) -> (0, 0, 0)>
module attributes {stable_mosaic.version = 14 : i64} {
  func.func @segsum(%arg0: i32, %arg1: i32, %arg2: memref<10000x160xbf16, #tpu.memory_space<hbm>>, %arg3: memref<32x80x64xi32, #tpu.memory_space<hbm>>, %arg4: memref<32x80x64xi32, #tpu.memory_space<hbm>>, %arg5: memref<10112x160xbf16, #tpu.memory_space<hbm>>, %arg6: memref<2x10112x160xbf16, #tpu.memory_space<hbm>>, %arg7: memref<80x64xi32, #tpu.memory_space<vmem>>, %arg8: memref<80x64xi32, #tpu.memory_space<vmem>>, %arg9: memref<64x160xbf16, #tpu.memory_space<vmem>>, %arg10: memref<64x160xbf16, #tpu.memory_space<vmem>>, %arg11: memref<64x160xbf16, #tpu.memory_space<vmem>>, %arg12: memref<64x160xbf16, #tpu.memory_space<vmem>>, %arg13: memref<10112x160xbf16, #tpu.memory_space<vmem_shared>>, %arg14: memref<!tpu.dma_semaphore, #tpu.memory_space<semaphore_mem>>, %arg15: memref<!tpu.dma_semaphore, #tpu.memory_space<semaphore_mem>>, %arg16: memref<!tpu.dma_semaphore, #tpu.memory_space<semaphore_mem>>, %arg17: memref<!tpu.dma_semaphore, #tpu.memory_space<semaphore_mem>>, %arg18: memref<!tpu.dma_semaphore, #tpu.memory_space<semaphore_mem>>, %arg19: memref<!tpu.dma_semaphore, #tpu.memory_space<semaphore_mem>>, %arg20: memref<!tpu.dma_semaphore, #tpu.memory_space<semaphore_mem>>, %arg21: memref<!tpu.dma_semaphore, #tpu.memory_space<semaphore_mem>>) attributes {dimension_semantics = [#tpu.dimension_semantics<core_parallel>, #tpu.dimension_semantics<subcore_parallel>], iteration_bounds = array<i64: 2, 16>, scalar_prefetch = 0 : i64, scratch_operands = 15 : i64, tpu.core_type = #tpu.core_type<sc_vector_subcore>, window_params = [{transform_indices = #map}, {transform_indices = #map1}, {transform_indices = #map1}, {transform_indices = #map}, {transform_indices = #map1}]} {
    %mul3A = arith.constant 2 : i32
    %mul3A_0 = arith.muli %arg1, %mul3A : i32
    %add3A = arith.addi %mul3A_0, %arg0 : i32
    %mul3A_1 = arith.constant 632 : i32
    %mul3A_2 = arith.muli %arg1, %mul3A_1 : i32
    "tpu.region"() ({
      %run_scoped3A = tpu.sem_alloc : memref<!tpu.dma_semaphore, #tpu.memory_space<semaphore_mem>>
      %dma_start3A_118 = arith.constant 0 : i32
      %dma_start3A_119 = arith.constant 0 : i32
      %dma_start3A_120 = tpu.memref_slice %arg3[%add3A, %dma_start3A_118, %dma_start3A_119] : memref<32x80x64xi32, #tpu.memory_space<hbm>> -> memref<1x80x64xi32, #tpu.memory_space<hbm>>
      %dma_start3A_121 = tpu.memref_squeeze %dma_start3A_120 : memref<1x80x64xi32, #tpu.memory_space<hbm>> -> memref<80x64xi32, #tpu.memory_space<hbm>>
      %dma_start3A_122 = arith.constant 0 : i32
      %dma_start3A_123 = arith.constant 0 : i32
      %dma_start3A_124 = tpu.memref_slice %arg3[%add3A, %dma_start3A_122, %dma_start3A_123] : memref<32x80x64xi32, #tpu.memory_space<hbm>> -> memref<1x80x64xi32, #tpu.memory_space<hbm>>
      %dma_start3A_125 = tpu.memref_squeeze %dma_start3A_124 : memref<1x80x64xi32, #tpu.memory_space<hbm>> -> memref<80x64xi32, #tpu.memory_space<hbm>>
      tpu.enqueue_dma source(%dma_start3A_125 : memref<80x64xi32, #tpu.memory_space<hbm>>) target(%arg7 : memref<80x64xi32, #tpu.memory_space<vmem>>) target_semaphore(%run_scoped3A : memref<!tpu.dma_semaphore, #tpu.memory_space<semaphore_mem>>)
      %dma_wait3A_126 = arith.constant 0 : i32
      %dma_wait3A_127 = arith.constant 0 : i32
      %dma_wait3A_128 = tpu.memref_slice %arg3[%add3A, %dma_wait3A_126, %dma_wait3A_127] : memref<32x80x64xi32, #tpu.memory_space<hbm>> -> memref<1x80x64xi32, #tpu.memory_space<hbm>>
      %dma_wait3A_129 = tpu.memref_squeeze %dma_wait3A_128 : memref<1x80x64xi32, #tpu.memory_space<hbm>> -> memref<80x64xi32, #tpu.memory_space<hbm>>
      %dma_wait3A_130 = arith.constant 0 : i32
      %dma_wait3A_131 = arith.constant 0 : i32
      %dma_wait3A_132 = tpu.memref_slice %arg3[%add3A, %dma_wait3A_130, %dma_wait3A_131] : memref<32x80x64xi32, #tpu.memory_space<hbm>> -> memref<1x80x64xi32, #tpu.memory_space<hbm>>
      %dma_wait3A_133 = tpu.memref_squeeze %dma_wait3A_132 : memref<1x80x64xi32, #tpu.memory_space<hbm>> -> memref<80x64xi32, #tpu.memory_space<hbm>>
      tpu.wait_dma2 semaphore(%run_scoped3A : memref<!tpu.dma_semaphore, #tpu.memory_space<semaphore_mem>>) src(%dma_wait3A_133 : memref<80x64xi32, #tpu.memory_space<hbm>>) dst(%arg7 : memref<80x64xi32, #tpu.memory_space<vmem>>)
      tpu.yield
    }) : () -> ()
    "tpu.region"() ({
      %run_scoped3A = tpu.sem_alloc : memref<!tpu.dma_semaphore, #tpu.memory_space<semaphore_mem>>
      %dma_start3A_118 = arith.constant 0 : i32
      %dma_start3A_119 = arith.constant 0 : i32
      %dma_start3A_120 = tpu.memref_slice %arg4[%add3A, %dma_start3A_118, %dma_start3A_119] : memref<32x80x64xi32, #tpu.memory_space<hbm>> -> memref<1x80x64xi32, #tpu.memory_space<hbm>>
      %dma_start3A_121 = tpu.memref_squeeze %dma_start3A_120 : memref<1x80x64xi32, #tpu.memory_space<hbm>> -> memref<80x64xi32, #tpu.memory_space<hbm>>
      %dma_start3A_122 = arith.constant 0 : i32
      %dma_start3A_123 = arith.constant 0 : i32
      %dma_start3A_124 = tpu.memref_slice %arg4[%add3A, %dma_start3A_122, %dma_start3A_123] : memref<32x80x64xi32, #tpu.memory_space<hbm>> -> memref<1x80x64xi32, #tpu.memory_space<hbm>>
      %dma_start3A_125 = tpu.memref_squeeze %dma_start3A_124 : memref<1x80x64xi32, #tpu.memory_space<hbm>> -> memref<80x64xi32, #tpu.memory_space<hbm>>
      tpu.enqueue_dma source(%dma_start3A_125 : memref<80x64xi32, #tpu.memory_space<hbm>>) target(%arg8 : memref<80x64xi32, #tpu.memory_space<vmem>>) target_semaphore(%run_scoped3A : memref<!tpu.dma_semaphore, #tpu.memory_space<semaphore_mem>>)
      %dma_wait3A_126 = arith.constant 0 : i32
      %dma_wait3A_127 = arith.constant 0 : i32
      %dma_wait3A_128 = tpu.memref_slice %arg4[%add3A, %dma_wait3A_126, %dma_wait3A_127] : memref<32x80x64xi32, #tpu.memory_space<hbm>> -> memref<1x80x64xi32, #tpu.memory_space<hbm>>
      %dma_wait3A_129 = tpu.memref_squeeze %dma_wait3A_128 : memref<1x80x64xi32, #tpu.memory_space<hbm>> -> memref<80x64xi32, #tpu.memory_space<hbm>>
      %dma_wait3A_130 = arith.constant 0 : i32
      %dma_wait3A_131 = arith.constant 0 : i32
      %dma_wait3A_132 = tpu.memref_slice %arg4[%add3A, %dma_wait3A_130, %dma_wait3A_131] : memref<32x80x64xi32, #tpu.memory_space<hbm>> -> memref<1x80x64xi32, #tpu.memory_space<hbm>>
      %dma_wait3A_133 = tpu.memref_squeeze %dma_wait3A_132 : memref<1x80x64xi32, #tpu.memory_space<hbm>> -> memref<80x64xi32, #tpu.memory_space<hbm>>
      tpu.wait_dma2 semaphore(%run_scoped3A : memref<!tpu.dma_semaphore, #tpu.memory_space<semaphore_mem>>) src(%dma_wait3A_133 : memref<80x64xi32, #tpu.memory_space<hbm>>) dst(%arg8 : memref<80x64xi32, #tpu.memory_space<vmem>>)
      tpu.yield
    }) : () -> ()
    "tpu.region"() ({
      %run_scoped3A = tpu.sem_alloc : memref<!tpu.dma_semaphore, #tpu.memory_space<semaphore_mem>>
      %dma_start3A_118 = arith.constant 0 : i32
      %dma_start3A_119 = tpu.memref_slice %arg13[%mul3A_2, %dma_start3A_118] : memref<10112x160xbf16, #tpu.memory_space<vmem_shared>> -> memref<632x160xbf16, #tpu.memory_space<vmem_shared>>
      %dma_start3A_120 = arith.constant 0 : i32
      %dma_start3A_121 = tpu.memref_slice %arg5[%mul3A_2, %dma_start3A_120] : memref<10112x160xbf16, #tpu.memory_space<hbm>> -> memref<632x160xbf16, #tpu.memory_space<hbm>>
      tpu.enqueue_dma source(%dma_start3A_121 : memref<632x160xbf16, #tpu.memory_space<hbm>>) target(%dma_start3A_119 : memref<632x160xbf16, #tpu.memory_space<vmem_shared>>) target_semaphore(%run_scoped3A : memref<!tpu.dma_semaphore, #tpu.memory_space<semaphore_mem>>)
      %dma_wait3A_122 = arith.constant 0 : i32
      %dma_wait3A_123 = tpu.memref_slice %arg13[%mul3A_2, %dma_wait3A_122] : memref<10112x160xbf16, #tpu.memory_space<vmem_shared>> -> memref<632x160xbf16, #tpu.memory_space<vmem_shared>>
      %dma_wait3A_124 = arith.constant 0 : i32
      %dma_wait3A_125 = tpu.memref_slice %arg5[%mul3A_2, %dma_wait3A_124] : memref<10112x160xbf16, #tpu.memory_space<hbm>> -> memref<632x160xbf16, #tpu.memory_space<hbm>>
      tpu.wait_dma2 semaphore(%run_scoped3A : memref<!tpu.dma_semaphore, #tpu.memory_space<semaphore_mem>>) src(%dma_wait3A_125 : memref<632x160xbf16, #tpu.memory_space<hbm>>) dst(%dma_wait3A_123 : memref<632x160xbf16, #tpu.memory_space<vmem_shared>>)
      tpu.yield
    }) : () -> ()
    %barrier3A = arith.constant 0 : index
    tpu.barrier barrier_id(%barrier3A)
    %dma_start3A = arith.constant 0 : i32
    %dma_start3A_3 = arith.constant 0 : i32
    %dma_start3A_4 = tpu.memref_slice %arg7[%dma_start3A, %dma_start3A_3] : memref<80x64xi32, #tpu.memory_space<vmem>> -> memref<1x64xi32, #tpu.memory_space<vmem>>
    %dma_start3A_5 = tpu.memref_squeeze %dma_start3A_4 : memref<1x64xi32, #tpu.memory_space<vmem>> -> memref<64xi32, #tpu.memory_space<vmem>>
    %dma_start3A_6 = arith.constant 0 : i32
    %dma_start3A_7 = arith.constant 0 : i32
    %dma_start3A_8 = tpu.memref_slice %arg2[%dma_start3A_6, %dma_start3A_7] : memref<10000x160xbf16, #tpu.memory_space<hbm>> -> memref<10000x160xbf16, #tpu.memory_space<hbm>>
    tpu.enqueue_indirect_dma source(%dma_start3A_8 : memref<10000x160xbf16, #tpu.memory_space<hbm>>) target(%arg9 : memref<64x160xbf16, #tpu.memory_space<vmem>>) offsets(%dma_start3A_5 : memref<64xi32, #tpu.memory_space<vmem>>) semaphore(%arg14 : memref<!tpu.dma_semaphore, #tpu.memory_space<semaphore_mem>>)
    %dma_start3A_9 = arith.constant 1 : i32
    %dma_start3A_10 = arith.constant 0 : i32
    %dma_start3A_11 = tpu.memref_slice %arg7[%dma_start3A_9, %dma_start3A_10] : memref<80x64xi32, #tpu.memory_space<vmem>> -> memref<1x64xi32, #tpu.memory_space<vmem>>
    %dma_start3A_12 = tpu.memref_squeeze %dma_start3A_11 : memref<1x64xi32, #tpu.memory_space<vmem>> -> memref<64xi32, #tpu.memory_space<vmem>>
    %dma_start3A_13 = arith.constant 0 : i32
    %dma_start3A_14 = arith.constant 0 : i32
    %dma_start3A_15 = tpu.memref_slice %arg2[%dma_start3A_13, %dma_start3A_14] : memref<10000x160xbf16, #tpu.memory_space<hbm>> -> memref<10000x160xbf16, #tpu.memory_space<hbm>>
    tpu.enqueue_indirect_dma source(%dma_start3A_15 : memref<10000x160xbf16, #tpu.memory_space<hbm>>) target(%arg10 : memref<64x160xbf16, #tpu.memory_space<vmem>>) offsets(%dma_start3A_12 : memref<64xi32, #tpu.memory_space<vmem>>) semaphore(%arg15 : memref<!tpu.dma_semaphore, #tpu.memory_space<semaphore_mem>>)
    %dma_wait3A = arith.constant 0 : i32
    %dma_wait3A_16 = arith.constant 0 : i32
    %dma_wait3A_17 = tpu.memref_slice %arg7[%dma_wait3A, %dma_wait3A_16] : memref<80x64xi32, #tpu.memory_space<vmem>> -> memref<1x64xi32, #tpu.memory_space<vmem>>
    %dma_wait3A_18 = tpu.memref_squeeze %dma_wait3A_17 : memref<1x64xi32, #tpu.memory_space<vmem>> -> memref<64xi32, #tpu.memory_space<vmem>>
    %dma_wait3A_19 = arith.constant 0 : i32
    %dma_wait3A_20 = arith.constant 0 : i32
    %dma_wait3A_21 = tpu.memref_slice %arg2[%dma_wait3A_19, %dma_wait3A_20] : memref<10000x160xbf16, #tpu.memory_space<hbm>> -> memref<10000x160xbf16, #tpu.memory_space<hbm>>
    tpu.wait_indirect_dma semaphore(%arg14 : memref<!tpu.dma_semaphore, #tpu.memory_space<semaphore_mem>>) src(%dma_wait3A_21 : memref<10000x160xbf16, #tpu.memory_space<hbm>>) dst(%arg9 : memref<64x160xbf16, #tpu.memory_space<vmem>>)
    %dma_start3A_22 = arith.constant 2 : i32
    %dma_start3A_23 = arith.constant 0 : i32
    %dma_start3A_24 = tpu.memref_slice %arg7[%dma_start3A_22, %dma_start3A_23] : memref<80x64xi32, #tpu.memory_space<vmem>> -> memref<1x64xi32, #tpu.memory_space<vmem>>
    %dma_start3A_25 = tpu.memref_squeeze %dma_start3A_24 : memref<1x64xi32, #tpu.memory_space<vmem>> -> memref<64xi32, #tpu.memory_space<vmem>>
    %dma_start3A_26 = arith.constant 0 : i32
    %dma_start3A_27 = arith.constant 0 : i32
    %dma_start3A_28 = tpu.memref_slice %arg2[%dma_start3A_26, %dma_start3A_27] : memref<10000x160xbf16, #tpu.memory_space<hbm>> -> memref<10000x160xbf16, #tpu.memory_space<hbm>>
    tpu.enqueue_indirect_dma source(%dma_start3A_28 : memref<10000x160xbf16, #tpu.memory_space<hbm>>) target(%arg11 : memref<64x160xbf16, #tpu.memory_space<vmem>>) offsets(%dma_start3A_25 : memref<64xi32, #tpu.memory_space<vmem>>) semaphore(%arg16 : memref<!tpu.dma_semaphore, #tpu.memory_space<semaphore_mem>>)
    %dma_start3A_29 = arith.constant 0 : i32
    %dma_start3A_30 = arith.constant 0 : i32
    %dma_start3A_31 = tpu.memref_slice %arg8[%dma_start3A_29, %dma_start3A_30] : memref<80x64xi32, #tpu.memory_space<vmem>> -> memref<1x64xi32, #tpu.memory_space<vmem>>
    %dma_start3A_32 = tpu.memref_squeeze %dma_start3A_31 : memref<1x64xi32, #tpu.memory_space<vmem>> -> memref<64xi32, #tpu.memory_space<vmem>>
    %dma_start3A_33 = arith.constant 0 : i32
    %dma_start3A_34 = arith.constant 0 : i32
    %dma_start3A_35 = tpu.memref_slice %arg13[%dma_start3A_33, %dma_start3A_34] : memref<10112x160xbf16, #tpu.memory_space<vmem_shared>> -> memref<10112x160xbf16, #tpu.memory_space<vmem_shared>>
    tpu.enqueue_indirect_dma source(%arg9 : memref<64x160xbf16, #tpu.memory_space<vmem>>) target(%dma_start3A_35 : memref<10112x160xbf16, #tpu.memory_space<vmem_shared>>) offsets(%dma_start3A_32 : memref<64xi32, #tpu.memory_space<vmem>>) semaphore(%arg18 : memref<!tpu.dma_semaphore, #tpu.memory_space<semaphore_mem>>) {add = true}
    %dma_wait3A_36 = arith.constant 0 : i32
    %dma_wait3A_37 = arith.constant 0 : i32
    %dma_wait3A_38 = tpu.memref_slice %arg7[%dma_wait3A_36, %dma_wait3A_37] : memref<80x64xi32, #tpu.memory_space<vmem>> -> memref<1x64xi32, #tpu.memory_space<vmem>>
    %dma_wait3A_39 = tpu.memref_squeeze %dma_wait3A_38 : memref<1x64xi32, #tpu.memory_space<vmem>> -> memref<64xi32, #tpu.memory_space<vmem>>
    %dma_wait3A_40 = arith.constant 0 : i32
    %dma_wait3A_41 = arith.constant 0 : i32
    %dma_wait3A_42 = tpu.memref_slice %arg2[%dma_wait3A_40, %dma_wait3A_41] : memref<10000x160xbf16, #tpu.memory_space<hbm>> -> memref<10000x160xbf16, #tpu.memory_space<hbm>>
    tpu.wait_indirect_dma semaphore(%arg15 : memref<!tpu.dma_semaphore, #tpu.memory_space<semaphore_mem>>) src(%dma_wait3A_42 : memref<10000x160xbf16, #tpu.memory_space<hbm>>) dst(%arg10 : memref<64x160xbf16, #tpu.memory_space<vmem>>)
    %dma_start3A_43 = arith.constant 3 : i32
    %dma_start3A_44 = arith.constant 0 : i32
    %dma_start3A_45 = tpu.memref_slice %arg7[%dma_start3A_43, %dma_start3A_44] : memref<80x64xi32, #tpu.memory_space<vmem>> -> memref<1x64xi32, #tpu.memory_space<vmem>>
    %dma_start3A_46 = tpu.memref_squeeze %dma_start3A_45 : memref<1x64xi32, #tpu.memory_space<vmem>> -> memref<64xi32, #tpu.memory_space<vmem>>
    %dma_start3A_47 = arith.constant 0 : i32
    %dma_start3A_48 = arith.constant 0 : i32
    %dma_start3A_49 = tpu.memref_slice %arg2[%dma_start3A_47, %dma_start3A_48] : memref<10000x160xbf16, #tpu.memory_space<hbm>> -> memref<10000x160xbf16, #tpu.memory_space<hbm>>
    tpu.enqueue_indirect_dma source(%dma_start3A_49 : memref<10000x160xbf16, #tpu.memory_space<hbm>>) target(%arg12 : memref<64x160xbf16, #tpu.memory_space<vmem>>) offsets(%dma_start3A_46 : memref<64xi32, #tpu.memory_space<vmem>>) semaphore(%arg17 : memref<!tpu.dma_semaphore, #tpu.memory_space<semaphore_mem>>)
    %dma_start3A_50 = arith.constant 1 : i32
    %dma_start3A_51 = arith.constant 0 : i32
    %dma_start3A_52 = tpu.memref_slice %arg8[%dma_start3A_50, %dma_start3A_51] : memref<80x64xi32, #tpu.memory_space<vmem>> -> memref<1x64xi32, #tpu.memory_space<vmem>>
    %dma_start3A_53 = tpu.memref_squeeze %dma_start3A_52 : memref<1x64xi32, #tpu.memory_space<vmem>> -> memref<64xi32, #tpu.memory_space<vmem>>
    %dma_start3A_54 = arith.constant 0 : i32
    %dma_start3A_55 = arith.constant 0 : i32
    %dma_start3A_56 = tpu.memref_slice %arg13[%dma_start3A_54, %dma_start3A_55] : memref<10112x160xbf16, #tpu.memory_space<vmem_shared>> -> memref<10112x160xbf16, #tpu.memory_space<vmem_shared>>
    tpu.enqueue_indirect_dma source(%arg10 : memref<64x160xbf16, #tpu.memory_space<vmem>>) target(%dma_start3A_56 : memref<10112x160xbf16, #tpu.memory_space<vmem_shared>>) offsets(%dma_start3A_53 : memref<64xi32, #tpu.memory_space<vmem>>) semaphore(%arg19 : memref<!tpu.dma_semaphore, #tpu.memory_space<semaphore_mem>>) {add = true}
    %scan3A = arith.constant 0 : i32
    %scan3A_57 = arith.constant 19 : i32
    %scan3A_58 = arith.addi %scan3A, %scan3A_57 : i32
    %scan3A_59 = arith.constant 1 : i32
    scf.for %scan3A_118 = %scan3A to %scan3A_58 step %scan3A_59  : i32 {
      %mul3A_119 = arith.constant 1 : i32
      %mul3A_120 = arith.muli %scan3A_118, %mul3A_119 : i32
      %add3A_121 = arith.constant 0 : i32
      %add3A_122 = arith.addi %add3A_121, %mul3A_120 : i32
      %mul3A_123 = arith.constant 4 : i32
      %mul3A_124 = arith.muli %mul3A_123, %add3A_122 : i32
      %add3A_125 = arith.constant 2 : i32
      %add3A_126 = arith.addi %mul3A_124, %add3A_125 : i32
      %add3A_127 = arith.constant 0 : i32
      %add3A_128 = arith.addi %add3A_126, %add3A_127 : i32
      %dma_wait3A_129 = arith.constant 0 : i32
      %dma_wait3A_130 = arith.constant 0 : i32
      %dma_wait3A_131 = tpu.memref_slice %arg7[%dma_wait3A_129, %dma_wait3A_130] : memref<80x64xi32, #tpu.memory_space<vmem>> -> memref<1x64xi32, #tpu.memory_space<vmem>>
      %dma_wait3A_132 = tpu.memref_squeeze %dma_wait3A_131 : memref<1x64xi32, #tpu.memory_space<vmem>> -> memref<64xi32, #tpu.memory_space<vmem>>
      %dma_wait3A_133 = arith.constant 0 : i32
      %dma_wait3A_134 = arith.constant 0 : i32
      %dma_wait3A_135 = tpu.memref_slice %arg2[%dma_wait3A_133, %dma_wait3A_134] : memref<10000x160xbf16, #tpu.memory_space<hbm>> -> memref<10000x160xbf16, #tpu.memory_space<hbm>>
      tpu.wait_indirect_dma semaphore(%arg16 : memref<!tpu.dma_semaphore, #tpu.memory_space<semaphore_mem>>) src(%dma_wait3A_135 : memref<10000x160xbf16, #tpu.memory_space<hbm>>) dst(%arg11 : memref<64x160xbf16, #tpu.memory_space<vmem>>)
      %dma_wait3A_136 = arith.constant 0 : i32
      %dma_wait3A_137 = arith.constant 0 : i32
      %dma_wait3A_138 = tpu.memref_slice %arg8[%dma_wait3A_136, %dma_wait3A_137] : memref<80x64xi32, #tpu.memory_space<vmem>> -> memref<1x64xi32, #tpu.memory_space<vmem>>
      %dma_wait3A_139 = tpu.memref_squeeze %dma_wait3A_138 : memref<1x64xi32, #tpu.memory_space<vmem>> -> memref<64xi32, #tpu.memory_space<vmem>>
      %dma_wait3A_140 = arith.constant 0 : i32
      %dma_wait3A_141 = arith.constant 0 : i32
      %dma_wait3A_142 = tpu.memref_slice %arg13[%dma_wait3A_140, %dma_wait3A_141] : memref<10112x160xbf16, #tpu.memory_space<vmem_shared>> -> memref<10112x160xbf16, #tpu.memory_space<vmem_shared>>
      tpu.wait_indirect_dma semaphore(%arg18 : memref<!tpu.dma_semaphore, #tpu.memory_space<semaphore_mem>>) src(%arg9 : memref<64x160xbf16, #tpu.memory_space<vmem>>) dst(%dma_wait3A_142 : memref<10112x160xbf16, #tpu.memory_space<vmem_shared>>)
      %add3A_143 = arith.constant 2 : i32
      %add3A_144 = arith.addi %add3A_128, %add3A_143 : i32
      %dma_start3A_145 = arith.constant 0 : i32
      %dma_start3A_146 = tpu.memref_slice %arg7[%add3A_144, %dma_start3A_145] : memref<80x64xi32, #tpu.memory_space<vmem>> -> memref<1x64xi32, #tpu.memory_space<vmem>>
      %dma_start3A_147 = tpu.memref_squeeze %dma_start3A_146 : memref<1x64xi32, #tpu.memory_space<vmem>> -> memref<64xi32, #tpu.memory_space<vmem>>
      %dma_start3A_148 = arith.constant 0 : i32
      %dma_start3A_149 = arith.constant 0 : i32
      %dma_start3A_150 = tpu.memref_slice %arg2[%dma_start3A_148, %dma_start3A_149] : memref<10000x160xbf16, #tpu.memory_space<hbm>> -> memref<10000x160xbf16, #tpu.memory_space<hbm>>
      tpu.enqueue_indirect_dma source(%dma_start3A_150 : memref<10000x160xbf16, #tpu.memory_space<hbm>>) target(%arg9 : memref<64x160xbf16, #tpu.memory_space<vmem>>) offsets(%dma_start3A_147 : memref<64xi32, #tpu.memory_space<vmem>>) semaphore(%arg14 : memref<!tpu.dma_semaphore, #tpu.memory_space<semaphore_mem>>)
      %dma_start3A_151 = arith.constant 0 : i32
      %dma_start3A_152 = tpu.memref_slice %arg8[%add3A_128, %dma_start3A_151] : memref<80x64xi32, #tpu.memory_space<vmem>> -> memref<1x64xi32, #tpu.memory_space<vmem>>
      %dma_start3A_153 = tpu.memref_squeeze %dma_start3A_152 : memref<1x64xi32, #tpu.memory_space<vmem>> -> memref<64xi32, #tpu.memory_space<vmem>>
      %dma_start3A_154 = arith.constant 0 : i32
      %dma_start3A_155 = arith.constant 0 : i32
      %dma_start3A_156 = tpu.memref_slice %arg13[%dma_start3A_154, %dma_start3A_155] : memref<10112x160xbf16, #tpu.memory_space<vmem_shared>> -> memref<10112x160xbf16, #tpu.memory_space<vmem_shared>>
      tpu.enqueue_indirect_dma source(%arg11 : memref<64x160xbf16, #tpu.memory_space<vmem>>) target(%dma_start3A_156 : memref<10112x160xbf16, #tpu.memory_space<vmem_shared>>) offsets(%dma_start3A_153 : memref<64xi32, #tpu.memory_space<vmem>>) semaphore(%arg20 : memref<!tpu.dma_semaphore, #tpu.memory_space<semaphore_mem>>) {add = true}
      %mul3A_157 = arith.constant 4 : i32
      %mul3A_158 = arith.muli %mul3A_157, %add3A_122 : i32
      %add3A_159 = arith.constant 2 : i32
      %add3A_160 = arith.addi %mul3A_158, %add3A_159 : i32
      %add3A_161 = arith.constant 1 : i32
      %add3A_162 = arith.addi %add3A_160, %add3A_161 : i32
      %dma_wait3A_163 = arith.constant 0 : i32
      %dma_wait3A_164 = arith.constant 0 : i32
      %dma_wait3A_165 = tpu.memref_slice %arg7[%dma_wait3A_163, %dma_wait3A_164] : memref<80x64xi32, #tpu.memory_space<vmem>> -> memref<1x64xi32, #tpu.memory_space<vmem>>
      %dma_wait3A_166 = tpu.memref_squeeze %dma_wait3A_165 : memref<1x64xi32, #tpu.memory_space<vmem>> -> memref<64xi32, #tpu.memory_space<vmem>>
      %dma_wait3A_167 = arith.constant 0 : i32
      %dma_wait3A_168 = arith.constant 0 : i32
      %dma_wait3A_169 = tpu.memref_slice %arg2[%dma_wait3A_167, %dma_wait3A_168] : memref<10000x160xbf16, #tpu.memory_space<hbm>> -> memref<10000x160xbf16, #tpu.memory_space<hbm>>
      tpu.wait_indirect_dma semaphore(%arg17 : memref<!tpu.dma_semaphore, #tpu.memory_space<semaphore_mem>>) src(%dma_wait3A_169 : memref<10000x160xbf16, #tpu.memory_space<hbm>>) dst(%arg12 : memref<64x160xbf16, #tpu.memory_space<vmem>>)
      %dma_wait3A_170 = arith.constant 0 : i32
      %dma_wait3A_171 = arith.constant 0 : i32
      %dma_wait3A_172 = tpu.memref_slice %arg8[%dma_wait3A_170, %dma_wait3A_171] : memref<80x64xi32, #tpu.memory_space<vmem>> -> memref<1x64xi32, #tpu.memory_space<vmem>>
      %dma_wait3A_173 = tpu.memref_squeeze %dma_wait3A_172 : memref<1x64xi32, #tpu.memory_space<vmem>> -> memref<64xi32, #tpu.memory_space<vmem>>
      %dma_wait3A_174 = arith.constant 0 : i32
      %dma_wait3A_175 = arith.constant 0 : i32
      %dma_wait3A_176 = tpu.memref_slice %arg13[%dma_wait3A_174, %dma_wait3A_175] : memref<10112x160xbf16, #tpu.memory_space<vmem_shared>> -> memref<10112x160xbf16, #tpu.memory_space<vmem_shared>>
      tpu.wait_indirect_dma semaphore(%arg19 : memref<!tpu.dma_semaphore, #tpu.memory_space<semaphore_mem>>) src(%arg10 : memref<64x160xbf16, #tpu.memory_space<vmem>>) dst(%dma_wait3A_176 : memref<10112x160xbf16, #tpu.memory_space<vmem_shared>>)
      %add3A_177 = arith.constant 2 : i32
      %add3A_178 = arith.addi %add3A_162, %add3A_177 : i32
      %dma_start3A_179 = arith.constant 0 : i32
      %dma_start3A_180 = tpu.memref_slice %arg7[%add3A_178, %dma_start3A_179] : memref<80x64xi32, #tpu.memory_space<vmem>> -> memref<1x64xi32, #tpu.memory_space<vmem>>
      %dma_start3A_181 = tpu.memref_squeeze %dma_start3A_180 : memref<1x64xi32, #tpu.memory_space<vmem>> -> memref<64xi32, #tpu.memory_space<vmem>>
      %dma_start3A_182 = arith.constant 0 : i32
      %dma_start3A_183 = arith.constant 0 : i32
      %dma_start3A_184 = tpu.memref_slice %arg2[%dma_start3A_182, %dma_start3A_183] : memref<10000x160xbf16, #tpu.memory_space<hbm>> -> memref<10000x160xbf16, #tpu.memory_space<hbm>>
      tpu.enqueue_indirect_dma source(%dma_start3A_184 : memref<10000x160xbf16, #tpu.memory_space<hbm>>) target(%arg10 : memref<64x160xbf16, #tpu.memory_space<vmem>>) offsets(%dma_start3A_181 : memref<64xi32, #tpu.memory_space<vmem>>) semaphore(%arg15 : memref<!tpu.dma_semaphore, #tpu.memory_space<semaphore_mem>>)
      %dma_start3A_185 = arith.constant 0 : i32
      %dma_start3A_186 = tpu.memref_slice %arg8[%add3A_162, %dma_start3A_185] : memref<80x64xi32, #tpu.memory_space<vmem>> -> memref<1x64xi32, #tpu.memory_space<vmem>>
      %dma_start3A_187 = tpu.memref_squeeze %dma_start3A_186 : memref<1x64xi32, #tpu.memory_space<vmem>> -> memref<64xi32, #tpu.memory_space<vmem>>
      %dma_start3A_188 = arith.constant 0 : i32
      %dma_start3A_189 = arith.constant 0 : i32
      %dma_start3A_190 = tpu.memref_slice %arg13[%dma_start3A_188, %dma_start3A_189] : memref<10112x160xbf16, #tpu.memory_space<vmem_shared>> -> memref<10112x160xbf16, #tpu.memory_space<vmem_shared>>
      tpu.enqueue_indirect_dma source(%arg12 : memref<64x160xbf16, #tpu.memory_space<vmem>>) target(%dma_start3A_190 : memref<10112x160xbf16, #tpu.memory_space<vmem_shared>>) offsets(%dma_start3A_187 : memref<64xi32, #tpu.memory_space<vmem>>) semaphore(%arg21 : memref<!tpu.dma_semaphore, #tpu.memory_space<semaphore_mem>>) {add = true}
      %mul3A_191 = arith.constant 4 : i32
      %mul3A_192 = arith.muli %mul3A_191, %add3A_122 : i32
      %add3A_193 = arith.constant 2 : i32
      %add3A_194 = arith.addi %mul3A_192, %add3A_193 : i32
      %add3A_195 = arith.constant 2 : i32
      %add3A_196 = arith.addi %add3A_194, %add3A_195 : i32
      %dma_wait3A_197 = arith.constant 0 : i32
      %dma_wait3A_198 = arith.constant 0 : i32
      %dma_wait3A_199 = tpu.memref_slice %arg7[%dma_wait3A_197, %dma_wait3A_198] : memref<80x64xi32, #tpu.memory_space<vmem>> -> memref<1x64xi32, #tpu.memory_space<vmem>>
      %dma_wait3A_200 = tpu.memref_squeeze %dma_wait3A_199 : memref<1x64xi32, #tpu.memory_space<vmem>> -> memref<64xi32, #tpu.memory_space<vmem>>
      %dma_wait3A_201 = arith.constant 0 : i32
      %dma_wait3A_202 = arith.constant 0 : i32
      %dma_wait3A_203 = tpu.memref_slice %arg2[%dma_wait3A_201, %dma_wait3A_202] : memref<10000x160xbf16, #tpu.memory_space<hbm>> -> memref<10000x160xbf16, #tpu.memory_space<hbm>>
      tpu.wait_indirect_dma semaphore(%arg14 : memref<!tpu.dma_semaphore, #tpu.memory_space<semaphore_mem>>) src(%dma_wait3A_203 : memref<10000x160xbf16, #tpu.memory_space<hbm>>) dst(%arg9 : memref<64x160xbf16, #tpu.memory_space<vmem>>)
      %dma_wait3A_204 = arith.constant 0 : i32
      %dma_wait3A_205 = arith.constant 0 : i32
      %dma_wait3A_206 = tpu.memref_slice %arg8[%dma_wait3A_204, %dma_wait3A_205] : memref<80x64xi32, #tpu.memory_space<vmem>> -> memref<1x64xi32, #tpu.memory_space<vmem>>
      %dma_wait3A_207 = tpu.memref_squeeze %dma_wait3A_206 : memref<1x64xi32, #tpu.memory_space<vmem>> -> memref<64xi32, #tpu.memory_space<vmem>>
      %dma_wait3A_208 = arith.constant 0 : i32
      %dma_wait3A_209 = arith.constant 0 : i32
      %dma_wait3A_210 = tpu.memref_slice %arg13[%dma_wait3A_208, %dma_wait3A_209] : memref<10112x160xbf16, #tpu.memory_space<vmem_shared>> -> memref<10112x160xbf16, #tpu.memory_space<vmem_shared>>
      tpu.wait_indirect_dma semaphore(%arg20 : memref<!tpu.dma_semaphore, #tpu.memory_space<semaphore_mem>>) src(%arg11 : memref<64x160xbf16, #tpu.memory_space<vmem>>) dst(%dma_wait3A_210 : memref<10112x160xbf16, #tpu.memory_space<vmem_shared>>)
      %add3A_211 = arith.constant 2 : i32
      %add3A_212 = arith.addi %add3A_196, %add3A_211 : i32
      %dma_start3A_213 = arith.constant 0 : i32
      %dma_start3A_214 = tpu.memref_slice %arg7[%add3A_212, %dma_start3A_213] : memref<80x64xi32, #tpu.memory_space<vmem>> -> memref<1x64xi32, #tpu.memory_space<vmem>>
      %dma_start3A_215 = tpu.memref_squeeze %dma_start3A_214 : memref<1x64xi32, #tpu.memory_space<vmem>> -> memref<64xi32, #tpu.memory_space<vmem>>
      %dma_start3A_216 = arith.constant 0 : i32
      %dma_start3A_217 = arith.constant 0 : i32
      %dma_start3A_218 = tpu.memref_slice %arg2[%dma_start3A_216, %dma_start3A_217] : memref<10000x160xbf16, #tpu.memory_space<hbm>> -> memref<10000x160xbf16, #tpu.memory_space<hbm>>
      tpu.enqueue_indirect_dma source(%dma_start3A_218 : memref<10000x160xbf16, #tpu.memory_space<hbm>>) target(%arg11 : memref<64x160xbf16, #tpu.memory_space<vmem>>) offsets(%dma_start3A_215 : memref<64xi32, #tpu.memory_space<vmem>>) semaphore(%arg16 : memref<!tpu.dma_semaphore, #tpu.memory_space<semaphore_mem>>)
      %dma_start3A_219 = arith.constant 0 : i32
      %dma_start3A_220 = tpu.memref_slice %arg8[%add3A_196, %dma_start3A_219] : memref<80x64xi32, #tpu.memory_space<vmem>> -> memref<1x64xi32, #tpu.memory_space<vmem>>
      %dma_start3A_221 = tpu.memref_squeeze %dma_start3A_220 : memref<1x64xi32, #tpu.memory_space<vmem>> -> memref<64xi32, #tpu.memory_space<vmem>>
      %dma_start3A_222 = arith.constant 0 : i32
      %dma_start3A_223 = arith.constant 0 : i32
      %dma_start3A_224 = tpu.memref_slice %arg13[%dma_start3A_222, %dma_start3A_223] : memref<10112x160xbf16, #tpu.memory_space<vmem_shared>> -> memref<10112x160xbf16, #tpu.memory_space<vmem_shared>>
      tpu.enqueue_indirect_dma source(%arg9 : memref<64x160xbf16, #tpu.memory_space<vmem>>) target(%dma_start3A_224 : memref<10112x160xbf16, #tpu.memory_space<vmem_shared>>) offsets(%dma_start3A_221 : memref<64xi32, #tpu.memory_space<vmem>>) semaphore(%arg18 : memref<!tpu.dma_semaphore, #tpu.memory_space<semaphore_mem>>) {add = true}
      %mul3A_225 = arith.constant 4 : i32
      %mul3A_226 = arith.muli %mul3A_225, %add3A_122 : i32
      %add3A_227 = arith.constant 2 : i32
      %add3A_228 = arith.addi %mul3A_226, %add3A_227 : i32
      %add3A_229 = arith.constant 3 : i32
      %add3A_230 = arith.addi %add3A_228, %add3A_229 : i32
      %dma_wait3A_231 = arith.constant 0 : i32
      %dma_wait3A_232 = arith.constant 0 : i32
      %dma_wait3A_233 = tpu.memref_slice %arg7[%dma_wait3A_231, %dma_wait3A_232] : memref<80x64xi32, #tpu.memory_space<vmem>> -> memref<1x64xi32, #tpu.memory_space<vmem>>
      %dma_wait3A_234 = tpu.memref_squeeze %dma_wait3A_233 : memref<1x64xi32, #tpu.memory_space<vmem>> -> memref<64xi32, #tpu.memory_space<vmem>>
      %dma_wait3A_235 = arith.constant 0 : i32
      %dma_wait3A_236 = arith.constant 0 : i32
      %dma_wait3A_237 = tpu.memref_slice %arg2[%dma_wait3A_235, %dma_wait3A_236] : memref<10000x160xbf16, #tpu.memory_space<hbm>> -> memref<10000x160xbf16, #tpu.memory_space<hbm>>
      tpu.wait_indirect_dma semaphore(%arg15 : memref<!tpu.dma_semaphore, #tpu.memory_space<semaphore_mem>>) src(%dma_wait3A_237 : memref<10000x160xbf16, #tpu.memory_space<hbm>>) dst(%arg10 : memref<64x160xbf16, #tpu.memory_space<vmem>>)
      %dma_wait3A_238 = arith.constant 0 : i32
      %dma_wait3A_239 = arith.constant 0 : i32
      %dma_wait3A_240 = tpu.memref_slice %arg8[%dma_wait3A_238, %dma_wait3A_239] : memref<80x64xi32, #tpu.memory_space<vmem>> -> memref<1x64xi32, #tpu.memory_space<vmem>>
      %dma_wait3A_241 = tpu.memref_squeeze %dma_wait3A_240 : memref<1x64xi32, #tpu.memory_space<vmem>> -> memref<64xi32, #tpu.memory_space<vmem>>
      %dma_wait3A_242 = arith.constant 0 : i32
      %dma_wait3A_243 = arith.constant 0 : i32
      %dma_wait3A_244 = tpu.memref_slice %arg13[%dma_wait3A_242, %dma_wait3A_243] : memref<10112x160xbf16, #tpu.memory_space<vmem_shared>> -> memref<10112x160xbf16, #tpu.memory_space<vmem_shared>>
      tpu.wait_indirect_dma semaphore(%arg21 : memref<!tpu.dma_semaphore, #tpu.memory_space<semaphore_mem>>) src(%arg12 : memref<64x160xbf16, #tpu.memory_space<vmem>>) dst(%dma_wait3A_244 : memref<10112x160xbf16, #tpu.memory_space<vmem_shared>>)
      %add3A_245 = arith.constant 2 : i32
      %add3A_246 = arith.addi %add3A_230, %add3A_245 : i32
      %dma_start3A_247 = arith.constant 0 : i32
      %dma_start3A_248 = tpu.memref_slice %arg7[%add3A_246, %dma_start3A_247] : memref<80x64xi32, #tpu.memory_space<vmem>> -> memref<1x64xi32, #tpu.memory_space<vmem>>
      %dma_start3A_249 = tpu.memref_squeeze %dma_start3A_248 : memref<1x64xi32, #tpu.memory_space<vmem>> -> memref<64xi32, #tpu.memory_space<vmem>>
      %dma_start3A_250 = arith.constant 0 : i32
      %dma_start3A_251 = arith.constant 0 : i32
      %dma_start3A_252 = tpu.memref_slice %arg2[%dma_start3A_250, %dma_start3A_251] : memref<10000x160xbf16, #tpu.memory_space<hbm>> -> memref<10000x160xbf16, #tpu.memory_space<hbm>>
      tpu.enqueue_indirect_dma source(%dma_start3A_252 : memref<10000x160xbf16, #tpu.memory_space<hbm>>) target(%arg12 : memref<64x160xbf16, #tpu.memory_space<vmem>>) offsets(%dma_start3A_249 : memref<64xi32, #tpu.memory_space<vmem>>) semaphore(%arg17 : memref<!tpu.dma_semaphore, #tpu.memory_space<semaphore_mem>>)
      %dma_start3A_253 = arith.constant 0 : i32
      %dma_start3A_254 = tpu.memref_slice %arg8[%add3A_230, %dma_start3A_253] : memref<80x64xi32, #tpu.memory_space<vmem>> -> memref<1x64xi32, #tpu.memory_space<vmem>>
      %dma_start3A_255 = tpu.memref_squeeze %dma_start3A_254 : memref<1x64xi32, #tpu.memory_space<vmem>> -> memref<64xi32, #tpu.memory_space<vmem>>
      %dma_start3A_256 = arith.constant 0 : i32
      %dma_start3A_257 = arith.constant 0 : i32
      %dma_start3A_258 = tpu.memref_slice %arg13[%dma_start3A_256, %dma_start3A_257] : memref<10112x160xbf16, #tpu.memory_space<vmem_shared>> -> memref<10112x160xbf16, #tpu.memory_space<vmem_shared>>
      tpu.enqueue_indirect_dma source(%arg10 : memref<64x160xbf16, #tpu.memory_space<vmem>>) target(%dma_start3A_258 : memref<10112x160xbf16, #tpu.memory_space<vmem_shared>>) offsets(%dma_start3A_255 : memref<64xi32, #tpu.memory_space<vmem>>) semaphore(%arg19 : memref<!tpu.dma_semaphore, #tpu.memory_space<semaphore_mem>>) {add = true}
    }
    %scan3A_60 = arith.constant 19 : i32
    %dma_wait3A_61 = arith.constant 0 : i32
    %dma_wait3A_62 = arith.constant 0 : i32
    %dma_wait3A_63 = tpu.memref_slice %arg7[%dma_wait3A_61, %dma_wait3A_62] : memref<80x64xi32, #tpu.memory_space<vmem>> -> memref<1x64xi32, #tpu.memory_space<vmem>>
    %dma_wait3A_64 = tpu.memref_squeeze %dma_wait3A_63 : memref<1x64xi32, #tpu.memory_space<vmem>> -> memref<64xi32, #tpu.memory_space<vmem>>
    %dma_wait3A_65 = arith.constant 0 : i32
    %dma_wait3A_66 = arith.constant 0 : i32
    %dma_wait3A_67 = tpu.memref_slice %arg2[%dma_wait3A_65, %dma_wait3A_66] : memref<10000x160xbf16, #tpu.memory_space<hbm>> -> memref<10000x160xbf16, #tpu.memory_space<hbm>>
    tpu.wait_indirect_dma semaphore(%arg16 : memref<!tpu.dma_semaphore, #tpu.memory_space<semaphore_mem>>) src(%dma_wait3A_67 : memref<10000x160xbf16, #tpu.memory_space<hbm>>) dst(%arg11 : memref<64x160xbf16, #tpu.memory_space<vmem>>)
    %dma_start3A_68 = arith.constant 78 : i32
    %dma_start3A_69 = arith.constant 0 : i32
    %dma_start3A_70 = tpu.memref_slice %arg8[%dma_start3A_68, %dma_start3A_69] : memref<80x64xi32, #tpu.memory_space<vmem>> -> memref<1x64xi32, #tpu.memory_space<vmem>>
    %dma_start3A_71 = tpu.memref_squeeze %dma_start3A_70 : memref<1x64xi32, #tpu.memory_space<vmem>> -> memref<64xi32, #tpu.memory_space<vmem>>
    %dma_start3A_72 = arith.constant 0 : i32
    %dma_start3A_73 = arith.constant 0 : i32
    %dma_start3A_74 = tpu.memref_slice %arg13[%dma_start3A_72, %dma_start3A_73] : memref<10112x160xbf16, #tpu.memory_space<vmem_shared>> -> memref<10112x160xbf16, #tpu.memory_space<vmem_shared>>
    tpu.enqueue_indirect_dma source(%arg11 : memref<64x160xbf16, #tpu.memory_space<vmem>>) target(%dma_start3A_74 : memref<10112x160xbf16, #tpu.memory_space<vmem_shared>>) offsets(%dma_start3A_71 : memref<64xi32, #tpu.memory_space<vmem>>) semaphore(%arg20 : memref<!tpu.dma_semaphore, #tpu.memory_space<semaphore_mem>>) {add = true}
    %dma_wait3A_75 = arith.constant 0 : i32
    %dma_wait3A_76 = arith.constant 0 : i32
    %dma_wait3A_77 = tpu.memref_slice %arg7[%dma_wait3A_75, %dma_wait3A_76] : memref<80x64xi32, #tpu.memory_space<vmem>> -> memref<1x64xi32, #tpu.memory_space<vmem>>
    %dma_wait3A_78 = tpu.memref_squeeze %dma_wait3A_77 : memref<1x64xi32, #tpu.memory_space<vmem>> -> memref<64xi32, #tpu.memory_space<vmem>>
    %dma_wait3A_79 = arith.constant 0 : i32
    %dma_wait3A_80 = arith.constant 0 : i32
    %dma_wait3A_81 = tpu.memref_slice %arg2[%dma_wait3A_79, %dma_wait3A_80] : memref<10000x160xbf16, #tpu.memory_space<hbm>> -> memref<10000x160xbf16, #tpu.memory_space<hbm>>
    tpu.wait_indirect_dma semaphore(%arg17 : memref<!tpu.dma_semaphore, #tpu.memory_space<semaphore_mem>>) src(%dma_wait3A_81 : memref<10000x160xbf16, #tpu.memory_space<hbm>>) dst(%arg12 : memref<64x160xbf16, #tpu.memory_space<vmem>>)
    %dma_start3A_82 = arith.constant 79 : i32
    %dma_start3A_83 = arith.constant 0 : i32
    %dma_start3A_84 = tpu.memref_slice %arg8[%dma_start3A_82, %dma_start3A_83] : memref<80x64xi32, #tpu.memory_space<vmem>> -> memref<1x64xi32, #tpu.memory_space<vmem>>
    %dma_start3A_85 = tpu.memref_squeeze %dma_start3A_84 : memref<1x64xi32, #tpu.memory_space<vmem>> -> memref<64xi32, #tpu.memory_space<vmem>>
    %dma_start3A_86 = arith.constant 0 : i32
    %dma_start3A_87 = arith.constant 0 : i32
    %dma_start3A_88 = tpu.memref_slice %arg13[%dma_start3A_86, %dma_start3A_87] : memref<10112x160xbf16, #tpu.memory_space<vmem_shared>> -> memref<10112x160xbf16, #tpu.memory_space<vmem_shared>>
    tpu.enqueue_indirect_dma source(%arg12 : memref<64x160xbf16, #tpu.memory_space<vmem>>) target(%dma_start3A_88 : memref<10112x160xbf16, #tpu.memory_space<vmem_shared>>) offsets(%dma_start3A_85 : memref<64xi32, #tpu.memory_space<vmem>>) semaphore(%arg21 : memref<!tpu.dma_semaphore, #tpu.memory_space<semaphore_mem>>) {add = true}
    %dma_wait3A_89 = arith.constant 0 : i32
    %dma_wait3A_90 = arith.constant 0 : i32
    %dma_wait3A_91 = tpu.memref_slice %arg8[%dma_wait3A_89, %dma_wait3A_90] : memref<80x64xi32, #tpu.memory_space<vmem>> -> memref<1x64xi32, #tpu.memory_space<vmem>>
    %dma_wait3A_92 = tpu.memref_squeeze %dma_wait3A_91 : memref<1x64xi32, #tpu.memory_space<vmem>> -> memref<64xi32, #tpu.memory_space<vmem>>
    %dma_wait3A_93 = arith.constant 0 : i32
    %dma_wait3A_94 = arith.constant 0 : i32
    %dma_wait3A_95 = tpu.memref_slice %arg13[%dma_wait3A_93, %dma_wait3A_94] : memref<10112x160xbf16, #tpu.memory_space<vmem_shared>> -> memref<10112x160xbf16, #tpu.memory_space<vmem_shared>>
    tpu.wait_indirect_dma semaphore(%arg18 : memref<!tpu.dma_semaphore, #tpu.memory_space<semaphore_mem>>) src(%arg9 : memref<64x160xbf16, #tpu.memory_space<vmem>>) dst(%dma_wait3A_95 : memref<10112x160xbf16, #tpu.memory_space<vmem_shared>>)
    %dma_wait3A_96 = arith.constant 0 : i32
    %dma_wait3A_97 = arith.constant 0 : i32
    %dma_wait3A_98 = tpu.memref_slice %arg8[%dma_wait3A_96, %dma_wait3A_97] : memref<80x64xi32, #tpu.memory_space<vmem>> -> memref<1x64xi32, #tpu.memory_space<vmem>>
    %dma_wait3A_99 = tpu.memref_squeeze %dma_wait3A_98 : memref<1x64xi32, #tpu.memory_space<vmem>> -> memref<64xi32, #tpu.memory_space<vmem>>
    %dma_wait3A_100 = arith.constant 0 : i32
    %dma_wait3A_101 = arith.constant 0 : i32
    %dma_wait3A_102 = tpu.memref_slice %arg13[%dma_wait3A_100, %dma_wait3A_101] : memref<10112x160xbf16, #tpu.memory_space<vmem_shared>> -> memref<10112x160xbf16, #tpu.memory_space<vmem_shared>>
    tpu.wait_indirect_dma semaphore(%arg19 : memref<!tpu.dma_semaphore, #tpu.memory_space<semaphore_mem>>) src(%arg10 : memref<64x160xbf16, #tpu.memory_space<vmem>>) dst(%dma_wait3A_102 : memref<10112x160xbf16, #tpu.memory_space<vmem_shared>>)
    %dma_wait3A_103 = arith.constant 0 : i32
    %dma_wait3A_104 = arith.constant 0 : i32
    %dma_wait3A_105 = tpu.memref_slice %arg8[%dma_wait3A_103, %dma_wait3A_104] : memref<80x64xi32, #tpu.memory_space<vmem>> -> memref<1x64xi32, #tpu.memory_space<vmem>>
    %dma_wait3A_106 = tpu.memref_squeeze %dma_wait3A_105 : memref<1x64xi32, #tpu.memory_space<vmem>> -> memref<64xi32, #tpu.memory_space<vmem>>
    %dma_wait3A_107 = arith.constant 0 : i32
    %dma_wait3A_108 = arith.constant 0 : i32
    %dma_wait3A_109 = tpu.memref_slice %arg13[%dma_wait3A_107, %dma_wait3A_108] : memref<10112x160xbf16, #tpu.memory_space<vmem_shared>> -> memref<10112x160xbf16, #tpu.memory_space<vmem_shared>>
    tpu.wait_indirect_dma semaphore(%arg20 : memref<!tpu.dma_semaphore, #tpu.memory_space<semaphore_mem>>) src(%arg11 : memref<64x160xbf16, #tpu.memory_space<vmem>>) dst(%dma_wait3A_109 : memref<10112x160xbf16, #tpu.memory_space<vmem_shared>>)
    %dma_wait3A_110 = arith.constant 0 : i32
    %dma_wait3A_111 = arith.constant 0 : i32
    %dma_wait3A_112 = tpu.memref_slice %arg8[%dma_wait3A_110, %dma_wait3A_111] : memref<80x64xi32, #tpu.memory_space<vmem>> -> memref<1x64xi32, #tpu.memory_space<vmem>>
    %dma_wait3A_113 = tpu.memref_squeeze %dma_wait3A_112 : memref<1x64xi32, #tpu.memory_space<vmem>> -> memref<64xi32, #tpu.memory_space<vmem>>
    %dma_wait3A_114 = arith.constant 0 : i32
    %dma_wait3A_115 = arith.constant 0 : i32
    %dma_wait3A_116 = tpu.memref_slice %arg13[%dma_wait3A_114, %dma_wait3A_115] : memref<10112x160xbf16, #tpu.memory_space<vmem_shared>> -> memref<10112x160xbf16, #tpu.memory_space<vmem_shared>>
    tpu.wait_indirect_dma semaphore(%arg21 : memref<!tpu.dma_semaphore, #tpu.memory_space<semaphore_mem>>) src(%arg12 : memref<64x160xbf16, #tpu.memory_space<vmem>>) dst(%dma_wait3A_116 : memref<10112x160xbf16, #tpu.memory_space<vmem_shared>>)
    %barrier3A_117 = arith.constant 0 : index
    tpu.barrier barrier_id(%barrier3A_117)
    "tpu.region"() ({
      %run_scoped3A = tpu.sem_alloc : memref<!tpu.dma_semaphore, #tpu.memory_space<semaphore_mem>>
      %dma_start3A_118 = arith.constant 0 : i32
      %dma_start3A_119 = tpu.memref_slice %arg6[%arg0, %mul3A_2, %dma_start3A_118] : memref<2x10112x160xbf16, #tpu.memory_space<hbm>> -> memref<1x632x160xbf16, #tpu.memory_space<hbm>>
      %dma_start3A_120 = tpu.memref_squeeze %dma_start3A_119 : memref<1x632x160xbf16, #tpu.memory_space<hbm>> -> memref<632x160xbf16, #tpu.memory_space<hbm>>
      %dma_start3A_121 = arith.constant 0 : i32
      %dma_start3A_122 = tpu.memref_slice %arg13[%mul3A_2, %dma_start3A_121] : memref<10112x160xbf16, #tpu.memory_space<vmem_shared>> -> memref<632x160xbf16, #tpu.memory_space<vmem_shared>>
      tpu.enqueue_dma source(%dma_start3A_122 : memref<632x160xbf16, #tpu.memory_space<vmem_shared>>) target(%dma_start3A_120 : memref<632x160xbf16, #tpu.memory_space<hbm>>) target_semaphore(%run_scoped3A : memref<!tpu.dma_semaphore, #tpu.memory_space<semaphore_mem>>)
      %dma_wait3A_123 = arith.constant 0 : i32
      %dma_wait3A_124 = tpu.memref_slice %arg6[%arg0, %mul3A_2, %dma_wait3A_123] : memref<2x10112x160xbf16, #tpu.memory_space<hbm>> -> memref<1x632x160xbf16, #tpu.memory_space<hbm>>
      %dma_wait3A_125 = tpu.memref_squeeze %dma_wait3A_124 : memref<1x632x160xbf16, #tpu.memory_space<hbm>> -> memref<632x160xbf16, #tpu.memory_space<hbm>>
      %dma_wait3A_126 = arith.constant 0 : i32
      %dma_wait3A_127 = tpu.memref_slice %arg13[%mul3A_2, %dma_wait3A_126] : memref<10112x160xbf16, #tpu.memory_space<vmem_shared>> -> memref<632x160xbf16, #tpu.memory_space<vmem_shared>>
      tpu.wait_dma2 semaphore(%run_scoped3A : memref<!tpu.dma_semaphore, #tpu.memory_space<semaphore_mem>>) src(%dma_wait3A_127 : memref<632x160xbf16, #tpu.memory_space<vmem_shared>>) dst(%dma_wait3A_125 : memref<632x160xbf16, #tpu.memory_space<hbm>>)
      tpu.yield
    }) : () -> ()
    return
  }
}

#map = affine_map<(d0, d1) -> (0, 0)>
#map1 = affine_map<(d0, d1) -> (0, 0, 0)>
module attributes {stable_mosaic.version = 14 : i64} {
  func.func @segsum(%arg0: i32, %arg1: i32, %arg2: memref<10000x128xbf16, #tpu.memory_space<hbm>>, %arg3: memref<32x40x128xi32, #tpu.memory_space<hbm>>, %arg4: memref<32x40x128xi32, #tpu.memory_space<hbm>>, %arg5: memref<10112x128xbf16, #tpu.memory_space<hbm>>, %arg6: memref<2x10112x128xbf16, #tpu.memory_space<hbm>>, %arg7: memref<40x128xi32, #tpu.memory_space<vmem>>, %arg8: memref<40x128xi32, #tpu.memory_space<vmem>>, %arg9: memref<128x128xbf16, #tpu.memory_space<vmem>>, %arg10: memref<128x128xbf16, #tpu.memory_space<vmem>>, %arg11: memref<128x128xbf16, #tpu.memory_space<vmem>>, %arg12: memref<128x128xbf16, #tpu.memory_space<vmem>>, %arg13: memref<10112x128xbf16, #tpu.memory_space<vmem_shared>>, %arg14: memref<!tpu.dma_semaphore, #tpu.memory_space<semaphore_mem>>, %arg15: memref<!tpu.dma_semaphore, #tpu.memory_space<semaphore_mem>>, %arg16: memref<!tpu.dma_semaphore, #tpu.memory_space<semaphore_mem>>, %arg17: memref<!tpu.dma_semaphore, #tpu.memory_space<semaphore_mem>>, %arg18: memref<!tpu.dma_semaphore, #tpu.memory_space<semaphore_mem>>, %arg19: memref<!tpu.dma_semaphore, #tpu.memory_space<semaphore_mem>>, %arg20: memref<!tpu.dma_semaphore, #tpu.memory_space<semaphore_mem>>, %arg21: memref<!tpu.dma_semaphore, #tpu.memory_space<semaphore_mem>>) attributes {dimension_semantics = [#tpu.dimension_semantics<core_parallel>, #tpu.dimension_semantics<subcore_parallel>], iteration_bounds = array<i64: 2, 16>, scalar_prefetch = 0 : i64, scratch_operands = 15 : i64, tpu.core_type = #tpu.core_type<sc_vector_subcore>, window_params = [{transform_indices = #map}, {transform_indices = #map1}, {transform_indices = #map1}, {transform_indices = #map}, {transform_indices = #map1}]} {
    %mul3A = arith.constant 2 : i32
    %mul3A_0 = arith.muli %arg1, %mul3A : i32
    %add3A = arith.addi %mul3A_0, %arg0 : i32
    %mul3A_1 = arith.constant 632 : i32
    %mul3A_2 = arith.muli %arg1, %mul3A_1 : i32
    "tpu.region"() ({
      %run_scoped3A = tpu.sem_alloc : memref<!tpu.dma_semaphore, #tpu.memory_space<semaphore_mem>>
      %dma_start3A_118 = arith.constant 0 : i32
      %dma_start3A_119 = arith.constant 0 : i32
      %dma_start3A_120 = tpu.memref_slice %arg3[%add3A, %dma_start3A_118, %dma_start3A_119] : memref<32x40x128xi32, #tpu.memory_space<hbm>> -> memref<1x40x128xi32, #tpu.memory_space<hbm>>
      %dma_start3A_121 = tpu.memref_squeeze %dma_start3A_120 : memref<1x40x128xi32, #tpu.memory_space<hbm>> -> memref<40x128xi32, #tpu.memory_space<hbm>>
      %dma_start3A_122 = arith.constant 0 : i32
      %dma_start3A_123 = arith.constant 0 : i32
      %dma_start3A_124 = tpu.memref_slice %arg3[%add3A, %dma_start3A_122, %dma_start3A_123] : memref<32x40x128xi32, #tpu.memory_space<hbm>> -> memref<1x40x128xi32, #tpu.memory_space<hbm>>
      %dma_start3A_125 = tpu.memref_squeeze %dma_start3A_124 : memref<1x40x128xi32, #tpu.memory_space<hbm>> -> memref<40x128xi32, #tpu.memory_space<hbm>>
      tpu.enqueue_dma source(%dma_start3A_125 : memref<40x128xi32, #tpu.memory_space<hbm>>) target(%arg7 : memref<40x128xi32, #tpu.memory_space<vmem>>) target_semaphore(%run_scoped3A : memref<!tpu.dma_semaphore, #tpu.memory_space<semaphore_mem>>)
      %dma_wait3A_126 = arith.constant 0 : i32
      %dma_wait3A_127 = arith.constant 0 : i32
      %dma_wait3A_128 = tpu.memref_slice %arg3[%add3A, %dma_wait3A_126, %dma_wait3A_127] : memref<32x40x128xi32, #tpu.memory_space<hbm>> -> memref<1x40x128xi32, #tpu.memory_space<hbm>>
      %dma_wait3A_129 = tpu.memref_squeeze %dma_wait3A_128 : memref<1x40x128xi32, #tpu.memory_space<hbm>> -> memref<40x128xi32, #tpu.memory_space<hbm>>
      %dma_wait3A_130 = arith.constant 0 : i32
      %dma_wait3A_131 = arith.constant 0 : i32
      %dma_wait3A_132 = tpu.memref_slice %arg3[%add3A, %dma_wait3A_130, %dma_wait3A_131] : memref<32x40x128xi32, #tpu.memory_space<hbm>> -> memref<1x40x128xi32, #tpu.memory_space<hbm>>
      %dma_wait3A_133 = tpu.memref_squeeze %dma_wait3A_132 : memref<1x40x128xi32, #tpu.memory_space<hbm>> -> memref<40x128xi32, #tpu.memory_space<hbm>>
      tpu.wait_dma2 semaphore(%run_scoped3A : memref<!tpu.dma_semaphore, #tpu.memory_space<semaphore_mem>>) src(%dma_wait3A_133 : memref<40x128xi32, #tpu.memory_space<hbm>>) dst(%arg7 : memref<40x128xi32, #tpu.memory_space<vmem>>)
      tpu.yield
    }) : () -> ()
    "tpu.region"() ({
      %run_scoped3A = tpu.sem_alloc : memref<!tpu.dma_semaphore, #tpu.memory_space<semaphore_mem>>
      %dma_start3A_118 = arith.constant 0 : i32
      %dma_start3A_119 = arith.constant 0 : i32
      %dma_start3A_120 = tpu.memref_slice %arg4[%add3A, %dma_start3A_118, %dma_start3A_119] : memref<32x40x128xi32, #tpu.memory_space<hbm>> -> memref<1x40x128xi32, #tpu.memory_space<hbm>>
      %dma_start3A_121 = tpu.memref_squeeze %dma_start3A_120 : memref<1x40x128xi32, #tpu.memory_space<hbm>> -> memref<40x128xi32, #tpu.memory_space<hbm>>
      %dma_start3A_122 = arith.constant 0 : i32
      %dma_start3A_123 = arith.constant 0 : i32
      %dma_start3A_124 = tpu.memref_slice %arg4[%add3A, %dma_start3A_122, %dma_start3A_123] : memref<32x40x128xi32, #tpu.memory_space<hbm>> -> memref<1x40x128xi32, #tpu.memory_space<hbm>>
      %dma_start3A_125 = tpu.memref_squeeze %dma_start3A_124 : memref<1x40x128xi32, #tpu.memory_space<hbm>> -> memref<40x128xi32, #tpu.memory_space<hbm>>
      tpu.enqueue_dma source(%dma_start3A_125 : memref<40x128xi32, #tpu.memory_space<hbm>>) target(%arg8 : memref<40x128xi32, #tpu.memory_space<vmem>>) target_semaphore(%run_scoped3A : memref<!tpu.dma_semaphore, #tpu.memory_space<semaphore_mem>>)
      %dma_wait3A_126 = arith.constant 0 : i32
      %dma_wait3A_127 = arith.constant 0 : i32
      %dma_wait3A_128 = tpu.memref_slice %arg4[%add3A, %dma_wait3A_126, %dma_wait3A_127] : memref<32x40x128xi32, #tpu.memory_space<hbm>> -> memref<1x40x128xi32, #tpu.memory_space<hbm>>
      %dma_wait3A_129 = tpu.memref_squeeze %dma_wait3A_128 : memref<1x40x128xi32, #tpu.memory_space<hbm>> -> memref<40x128xi32, #tpu.memory_space<hbm>>
      %dma_wait3A_130 = arith.constant 0 : i32
      %dma_wait3A_131 = arith.constant 0 : i32
      %dma_wait3A_132 = tpu.memref_slice %arg4[%add3A, %dma_wait3A_130, %dma_wait3A_131] : memref<32x40x128xi32, #tpu.memory_space<hbm>> -> memref<1x40x128xi32, #tpu.memory_space<hbm>>
      %dma_wait3A_133 = tpu.memref_squeeze %dma_wait3A_132 : memref<1x40x128xi32, #tpu.memory_space<hbm>> -> memref<40x128xi32, #tpu.memory_space<hbm>>
      tpu.wait_dma2 semaphore(%run_scoped3A : memref<!tpu.dma_semaphore, #tpu.memory_space<semaphore_mem>>) src(%dma_wait3A_133 : memref<40x128xi32, #tpu.memory_space<hbm>>) dst(%arg8 : memref<40x128xi32, #tpu.memory_space<vmem>>)
      tpu.yield
    }) : () -> ()
    "tpu.region"() ({
      %run_scoped3A = tpu.sem_alloc : memref<!tpu.dma_semaphore, #tpu.memory_space<semaphore_mem>>
      %dma_start3A_118 = arith.constant 0 : i32
      %dma_start3A_119 = tpu.memref_slice %arg13[%mul3A_2, %dma_start3A_118] : memref<10112x128xbf16, #tpu.memory_space<vmem_shared>> -> memref<632x128xbf16, #tpu.memory_space<vmem_shared>>
      %dma_start3A_120 = arith.constant 0 : i32
      %dma_start3A_121 = tpu.memref_slice %arg5[%mul3A_2, %dma_start3A_120] : memref<10112x128xbf16, #tpu.memory_space<hbm>> -> memref<632x128xbf16, #tpu.memory_space<hbm>>
      tpu.enqueue_dma source(%dma_start3A_121 : memref<632x128xbf16, #tpu.memory_space<hbm>>) target(%dma_start3A_119 : memref<632x128xbf16, #tpu.memory_space<vmem_shared>>) target_semaphore(%run_scoped3A : memref<!tpu.dma_semaphore, #tpu.memory_space<semaphore_mem>>)
      %dma_wait3A_122 = arith.constant 0 : i32
      %dma_wait3A_123 = tpu.memref_slice %arg13[%mul3A_2, %dma_wait3A_122] : memref<10112x128xbf16, #tpu.memory_space<vmem_shared>> -> memref<632x128xbf16, #tpu.memory_space<vmem_shared>>
      %dma_wait3A_124 = arith.constant 0 : i32
      %dma_wait3A_125 = tpu.memref_slice %arg5[%mul3A_2, %dma_wait3A_124] : memref<10112x128xbf16, #tpu.memory_space<hbm>> -> memref<632x128xbf16, #tpu.memory_space<hbm>>
      tpu.wait_dma2 semaphore(%run_scoped3A : memref<!tpu.dma_semaphore, #tpu.memory_space<semaphore_mem>>) src(%dma_wait3A_125 : memref<632x128xbf16, #tpu.memory_space<hbm>>) dst(%dma_wait3A_123 : memref<632x128xbf16, #tpu.memory_space<vmem_shared>>)
      tpu.yield
    }) : () -> ()
    %barrier3A = arith.constant 0 : index
    tpu.barrier barrier_id(%barrier3A)
    %dma_start3A = arith.constant 0 : i32
    %dma_start3A_3 = arith.constant 0 : i32
    %dma_start3A_4 = tpu.memref_slice %arg7[%dma_start3A, %dma_start3A_3] : memref<40x128xi32, #tpu.memory_space<vmem>> -> memref<1x128xi32, #tpu.memory_space<vmem>>
    %dma_start3A_5 = tpu.memref_squeeze %dma_start3A_4 : memref<1x128xi32, #tpu.memory_space<vmem>> -> memref<128xi32, #tpu.memory_space<vmem>>
    %dma_start3A_6 = arith.constant 0 : i32
    %dma_start3A_7 = arith.constant 0 : i32
    %dma_start3A_8 = tpu.memref_slice %arg2[%dma_start3A_6, %dma_start3A_7] : memref<10000x128xbf16, #tpu.memory_space<hbm>> -> memref<10000x128xbf16, #tpu.memory_space<hbm>>
    tpu.enqueue_indirect_dma source(%dma_start3A_8 : memref<10000x128xbf16, #tpu.memory_space<hbm>>) target(%arg9 : memref<128x128xbf16, #tpu.memory_space<vmem>>) offsets(%dma_start3A_5 : memref<128xi32, #tpu.memory_space<vmem>>) semaphore(%arg14 : memref<!tpu.dma_semaphore, #tpu.memory_space<semaphore_mem>>)
    %dma_start3A_9 = arith.constant 1 : i32
    %dma_start3A_10 = arith.constant 0 : i32
    %dma_start3A_11 = tpu.memref_slice %arg7[%dma_start3A_9, %dma_start3A_10] : memref<40x128xi32, #tpu.memory_space<vmem>> -> memref<1x128xi32, #tpu.memory_space<vmem>>
    %dma_start3A_12 = tpu.memref_squeeze %dma_start3A_11 : memref<1x128xi32, #tpu.memory_space<vmem>> -> memref<128xi32, #tpu.memory_space<vmem>>
    %dma_start3A_13 = arith.constant 0 : i32
    %dma_start3A_14 = arith.constant 0 : i32
    %dma_start3A_15 = tpu.memref_slice %arg2[%dma_start3A_13, %dma_start3A_14] : memref<10000x128xbf16, #tpu.memory_space<hbm>> -> memref<10000x128xbf16, #tpu.memory_space<hbm>>
    tpu.enqueue_indirect_dma source(%dma_start3A_15 : memref<10000x128xbf16, #tpu.memory_space<hbm>>) target(%arg10 : memref<128x128xbf16, #tpu.memory_space<vmem>>) offsets(%dma_start3A_12 : memref<128xi32, #tpu.memory_space<vmem>>) semaphore(%arg15 : memref<!tpu.dma_semaphore, #tpu.memory_space<semaphore_mem>>)
    %dma_wait3A = arith.constant 0 : i32
    %dma_wait3A_16 = arith.constant 0 : i32
    %dma_wait3A_17 = tpu.memref_slice %arg7[%dma_wait3A, %dma_wait3A_16] : memref<40x128xi32, #tpu.memory_space<vmem>> -> memref<1x128xi32, #tpu.memory_space<vmem>>
    %dma_wait3A_18 = tpu.memref_squeeze %dma_wait3A_17 : memref<1x128xi32, #tpu.memory_space<vmem>> -> memref<128xi32, #tpu.memory_space<vmem>>
    %dma_wait3A_19 = arith.constant 0 : i32
    %dma_wait3A_20 = arith.constant 0 : i32
    %dma_wait3A_21 = tpu.memref_slice %arg2[%dma_wait3A_19, %dma_wait3A_20] : memref<10000x128xbf16, #tpu.memory_space<hbm>> -> memref<10000x128xbf16, #tpu.memory_space<hbm>>
    tpu.wait_indirect_dma semaphore(%arg14 : memref<!tpu.dma_semaphore, #tpu.memory_space<semaphore_mem>>) src(%dma_wait3A_21 : memref<10000x128xbf16, #tpu.memory_space<hbm>>) dst(%arg9 : memref<128x128xbf16, #tpu.memory_space<vmem>>)
    %dma_start3A_22 = arith.constant 2 : i32
    %dma_start3A_23 = arith.constant 0 : i32
    %dma_start3A_24 = tpu.memref_slice %arg7[%dma_start3A_22, %dma_start3A_23] : memref<40x128xi32, #tpu.memory_space<vmem>> -> memref<1x128xi32, #tpu.memory_space<vmem>>
    %dma_start3A_25 = tpu.memref_squeeze %dma_start3A_24 : memref<1x128xi32, #tpu.memory_space<vmem>> -> memref<128xi32, #tpu.memory_space<vmem>>
    %dma_start3A_26 = arith.constant 0 : i32
    %dma_start3A_27 = arith.constant 0 : i32
    %dma_start3A_28 = tpu.memref_slice %arg2[%dma_start3A_26, %dma_start3A_27] : memref<10000x128xbf16, #tpu.memory_space<hbm>> -> memref<10000x128xbf16, #tpu.memory_space<hbm>>
    tpu.enqueue_indirect_dma source(%dma_start3A_28 : memref<10000x128xbf16, #tpu.memory_space<hbm>>) target(%arg11 : memref<128x128xbf16, #tpu.memory_space<vmem>>) offsets(%dma_start3A_25 : memref<128xi32, #tpu.memory_space<vmem>>) semaphore(%arg16 : memref<!tpu.dma_semaphore, #tpu.memory_space<semaphore_mem>>)
    %dma_start3A_29 = arith.constant 0 : i32
    %dma_start3A_30 = arith.constant 0 : i32
    %dma_start3A_31 = tpu.memref_slice %arg8[%dma_start3A_29, %dma_start3A_30] : memref<40x128xi32, #tpu.memory_space<vmem>> -> memref<1x128xi32, #tpu.memory_space<vmem>>
    %dma_start3A_32 = tpu.memref_squeeze %dma_start3A_31 : memref<1x128xi32, #tpu.memory_space<vmem>> -> memref<128xi32, #tpu.memory_space<vmem>>
    %dma_start3A_33 = arith.constant 0 : i32
    %dma_start3A_34 = arith.constant 0 : i32
    %dma_start3A_35 = tpu.memref_slice %arg13[%dma_start3A_33, %dma_start3A_34] : memref<10112x128xbf16, #tpu.memory_space<vmem_shared>> -> memref<10112x128xbf16, #tpu.memory_space<vmem_shared>>
    tpu.enqueue_indirect_dma source(%arg9 : memref<128x128xbf16, #tpu.memory_space<vmem>>) target(%dma_start3A_35 : memref<10112x128xbf16, #tpu.memory_space<vmem_shared>>) offsets(%dma_start3A_32 : memref<128xi32, #tpu.memory_space<vmem>>) semaphore(%arg18 : memref<!tpu.dma_semaphore, #tpu.memory_space<semaphore_mem>>) {add = true}
    %dma_wait3A_36 = arith.constant 0 : i32
    %dma_wait3A_37 = arith.constant 0 : i32
    %dma_wait3A_38 = tpu.memref_slice %arg7[%dma_wait3A_36, %dma_wait3A_37] : memref<40x128xi32, #tpu.memory_space<vmem>> -> memref<1x128xi32, #tpu.memory_space<vmem>>
    %dma_wait3A_39 = tpu.memref_squeeze %dma_wait3A_38 : memref<1x128xi32, #tpu.memory_space<vmem>> -> memref<128xi32, #tpu.memory_space<vmem>>
    %dma_wait3A_40 = arith.constant 0 : i32
    %dma_wait3A_41 = arith.constant 0 : i32
    %dma_wait3A_42 = tpu.memref_slice %arg2[%dma_wait3A_40, %dma_wait3A_41] : memref<10000x128xbf16, #tpu.memory_space<hbm>> -> memref<10000x128xbf16, #tpu.memory_space<hbm>>
    tpu.wait_indirect_dma semaphore(%arg15 : memref<!tpu.dma_semaphore, #tpu.memory_space<semaphore_mem>>) src(%dma_wait3A_42 : memref<10000x128xbf16, #tpu.memory_space<hbm>>) dst(%arg10 : memref<128x128xbf16, #tpu.memory_space<vmem>>)
    %dma_start3A_43 = arith.constant 3 : i32
    %dma_start3A_44 = arith.constant 0 : i32
    %dma_start3A_45 = tpu.memref_slice %arg7[%dma_start3A_43, %dma_start3A_44] : memref<40x128xi32, #tpu.memory_space<vmem>> -> memref<1x128xi32, #tpu.memory_space<vmem>>
    %dma_start3A_46 = tpu.memref_squeeze %dma_start3A_45 : memref<1x128xi32, #tpu.memory_space<vmem>> -> memref<128xi32, #tpu.memory_space<vmem>>
    %dma_start3A_47 = arith.constant 0 : i32
    %dma_start3A_48 = arith.constant 0 : i32
    %dma_start3A_49 = tpu.memref_slice %arg2[%dma_start3A_47, %dma_start3A_48] : memref<10000x128xbf16, #tpu.memory_space<hbm>> -> memref<10000x128xbf16, #tpu.memory_space<hbm>>
    tpu.enqueue_indirect_dma source(%dma_start3A_49 : memref<10000x128xbf16, #tpu.memory_space<hbm>>) target(%arg12 : memref<128x128xbf16, #tpu.memory_space<vmem>>) offsets(%dma_start3A_46 : memref<128xi32, #tpu.memory_space<vmem>>) semaphore(%arg17 : memref<!tpu.dma_semaphore, #tpu.memory_space<semaphore_mem>>)
    %dma_start3A_50 = arith.constant 1 : i32
    %dma_start3A_51 = arith.constant 0 : i32
    %dma_start3A_52 = tpu.memref_slice %arg8[%dma_start3A_50, %dma_start3A_51] : memref<40x128xi32, #tpu.memory_space<vmem>> -> memref<1x128xi32, #tpu.memory_space<vmem>>
    %dma_start3A_53 = tpu.memref_squeeze %dma_start3A_52 : memref<1x128xi32, #tpu.memory_space<vmem>> -> memref<128xi32, #tpu.memory_space<vmem>>
    %dma_start3A_54 = arith.constant 0 : i32
    %dma_start3A_55 = arith.constant 0 : i32
    %dma_start3A_56 = tpu.memref_slice %arg13[%dma_start3A_54, %dma_start3A_55] : memref<10112x128xbf16, #tpu.memory_space<vmem_shared>> -> memref<10112x128xbf16, #tpu.memory_space<vmem_shared>>
    tpu.enqueue_indirect_dma source(%arg10 : memref<128x128xbf16, #tpu.memory_space<vmem>>) target(%dma_start3A_56 : memref<10112x128xbf16, #tpu.memory_space<vmem_shared>>) offsets(%dma_start3A_53 : memref<128xi32, #tpu.memory_space<vmem>>) semaphore(%arg19 : memref<!tpu.dma_semaphore, #tpu.memory_space<semaphore_mem>>) {add = true}
    %scan3A = arith.constant 0 : i32
    %scan3A_57 = arith.constant 9 : i32
    %scan3A_58 = arith.addi %scan3A, %scan3A_57 : i32
    %scan3A_59 = arith.constant 1 : i32
    scf.for %scan3A_118 = %scan3A to %scan3A_58 step %scan3A_59  : i32 {
      %mul3A_119 = arith.constant 1 : i32
      %mul3A_120 = arith.muli %scan3A_118, %mul3A_119 : i32
      %add3A_121 = arith.constant 0 : i32
      %add3A_122 = arith.addi %add3A_121, %mul3A_120 : i32
      %mul3A_123 = arith.constant 4 : i32
      %mul3A_124 = arith.muli %mul3A_123, %add3A_122 : i32
      %add3A_125 = arith.constant 2 : i32
      %add3A_126 = arith.addi %mul3A_124, %add3A_125 : i32
      %add3A_127 = arith.constant 0 : i32
      %add3A_128 = arith.addi %add3A_126, %add3A_127 : i32
      %dma_wait3A_129 = arith.constant 0 : i32
      %dma_wait3A_130 = arith.constant 0 : i32
      %dma_wait3A_131 = tpu.memref_slice %arg7[%dma_wait3A_129, %dma_wait3A_130] : memref<40x128xi32, #tpu.memory_space<vmem>> -> memref<1x128xi32, #tpu.memory_space<vmem>>
      %dma_wait3A_132 = tpu.memref_squeeze %dma_wait3A_131 : memref<1x128xi32, #tpu.memory_space<vmem>> -> memref<128xi32, #tpu.memory_space<vmem>>
      %dma_wait3A_133 = arith.constant 0 : i32
      %dma_wait3A_134 = arith.constant 0 : i32
      %dma_wait3A_135 = tpu.memref_slice %arg2[%dma_wait3A_133, %dma_wait3A_134] : memref<10000x128xbf16, #tpu.memory_space<hbm>> -> memref<10000x128xbf16, #tpu.memory_space<hbm>>
      tpu.wait_indirect_dma semaphore(%arg16 : memref<!tpu.dma_semaphore, #tpu.memory_space<semaphore_mem>>) src(%dma_wait3A_135 : memref<10000x128xbf16, #tpu.memory_space<hbm>>) dst(%arg11 : memref<128x128xbf16, #tpu.memory_space<vmem>>)
      %dma_wait3A_136 = arith.constant 0 : i32
      %dma_wait3A_137 = arith.constant 0 : i32
      %dma_wait3A_138 = tpu.memref_slice %arg8[%dma_wait3A_136, %dma_wait3A_137] : memref<40x128xi32, #tpu.memory_space<vmem>> -> memref<1x128xi32, #tpu.memory_space<vmem>>
      %dma_wait3A_139 = tpu.memref_squeeze %dma_wait3A_138 : memref<1x128xi32, #tpu.memory_space<vmem>> -> memref<128xi32, #tpu.memory_space<vmem>>
      %dma_wait3A_140 = arith.constant 0 : i32
      %dma_wait3A_141 = arith.constant 0 : i32
      %dma_wait3A_142 = tpu.memref_slice %arg13[%dma_wait3A_140, %dma_wait3A_141] : memref<10112x128xbf16, #tpu.memory_space<vmem_shared>> -> memref<10112x128xbf16, #tpu.memory_space<vmem_shared>>
      tpu.wait_indirect_dma semaphore(%arg18 : memref<!tpu.dma_semaphore, #tpu.memory_space<semaphore_mem>>) src(%arg9 : memref<128x128xbf16, #tpu.memory_space<vmem>>) dst(%dma_wait3A_142 : memref<10112x128xbf16, #tpu.memory_space<vmem_shared>>)
      %add3A_143 = arith.constant 2 : i32
      %add3A_144 = arith.addi %add3A_128, %add3A_143 : i32
      %dma_start3A_145 = arith.constant 0 : i32
      %dma_start3A_146 = tpu.memref_slice %arg7[%add3A_144, %dma_start3A_145] : memref<40x128xi32, #tpu.memory_space<vmem>> -> memref<1x128xi32, #tpu.memory_space<vmem>>
      %dma_start3A_147 = tpu.memref_squeeze %dma_start3A_146 : memref<1x128xi32, #tpu.memory_space<vmem>> -> memref<128xi32, #tpu.memory_space<vmem>>
      %dma_start3A_148 = arith.constant 0 : i32
      %dma_start3A_149 = arith.constant 0 : i32
      %dma_start3A_150 = tpu.memref_slice %arg2[%dma_start3A_148, %dma_start3A_149] : memref<10000x128xbf16, #tpu.memory_space<hbm>> -> memref<10000x128xbf16, #tpu.memory_space<hbm>>
      tpu.enqueue_indirect_dma source(%dma_start3A_150 : memref<10000x128xbf16, #tpu.memory_space<hbm>>) target(%arg9 : memref<128x128xbf16, #tpu.memory_space<vmem>>) offsets(%dma_start3A_147 : memref<128xi32, #tpu.memory_space<vmem>>) semaphore(%arg14 : memref<!tpu.dma_semaphore, #tpu.memory_space<semaphore_mem>>)
      %dma_start3A_151 = arith.constant 0 : i32
      %dma_start3A_152 = tpu.memref_slice %arg8[%add3A_128, %dma_start3A_151] : memref<40x128xi32, #tpu.memory_space<vmem>> -> memref<1x128xi32, #tpu.memory_space<vmem>>
      %dma_start3A_153 = tpu.memref_squeeze %dma_start3A_152 : memref<1x128xi32, #tpu.memory_space<vmem>> -> memref<128xi32, #tpu.memory_space<vmem>>
      %dma_start3A_154 = arith.constant 0 : i32
      %dma_start3A_155 = arith.constant 0 : i32
      %dma_start3A_156 = tpu.memref_slice %arg13[%dma_start3A_154, %dma_start3A_155] : memref<10112x128xbf16, #tpu.memory_space<vmem_shared>> -> memref<10112x128xbf16, #tpu.memory_space<vmem_shared>>
      tpu.enqueue_indirect_dma source(%arg11 : memref<128x128xbf16, #tpu.memory_space<vmem>>) target(%dma_start3A_156 : memref<10112x128xbf16, #tpu.memory_space<vmem_shared>>) offsets(%dma_start3A_153 : memref<128xi32, #tpu.memory_space<vmem>>) semaphore(%arg20 : memref<!tpu.dma_semaphore, #tpu.memory_space<semaphore_mem>>) {add = true}
      %mul3A_157 = arith.constant 4 : i32
      %mul3A_158 = arith.muli %mul3A_157, %add3A_122 : i32
      %add3A_159 = arith.constant 2 : i32
      %add3A_160 = arith.addi %mul3A_158, %add3A_159 : i32
      %add3A_161 = arith.constant 1 : i32
      %add3A_162 = arith.addi %add3A_160, %add3A_161 : i32
      %dma_wait3A_163 = arith.constant 0 : i32
      %dma_wait3A_164 = arith.constant 0 : i32
      %dma_wait3A_165 = tpu.memref_slice %arg7[%dma_wait3A_163, %dma_wait3A_164] : memref<40x128xi32, #tpu.memory_space<vmem>> -> memref<1x128xi32, #tpu.memory_space<vmem>>
      %dma_wait3A_166 = tpu.memref_squeeze %dma_wait3A_165 : memref<1x128xi32, #tpu.memory_space<vmem>> -> memref<128xi32, #tpu.memory_space<vmem>>
      %dma_wait3A_167 = arith.constant 0 : i32
      %dma_wait3A_168 = arith.constant 0 : i32
      %dma_wait3A_169 = tpu.memref_slice %arg2[%dma_wait3A_167, %dma_wait3A_168] : memref<10000x128xbf16, #tpu.memory_space<hbm>> -> memref<10000x128xbf16, #tpu.memory_space<hbm>>
      tpu.wait_indirect_dma semaphore(%arg17 : memref<!tpu.dma_semaphore, #tpu.memory_space<semaphore_mem>>) src(%dma_wait3A_169 : memref<10000x128xbf16, #tpu.memory_space<hbm>>) dst(%arg12 : memref<128x128xbf16, #tpu.memory_space<vmem>>)
      %dma_wait3A_170 = arith.constant 0 : i32
      %dma_wait3A_171 = arith.constant 0 : i32
      %dma_wait3A_172 = tpu.memref_slice %arg8[%dma_wait3A_170, %dma_wait3A_171] : memref<40x128xi32, #tpu.memory_space<vmem>> -> memref<1x128xi32, #tpu.memory_space<vmem>>
      %dma_wait3A_173 = tpu.memref_squeeze %dma_wait3A_172 : memref<1x128xi32, #tpu.memory_space<vmem>> -> memref<128xi32, #tpu.memory_space<vmem>>
      %dma_wait3A_174 = arith.constant 0 : i32
      %dma_wait3A_175 = arith.constant 0 : i32
      %dma_wait3A_176 = tpu.memref_slice %arg13[%dma_wait3A_174, %dma_wait3A_175] : memref<10112x128xbf16, #tpu.memory_space<vmem_shared>> -> memref<10112x128xbf16, #tpu.memory_space<vmem_shared>>
      tpu.wait_indirect_dma semaphore(%arg19 : memref<!tpu.dma_semaphore, #tpu.memory_space<semaphore_mem>>) src(%arg10 : memref<128x128xbf16, #tpu.memory_space<vmem>>) dst(%dma_wait3A_176 : memref<10112x128xbf16, #tpu.memory_space<vmem_shared>>)
      %add3A_177 = arith.constant 2 : i32
      %add3A_178 = arith.addi %add3A_162, %add3A_177 : i32
      %dma_start3A_179 = arith.constant 0 : i32
      %dma_start3A_180 = tpu.memref_slice %arg7[%add3A_178, %dma_start3A_179] : memref<40x128xi32, #tpu.memory_space<vmem>> -> memref<1x128xi32, #tpu.memory_space<vmem>>
      %dma_start3A_181 = tpu.memref_squeeze %dma_start3A_180 : memref<1x128xi32, #tpu.memory_space<vmem>> -> memref<128xi32, #tpu.memory_space<vmem>>
      %dma_start3A_182 = arith.constant 0 : i32
      %dma_start3A_183 = arith.constant 0 : i32
      %dma_start3A_184 = tpu.memref_slice %arg2[%dma_start3A_182, %dma_start3A_183] : memref<10000x128xbf16, #tpu.memory_space<hbm>> -> memref<10000x128xbf16, #tpu.memory_space<hbm>>
      tpu.enqueue_indirect_dma source(%dma_start3A_184 : memref<10000x128xbf16, #tpu.memory_space<hbm>>) target(%arg10 : memref<128x128xbf16, #tpu.memory_space<vmem>>) offsets(%dma_start3A_181 : memref<128xi32, #tpu.memory_space<vmem>>) semaphore(%arg15 : memref<!tpu.dma_semaphore, #tpu.memory_space<semaphore_mem>>)
      %dma_start3A_185 = arith.constant 0 : i32
      %dma_start3A_186 = tpu.memref_slice %arg8[%add3A_162, %dma_start3A_185] : memref<40x128xi32, #tpu.memory_space<vmem>> -> memref<1x128xi32, #tpu.memory_space<vmem>>
      %dma_start3A_187 = tpu.memref_squeeze %dma_start3A_186 : memref<1x128xi32, #tpu.memory_space<vmem>> -> memref<128xi32, #tpu.memory_space<vmem>>
      %dma_start3A_188 = arith.constant 0 : i32
      %dma_start3A_189 = arith.constant 0 : i32
      %dma_start3A_190 = tpu.memref_slice %arg13[%dma_start3A_188, %dma_start3A_189] : memref<10112x128xbf16, #tpu.memory_space<vmem_shared>> -> memref<10112x128xbf16, #tpu.memory_space<vmem_shared>>
      tpu.enqueue_indirect_dma source(%arg12 : memref<128x128xbf16, #tpu.memory_space<vmem>>) target(%dma_start3A_190 : memref<10112x128xbf16, #tpu.memory_space<vmem_shared>>) offsets(%dma_start3A_187 : memref<128xi32, #tpu.memory_space<vmem>>) semaphore(%arg21 : memref<!tpu.dma_semaphore, #tpu.memory_space<semaphore_mem>>) {add = true}
      %mul3A_191 = arith.constant 4 : i32
      %mul3A_192 = arith.muli %mul3A_191, %add3A_122 : i32
      %add3A_193 = arith.constant 2 : i32
      %add3A_194 = arith.addi %mul3A_192, %add3A_193 : i32
      %add3A_195 = arith.constant 2 : i32
      %add3A_196 = arith.addi %add3A_194, %add3A_195 : i32
      %dma_wait3A_197 = arith.constant 0 : i32
      %dma_wait3A_198 = arith.constant 0 : i32
      %dma_wait3A_199 = tpu.memref_slice %arg7[%dma_wait3A_197, %dma_wait3A_198] : memref<40x128xi32, #tpu.memory_space<vmem>> -> memref<1x128xi32, #tpu.memory_space<vmem>>
      %dma_wait3A_200 = tpu.memref_squeeze %dma_wait3A_199 : memref<1x128xi32, #tpu.memory_space<vmem>> -> memref<128xi32, #tpu.memory_space<vmem>>
      %dma_wait3A_201 = arith.constant 0 : i32
      %dma_wait3A_202 = arith.constant 0 : i32
      %dma_wait3A_203 = tpu.memref_slice %arg2[%dma_wait3A_201, %dma_wait3A_202] : memref<10000x128xbf16, #tpu.memory_space<hbm>> -> memref<10000x128xbf16, #tpu.memory_space<hbm>>
      tpu.wait_indirect_dma semaphore(%arg14 : memref<!tpu.dma_semaphore, #tpu.memory_space<semaphore_mem>>) src(%dma_wait3A_203 : memref<10000x128xbf16, #tpu.memory_space<hbm>>) dst(%arg9 : memref<128x128xbf16, #tpu.memory_space<vmem>>)
      %dma_wait3A_204 = arith.constant 0 : i32
      %dma_wait3A_205 = arith.constant 0 : i32
      %dma_wait3A_206 = tpu.memref_slice %arg8[%dma_wait3A_204, %dma_wait3A_205] : memref<40x128xi32, #tpu.memory_space<vmem>> -> memref<1x128xi32, #tpu.memory_space<vmem>>
      %dma_wait3A_207 = tpu.memref_squeeze %dma_wait3A_206 : memref<1x128xi32, #tpu.memory_space<vmem>> -> memref<128xi32, #tpu.memory_space<vmem>>
      %dma_wait3A_208 = arith.constant 0 : i32
      %dma_wait3A_209 = arith.constant 0 : i32
      %dma_wait3A_210 = tpu.memref_slice %arg13[%dma_wait3A_208, %dma_wait3A_209] : memref<10112x128xbf16, #tpu.memory_space<vmem_shared>> -> memref<10112x128xbf16, #tpu.memory_space<vmem_shared>>
      tpu.wait_indirect_dma semaphore(%arg20 : memref<!tpu.dma_semaphore, #tpu.memory_space<semaphore_mem>>) src(%arg11 : memref<128x128xbf16, #tpu.memory_space<vmem>>) dst(%dma_wait3A_210 : memref<10112x128xbf16, #tpu.memory_space<vmem_shared>>)
      %add3A_211 = arith.constant 2 : i32
      %add3A_212 = arith.addi %add3A_196, %add3A_211 : i32
      %dma_start3A_213 = arith.constant 0 : i32
      %dma_start3A_214 = tpu.memref_slice %arg7[%add3A_212, %dma_start3A_213] : memref<40x128xi32, #tpu.memory_space<vmem>> -> memref<1x128xi32, #tpu.memory_space<vmem>>
      %dma_start3A_215 = tpu.memref_squeeze %dma_start3A_214 : memref<1x128xi32, #tpu.memory_space<vmem>> -> memref<128xi32, #tpu.memory_space<vmem>>
      %dma_start3A_216 = arith.constant 0 : i32
      %dma_start3A_217 = arith.constant 0 : i32
      %dma_start3A_218 = tpu.memref_slice %arg2[%dma_start3A_216, %dma_start3A_217] : memref<10000x128xbf16, #tpu.memory_space<hbm>> -> memref<10000x128xbf16, #tpu.memory_space<hbm>>
      tpu.enqueue_indirect_dma source(%dma_start3A_218 : memref<10000x128xbf16, #tpu.memory_space<hbm>>) target(%arg11 : memref<128x128xbf16, #tpu.memory_space<vmem>>) offsets(%dma_start3A_215 : memref<128xi32, #tpu.memory_space<vmem>>) semaphore(%arg16 : memref<!tpu.dma_semaphore, #tpu.memory_space<semaphore_mem>>)
      %dma_start3A_219 = arith.constant 0 : i32
      %dma_start3A_220 = tpu.memref_slice %arg8[%add3A_196, %dma_start3A_219] : memref<40x128xi32, #tpu.memory_space<vmem>> -> memref<1x128xi32, #tpu.memory_space<vmem>>
      %dma_start3A_221 = tpu.memref_squeeze %dma_start3A_220 : memref<1x128xi32, #tpu.memory_space<vmem>> -> memref<128xi32, #tpu.memory_space<vmem>>
      %dma_start3A_222 = arith.constant 0 : i32
      %dma_start3A_223 = arith.constant 0 : i32
      %dma_start3A_224 = tpu.memref_slice %arg13[%dma_start3A_222, %dma_start3A_223] : memref<10112x128xbf16, #tpu.memory_space<vmem_shared>> -> memref<10112x128xbf16, #tpu.memory_space<vmem_shared>>
      tpu.enqueue_indirect_dma source(%arg9 : memref<128x128xbf16, #tpu.memory_space<vmem>>) target(%dma_start3A_224 : memref<10112x128xbf16, #tpu.memory_space<vmem_shared>>) offsets(%dma_start3A_221 : memref<128xi32, #tpu.memory_space<vmem>>) semaphore(%arg18 : memref<!tpu.dma_semaphore, #tpu.memory_space<semaphore_mem>>) {add = true}
      %mul3A_225 = arith.constant 4 : i32
      %mul3A_226 = arith.muli %mul3A_225, %add3A_122 : i32
      %add3A_227 = arith.constant 2 : i32
      %add3A_228 = arith.addi %mul3A_226, %add3A_227 : i32
      %add3A_229 = arith.constant 3 : i32
      %add3A_230 = arith.addi %add3A_228, %add3A_229 : i32
      %dma_wait3A_231 = arith.constant 0 : i32
      %dma_wait3A_232 = arith.constant 0 : i32
      %dma_wait3A_233 = tpu.memref_slice %arg7[%dma_wait3A_231, %dma_wait3A_232] : memref<40x128xi32, #tpu.memory_space<vmem>> -> memref<1x128xi32, #tpu.memory_space<vmem>>
      %dma_wait3A_234 = tpu.memref_squeeze %dma_wait3A_233 : memref<1x128xi32, #tpu.memory_space<vmem>> -> memref<128xi32, #tpu.memory_space<vmem>>
      %dma_wait3A_235 = arith.constant 0 : i32
      %dma_wait3A_236 = arith.constant 0 : i32
      %dma_wait3A_237 = tpu.memref_slice %arg2[%dma_wait3A_235, %dma_wait3A_236] : memref<10000x128xbf16, #tpu.memory_space<hbm>> -> memref<10000x128xbf16, #tpu.memory_space<hbm>>
      tpu.wait_indirect_dma semaphore(%arg15 : memref<!tpu.dma_semaphore, #tpu.memory_space<semaphore_mem>>) src(%dma_wait3A_237 : memref<10000x128xbf16, #tpu.memory_space<hbm>>) dst(%arg10 : memref<128x128xbf16, #tpu.memory_space<vmem>>)
      %dma_wait3A_238 = arith.constant 0 : i32
      %dma_wait3A_239 = arith.constant 0 : i32
      %dma_wait3A_240 = tpu.memref_slice %arg8[%dma_wait3A_238, %dma_wait3A_239] : memref<40x128xi32, #tpu.memory_space<vmem>> -> memref<1x128xi32, #tpu.memory_space<vmem>>
      %dma_wait3A_241 = tpu.memref_squeeze %dma_wait3A_240 : memref<1x128xi32, #tpu.memory_space<vmem>> -> memref<128xi32, #tpu.memory_space<vmem>>
      %dma_wait3A_242 = arith.constant 0 : i32
      %dma_wait3A_243 = arith.constant 0 : i32
      %dma_wait3A_244 = tpu.memref_slice %arg13[%dma_wait3A_242, %dma_wait3A_243] : memref<10112x128xbf16, #tpu.memory_space<vmem_shared>> -> memref<10112x128xbf16, #tpu.memory_space<vmem_shared>>
      tpu.wait_indirect_dma semaphore(%arg21 : memref<!tpu.dma_semaphore, #tpu.memory_space<semaphore_mem>>) src(%arg12 : memref<128x128xbf16, #tpu.memory_space<vmem>>) dst(%dma_wait3A_244 : memref<10112x128xbf16, #tpu.memory_space<vmem_shared>>)
      %add3A_245 = arith.constant 2 : i32
      %add3A_246 = arith.addi %add3A_230, %add3A_245 : i32
      %dma_start3A_247 = arith.constant 0 : i32
      %dma_start3A_248 = tpu.memref_slice %arg7[%add3A_246, %dma_start3A_247] : memref<40x128xi32, #tpu.memory_space<vmem>> -> memref<1x128xi32, #tpu.memory_space<vmem>>
      %dma_start3A_249 = tpu.memref_squeeze %dma_start3A_248 : memref<1x128xi32, #tpu.memory_space<vmem>> -> memref<128xi32, #tpu.memory_space<vmem>>
      %dma_start3A_250 = arith.constant 0 : i32
      %dma_start3A_251 = arith.constant 0 : i32
      %dma_start3A_252 = tpu.memref_slice %arg2[%dma_start3A_250, %dma_start3A_251] : memref<10000x128xbf16, #tpu.memory_space<hbm>> -> memref<10000x128xbf16, #tpu.memory_space<hbm>>
      tpu.enqueue_indirect_dma source(%dma_start3A_252 : memref<10000x128xbf16, #tpu.memory_space<hbm>>) target(%arg12 : memref<128x128xbf16, #tpu.memory_space<vmem>>) offsets(%dma_start3A_249 : memref<128xi32, #tpu.memory_space<vmem>>) semaphore(%arg17 : memref<!tpu.dma_semaphore, #tpu.memory_space<semaphore_mem>>)
      %dma_start3A_253 = arith.constant 0 : i32
      %dma_start3A_254 = tpu.memref_slice %arg8[%add3A_230, %dma_start3A_253] : memref<40x128xi32, #tpu.memory_space<vmem>> -> memref<1x128xi32, #tpu.memory_space<vmem>>
      %dma_start3A_255 = tpu.memref_squeeze %dma_start3A_254 : memref<1x128xi32, #tpu.memory_space<vmem>> -> memref<128xi32, #tpu.memory_space<vmem>>
      %dma_start3A_256 = arith.constant 0 : i32
      %dma_start3A_257 = arith.constant 0 : i32
      %dma_start3A_258 = tpu.memref_slice %arg13[%dma_start3A_256, %dma_start3A_257] : memref<10112x128xbf16, #tpu.memory_space<vmem_shared>> -> memref<10112x128xbf16, #tpu.memory_space<vmem_shared>>
      tpu.enqueue_indirect_dma source(%arg10 : memref<128x128xbf16, #tpu.memory_space<vmem>>) target(%dma_start3A_258 : memref<10112x128xbf16, #tpu.memory_space<vmem_shared>>) offsets(%dma_start3A_255 : memref<128xi32, #tpu.memory_space<vmem>>) semaphore(%arg19 : memref<!tpu.dma_semaphore, #tpu.memory_space<semaphore_mem>>) {add = true}
    }
    %scan3A_60 = arith.constant 9 : i32
    %dma_wait3A_61 = arith.constant 0 : i32
    %dma_wait3A_62 = arith.constant 0 : i32
    %dma_wait3A_63 = tpu.memref_slice %arg7[%dma_wait3A_61, %dma_wait3A_62] : memref<40x128xi32, #tpu.memory_space<vmem>> -> memref<1x128xi32, #tpu.memory_space<vmem>>
    %dma_wait3A_64 = tpu.memref_squeeze %dma_wait3A_63 : memref<1x128xi32, #tpu.memory_space<vmem>> -> memref<128xi32, #tpu.memory_space<vmem>>
    %dma_wait3A_65 = arith.constant 0 : i32
    %dma_wait3A_66 = arith.constant 0 : i32
    %dma_wait3A_67 = tpu.memref_slice %arg2[%dma_wait3A_65, %dma_wait3A_66] : memref<10000x128xbf16, #tpu.memory_space<hbm>> -> memref<10000x128xbf16, #tpu.memory_space<hbm>>
    tpu.wait_indirect_dma semaphore(%arg16 : memref<!tpu.dma_semaphore, #tpu.memory_space<semaphore_mem>>) src(%dma_wait3A_67 : memref<10000x128xbf16, #tpu.memory_space<hbm>>) dst(%arg11 : memref<128x128xbf16, #tpu.memory_space<vmem>>)
    %dma_start3A_68 = arith.constant 38 : i32
    %dma_start3A_69 = arith.constant 0 : i32
    %dma_start3A_70 = tpu.memref_slice %arg8[%dma_start3A_68, %dma_start3A_69] : memref<40x128xi32, #tpu.memory_space<vmem>> -> memref<1x128xi32, #tpu.memory_space<vmem>>
    %dma_start3A_71 = tpu.memref_squeeze %dma_start3A_70 : memref<1x128xi32, #tpu.memory_space<vmem>> -> memref<128xi32, #tpu.memory_space<vmem>>
    %dma_start3A_72 = arith.constant 0 : i32
    %dma_start3A_73 = arith.constant 0 : i32
    %dma_start3A_74 = tpu.memref_slice %arg13[%dma_start3A_72, %dma_start3A_73] : memref<10112x128xbf16, #tpu.memory_space<vmem_shared>> -> memref<10112x128xbf16, #tpu.memory_space<vmem_shared>>
    tpu.enqueue_indirect_dma source(%arg11 : memref<128x128xbf16, #tpu.memory_space<vmem>>) target(%dma_start3A_74 : memref<10112x128xbf16, #tpu.memory_space<vmem_shared>>) offsets(%dma_start3A_71 : memref<128xi32, #tpu.memory_space<vmem>>) semaphore(%arg20 : memref<!tpu.dma_semaphore, #tpu.memory_space<semaphore_mem>>) {add = true}
    %dma_wait3A_75 = arith.constant 0 : i32
    %dma_wait3A_76 = arith.constant 0 : i32
    %dma_wait3A_77 = tpu.memref_slice %arg7[%dma_wait3A_75, %dma_wait3A_76] : memref<40x128xi32, #tpu.memory_space<vmem>> -> memref<1x128xi32, #tpu.memory_space<vmem>>
    %dma_wait3A_78 = tpu.memref_squeeze %dma_wait3A_77 : memref<1x128xi32, #tpu.memory_space<vmem>> -> memref<128xi32, #tpu.memory_space<vmem>>
    %dma_wait3A_79 = arith.constant 0 : i32
    %dma_wait3A_80 = arith.constant 0 : i32
    %dma_wait3A_81 = tpu.memref_slice %arg2[%dma_wait3A_79, %dma_wait3A_80] : memref<10000x128xbf16, #tpu.memory_space<hbm>> -> memref<10000x128xbf16, #tpu.memory_space<hbm>>
    tpu.wait_indirect_dma semaphore(%arg17 : memref<!tpu.dma_semaphore, #tpu.memory_space<semaphore_mem>>) src(%dma_wait3A_81 : memref<10000x128xbf16, #tpu.memory_space<hbm>>) dst(%arg12 : memref<128x128xbf16, #tpu.memory_space<vmem>>)
    %dma_start3A_82 = arith.constant 39 : i32
    %dma_start3A_83 = arith.constant 0 : i32
    %dma_start3A_84 = tpu.memref_slice %arg8[%dma_start3A_82, %dma_start3A_83] : memref<40x128xi32, #tpu.memory_space<vmem>> -> memref<1x128xi32, #tpu.memory_space<vmem>>
    %dma_start3A_85 = tpu.memref_squeeze %dma_start3A_84 : memref<1x128xi32, #tpu.memory_space<vmem>> -> memref<128xi32, #tpu.memory_space<vmem>>
    %dma_start3A_86 = arith.constant 0 : i32
    %dma_start3A_87 = arith.constant 0 : i32
    %dma_start3A_88 = tpu.memref_slice %arg13[%dma_start3A_86, %dma_start3A_87] : memref<10112x128xbf16, #tpu.memory_space<vmem_shared>> -> memref<10112x128xbf16, #tpu.memory_space<vmem_shared>>
    tpu.enqueue_indirect_dma source(%arg12 : memref<128x128xbf16, #tpu.memory_space<vmem>>) target(%dma_start3A_88 : memref<10112x128xbf16, #tpu.memory_space<vmem_shared>>) offsets(%dma_start3A_85 : memref<128xi32, #tpu.memory_space<vmem>>) semaphore(%arg21 : memref<!tpu.dma_semaphore, #tpu.memory_space<semaphore_mem>>) {add = true}
    %dma_wait3A_89 = arith.constant 0 : i32
    %dma_wait3A_90 = arith.constant 0 : i32
    %dma_wait3A_91 = tpu.memref_slice %arg8[%dma_wait3A_89, %dma_wait3A_90] : memref<40x128xi32, #tpu.memory_space<vmem>> -> memref<1x128xi32, #tpu.memory_space<vmem>>
    %dma_wait3A_92 = tpu.memref_squeeze %dma_wait3A_91 : memref<1x128xi32, #tpu.memory_space<vmem>> -> memref<128xi32, #tpu.memory_space<vmem>>
    %dma_wait3A_93 = arith.constant 0 : i32
    %dma_wait3A_94 = arith.constant 0 : i32
    %dma_wait3A_95 = tpu.memref_slice %arg13[%dma_wait3A_93, %dma_wait3A_94] : memref<10112x128xbf16, #tpu.memory_space<vmem_shared>> -> memref<10112x128xbf16, #tpu.memory_space<vmem_shared>>
    tpu.wait_indirect_dma semaphore(%arg18 : memref<!tpu.dma_semaphore, #tpu.memory_space<semaphore_mem>>) src(%arg9 : memref<128x128xbf16, #tpu.memory_space<vmem>>) dst(%dma_wait3A_95 : memref<10112x128xbf16, #tpu.memory_space<vmem_shared>>)
    %dma_wait3A_96 = arith.constant 0 : i32
    %dma_wait3A_97 = arith.constant 0 : i32
    %dma_wait3A_98 = tpu.memref_slice %arg8[%dma_wait3A_96, %dma_wait3A_97] : memref<40x128xi32, #tpu.memory_space<vmem>> -> memref<1x128xi32, #tpu.memory_space<vmem>>
    %dma_wait3A_99 = tpu.memref_squeeze %dma_wait3A_98 : memref<1x128xi32, #tpu.memory_space<vmem>> -> memref<128xi32, #tpu.memory_space<vmem>>
    %dma_wait3A_100 = arith.constant 0 : i32
    %dma_wait3A_101 = arith.constant 0 : i32
    %dma_wait3A_102 = tpu.memref_slice %arg13[%dma_wait3A_100, %dma_wait3A_101] : memref<10112x128xbf16, #tpu.memory_space<vmem_shared>> -> memref<10112x128xbf16, #tpu.memory_space<vmem_shared>>
    tpu.wait_indirect_dma semaphore(%arg19 : memref<!tpu.dma_semaphore, #tpu.memory_space<semaphore_mem>>) src(%arg10 : memref<128x128xbf16, #tpu.memory_space<vmem>>) dst(%dma_wait3A_102 : memref<10112x128xbf16, #tpu.memory_space<vmem_shared>>)
    %dma_wait3A_103 = arith.constant 0 : i32
    %dma_wait3A_104 = arith.constant 0 : i32
    %dma_wait3A_105 = tpu.memref_slice %arg8[%dma_wait3A_103, %dma_wait3A_104] : memref<40x128xi32, #tpu.memory_space<vmem>> -> memref<1x128xi32, #tpu.memory_space<vmem>>
    %dma_wait3A_106 = tpu.memref_squeeze %dma_wait3A_105 : memref<1x128xi32, #tpu.memory_space<vmem>> -> memref<128xi32, #tpu.memory_space<vmem>>
    %dma_wait3A_107 = arith.constant 0 : i32
    %dma_wait3A_108 = arith.constant 0 : i32
    %dma_wait3A_109 = tpu.memref_slice %arg13[%dma_wait3A_107, %dma_wait3A_108] : memref<10112x128xbf16, #tpu.memory_space<vmem_shared>> -> memref<10112x128xbf16, #tpu.memory_space<vmem_shared>>
    tpu.wait_indirect_dma semaphore(%arg20 : memref<!tpu.dma_semaphore, #tpu.memory_space<semaphore_mem>>) src(%arg11 : memref<128x128xbf16, #tpu.memory_space<vmem>>) dst(%dma_wait3A_109 : memref<10112x128xbf16, #tpu.memory_space<vmem_shared>>)
    %dma_wait3A_110 = arith.constant 0 : i32
    %dma_wait3A_111 = arith.constant 0 : i32
    %dma_wait3A_112 = tpu.memref_slice %arg8[%dma_wait3A_110, %dma_wait3A_111] : memref<40x128xi32, #tpu.memory_space<vmem>> -> memref<1x128xi32, #tpu.memory_space<vmem>>
    %dma_wait3A_113 = tpu.memref_squeeze %dma_wait3A_112 : memref<1x128xi32, #tpu.memory_space<vmem>> -> memref<128xi32, #tpu.memory_space<vmem>>
    %dma_wait3A_114 = arith.constant 0 : i32
    %dma_wait3A_115 = arith.constant 0 : i32
    %dma_wait3A_116 = tpu.memref_slice %arg13[%dma_wait3A_114, %dma_wait3A_115] : memref<10112x128xbf16, #tpu.memory_space<vmem_shared>> -> memref<10112x128xbf16, #tpu.memory_space<vmem_shared>>
    tpu.wait_indirect_dma semaphore(%arg21 : memref<!tpu.dma_semaphore, #tpu.memory_space<semaphore_mem>>) src(%arg12 : memref<128x128xbf16, #tpu.memory_space<vmem>>) dst(%dma_wait3A_116 : memref<10112x128xbf16, #tpu.memory_space<vmem_shared>>)
    %barrier3A_117 = arith.constant 0 : index
    tpu.barrier barrier_id(%barrier3A_117)
    "tpu.region"() ({
      %run_scoped3A = tpu.sem_alloc : memref<!tpu.dma_semaphore, #tpu.memory_space<semaphore_mem>>
      %dma_start3A_118 = arith.constant 0 : i32
      %dma_start3A_119 = tpu.memref_slice %arg6[%arg0, %mul3A_2, %dma_start3A_118] : memref<2x10112x128xbf16, #tpu.memory_space<hbm>> -> memref<1x632x128xbf16, #tpu.memory_space<hbm>>
      %dma_start3A_120 = tpu.memref_squeeze %dma_start3A_119 : memref<1x632x128xbf16, #tpu.memory_space<hbm>> -> memref<632x128xbf16, #tpu.memory_space<hbm>>
      %dma_start3A_121 = arith.constant 0 : i32
      %dma_start3A_122 = tpu.memref_slice %arg13[%mul3A_2, %dma_start3A_121] : memref<10112x128xbf16, #tpu.memory_space<vmem_shared>> -> memref<632x128xbf16, #tpu.memory_space<vmem_shared>>
      tpu.enqueue_dma source(%dma_start3A_122 : memref<632x128xbf16, #tpu.memory_space<vmem_shared>>) target(%dma_start3A_120 : memref<632x128xbf16, #tpu.memory_space<hbm>>) target_semaphore(%run_scoped3A : memref<!tpu.dma_semaphore, #tpu.memory_space<semaphore_mem>>)
      %dma_wait3A_123 = arith.constant 0 : i32
      %dma_wait3A_124 = tpu.memref_slice %arg6[%arg0, %mul3A_2, %dma_wait3A_123] : memref<2x10112x128xbf16, #tpu.memory_space<hbm>> -> memref<1x632x128xbf16, #tpu.memory_space<hbm>>
      %dma_wait3A_125 = tpu.memref_squeeze %dma_wait3A_124 : memref<1x632x128xbf16, #tpu.memory_space<hbm>> -> memref<632x128xbf16, #tpu.memory_space<hbm>>
      %dma_wait3A_126 = arith.constant 0 : i32
      %dma_wait3A_127 = tpu.memref_slice %arg13[%mul3A_2, %dma_wait3A_126] : memref<10112x128xbf16, #tpu.memory_space<vmem_shared>> -> memref<632x128xbf16, #tpu.memory_space<vmem_shared>>
      tpu.wait_dma2 semaphore(%run_scoped3A : memref<!tpu.dma_semaphore, #tpu.memory_space<semaphore_mem>>) src(%dma_wait3A_127 : memref<632x128xbf16, #tpu.memory_space<vmem_shared>>) dst(%dma_wait3A_125 : memref<632x128xbf16, #tpu.memory_space<hbm>>)
      tpu.yield
    }) : () -> ()
    return
  }
}

#map = affine_map<(d0, d1) -> (0, 0)>
#map1 = affine_map<(d0, d1) -> (0, 0, 0)>
module attributes {stable_mosaic.version = 14 : i64} {
  func.func @segsum(%arg0: i32, %arg1: i32, %arg2: memref<10000x64xbf16, #tpu.memory_space<hbm>>, %arg3: memref<32x40x128xi32, #tpu.memory_space<hbm>>, %arg4: memref<32x40x128xi32, #tpu.memory_space<hbm>>, %arg5: memref<10112x64xbf16, #tpu.memory_space<hbm>>, %arg6: memref<2x10112x64xbf16, #tpu.memory_space<hbm>>, %arg7: memref<40x128xi32, #tpu.memory_space<vmem>>, %arg8: memref<40x128xi32, #tpu.memory_space<vmem>>, %arg9: memref<128x64xbf16, #tpu.memory_space<vmem>>, %arg10: memref<128x64xbf16, #tpu.memory_space<vmem>>, %arg11: memref<128x64xbf16, #tpu.memory_space<vmem>>, %arg12: memref<128x64xbf16, #tpu.memory_space<vmem>>, %arg13: memref<10112x64xbf16, #tpu.memory_space<vmem_shared>>, %arg14: memref<!tpu.dma_semaphore, #tpu.memory_space<semaphore_mem>>, %arg15: memref<!tpu.dma_semaphore, #tpu.memory_space<semaphore_mem>>, %arg16: memref<!tpu.dma_semaphore, #tpu.memory_space<semaphore_mem>>, %arg17: memref<!tpu.dma_semaphore, #tpu.memory_space<semaphore_mem>>, %arg18: memref<!tpu.dma_semaphore, #tpu.memory_space<semaphore_mem>>, %arg19: memref<!tpu.dma_semaphore, #tpu.memory_space<semaphore_mem>>, %arg20: memref<!tpu.dma_semaphore, #tpu.memory_space<semaphore_mem>>, %arg21: memref<!tpu.dma_semaphore, #tpu.memory_space<semaphore_mem>>) attributes {dimension_semantics = [#tpu.dimension_semantics<core_parallel>, #tpu.dimension_semantics<subcore_parallel>], iteration_bounds = array<i64: 2, 16>, scalar_prefetch = 0 : i64, scratch_operands = 15 : i64, tpu.core_type = #tpu.core_type<sc_vector_subcore>, window_params = [{transform_indices = #map}, {transform_indices = #map1}, {transform_indices = #map1}, {transform_indices = #map}, {transform_indices = #map1}]} {
    %mul3A = arith.constant 2 : i32
    %mul3A_0 = arith.muli %arg1, %mul3A : i32
    %add3A = arith.addi %mul3A_0, %arg0 : i32
    %mul3A_1 = arith.constant 632 : i32
    %mul3A_2 = arith.muli %arg1, %mul3A_1 : i32
    "tpu.region"() ({
      %run_scoped3A = tpu.sem_alloc : memref<!tpu.dma_semaphore, #tpu.memory_space<semaphore_mem>>
      %dma_start3A_118 = arith.constant 0 : i32
      %dma_start3A_119 = arith.constant 0 : i32
      %dma_start3A_120 = tpu.memref_slice %arg3[%add3A, %dma_start3A_118, %dma_start3A_119] : memref<32x40x128xi32, #tpu.memory_space<hbm>> -> memref<1x40x128xi32, #tpu.memory_space<hbm>>
      %dma_start3A_121 = tpu.memref_squeeze %dma_start3A_120 : memref<1x40x128xi32, #tpu.memory_space<hbm>> -> memref<40x128xi32, #tpu.memory_space<hbm>>
      %dma_start3A_122 = arith.constant 0 : i32
      %dma_start3A_123 = arith.constant 0 : i32
      %dma_start3A_124 = tpu.memref_slice %arg3[%add3A, %dma_start3A_122, %dma_start3A_123] : memref<32x40x128xi32, #tpu.memory_space<hbm>> -> memref<1x40x128xi32, #tpu.memory_space<hbm>>
      %dma_start3A_125 = tpu.memref_squeeze %dma_start3A_124 : memref<1x40x128xi32, #tpu.memory_space<hbm>> -> memref<40x128xi32, #tpu.memory_space<hbm>>
      tpu.enqueue_dma source(%dma_start3A_125 : memref<40x128xi32, #tpu.memory_space<hbm>>) target(%arg7 : memref<40x128xi32, #tpu.memory_space<vmem>>) target_semaphore(%run_scoped3A : memref<!tpu.dma_semaphore, #tpu.memory_space<semaphore_mem>>)
      %dma_wait3A_126 = arith.constant 0 : i32
      %dma_wait3A_127 = arith.constant 0 : i32
      %dma_wait3A_128 = tpu.memref_slice %arg3[%add3A, %dma_wait3A_126, %dma_wait3A_127] : memref<32x40x128xi32, #tpu.memory_space<hbm>> -> memref<1x40x128xi32, #tpu.memory_space<hbm>>
      %dma_wait3A_129 = tpu.memref_squeeze %dma_wait3A_128 : memref<1x40x128xi32, #tpu.memory_space<hbm>> -> memref<40x128xi32, #tpu.memory_space<hbm>>
      %dma_wait3A_130 = arith.constant 0 : i32
      %dma_wait3A_131 = arith.constant 0 : i32
      %dma_wait3A_132 = tpu.memref_slice %arg3[%add3A, %dma_wait3A_130, %dma_wait3A_131] : memref<32x40x128xi32, #tpu.memory_space<hbm>> -> memref<1x40x128xi32, #tpu.memory_space<hbm>>
      %dma_wait3A_133 = tpu.memref_squeeze %dma_wait3A_132 : memref<1x40x128xi32, #tpu.memory_space<hbm>> -> memref<40x128xi32, #tpu.memory_space<hbm>>
      tpu.wait_dma2 semaphore(%run_scoped3A : memref<!tpu.dma_semaphore, #tpu.memory_space<semaphore_mem>>) src(%dma_wait3A_133 : memref<40x128xi32, #tpu.memory_space<hbm>>) dst(%arg7 : memref<40x128xi32, #tpu.memory_space<vmem>>)
      tpu.yield
    }) : () -> ()
    "tpu.region"() ({
      %run_scoped3A = tpu.sem_alloc : memref<!tpu.dma_semaphore, #tpu.memory_space<semaphore_mem>>
      %dma_start3A_118 = arith.constant 0 : i32
      %dma_start3A_119 = arith.constant 0 : i32
      %dma_start3A_120 = tpu.memref_slice %arg4[%add3A, %dma_start3A_118, %dma_start3A_119] : memref<32x40x128xi32, #tpu.memory_space<hbm>> -> memref<1x40x128xi32, #tpu.memory_space<hbm>>
      %dma_start3A_121 = tpu.memref_squeeze %dma_start3A_120 : memref<1x40x128xi32, #tpu.memory_space<hbm>> -> memref<40x128xi32, #tpu.memory_space<hbm>>
      %dma_start3A_122 = arith.constant 0 : i32
      %dma_start3A_123 = arith.constant 0 : i32
      %dma_start3A_124 = tpu.memref_slice %arg4[%add3A, %dma_start3A_122, %dma_start3A_123] : memref<32x40x128xi32, #tpu.memory_space<hbm>> -> memref<1x40x128xi32, #tpu.memory_space<hbm>>
      %dma_start3A_125 = tpu.memref_squeeze %dma_start3A_124 : memref<1x40x128xi32, #tpu.memory_space<hbm>> -> memref<40x128xi32, #tpu.memory_space<hbm>>
      tpu.enqueue_dma source(%dma_start3A_125 : memref<40x128xi32, #tpu.memory_space<hbm>>) target(%arg8 : memref<40x128xi32, #tpu.memory_space<vmem>>) target_semaphore(%run_scoped3A : memref<!tpu.dma_semaphore, #tpu.memory_space<semaphore_mem>>)
      %dma_wait3A_126 = arith.constant 0 : i32
      %dma_wait3A_127 = arith.constant 0 : i32
      %dma_wait3A_128 = tpu.memref_slice %arg4[%add3A, %dma_wait3A_126, %dma_wait3A_127] : memref<32x40x128xi32, #tpu.memory_space<hbm>> -> memref<1x40x128xi32, #tpu.memory_space<hbm>>
      %dma_wait3A_129 = tpu.memref_squeeze %dma_wait3A_128 : memref<1x40x128xi32, #tpu.memory_space<hbm>> -> memref<40x128xi32, #tpu.memory_space<hbm>>
      %dma_wait3A_130 = arith.constant 0 : i32
      %dma_wait3A_131 = arith.constant 0 : i32
      %dma_wait3A_132 = tpu.memref_slice %arg4[%add3A, %dma_wait3A_130, %dma_wait3A_131] : memref<32x40x128xi32, #tpu.memory_space<hbm>> -> memref<1x40x128xi32, #tpu.memory_space<hbm>>
      %dma_wait3A_133 = tpu.memref_squeeze %dma_wait3A_132 : memref<1x40x128xi32, #tpu.memory_space<hbm>> -> memref<40x128xi32, #tpu.memory_space<hbm>>
      tpu.wait_dma2 semaphore(%run_scoped3A : memref<!tpu.dma_semaphore, #tpu.memory_space<semaphore_mem>>) src(%dma_wait3A_133 : memref<40x128xi32, #tpu.memory_space<hbm>>) dst(%arg8 : memref<40x128xi32, #tpu.memory_space<vmem>>)
      tpu.yield
    }) : () -> ()
    "tpu.region"() ({
      %run_scoped3A = tpu.sem_alloc : memref<!tpu.dma_semaphore, #tpu.memory_space<semaphore_mem>>
      %dma_start3A_118 = arith.constant 0 : i32
      %dma_start3A_119 = tpu.memref_slice %arg13[%mul3A_2, %dma_start3A_118] : memref<10112x64xbf16, #tpu.memory_space<vmem_shared>> -> memref<632x64xbf16, #tpu.memory_space<vmem_shared>>
      %dma_start3A_120 = arith.constant 0 : i32
      %dma_start3A_121 = tpu.memref_slice %arg5[%mul3A_2, %dma_start3A_120] : memref<10112x64xbf16, #tpu.memory_space<hbm>> -> memref<632x64xbf16, #tpu.memory_space<hbm>>
      tpu.enqueue_dma source(%dma_start3A_121 : memref<632x64xbf16, #tpu.memory_space<hbm>>) target(%dma_start3A_119 : memref<632x64xbf16, #tpu.memory_space<vmem_shared>>) target_semaphore(%run_scoped3A : memref<!tpu.dma_semaphore, #tpu.memory_space<semaphore_mem>>)
      %dma_wait3A_122 = arith.constant 0 : i32
      %dma_wait3A_123 = tpu.memref_slice %arg13[%mul3A_2, %dma_wait3A_122] : memref<10112x64xbf16, #tpu.memory_space<vmem_shared>> -> memref<632x64xbf16, #tpu.memory_space<vmem_shared>>
      %dma_wait3A_124 = arith.constant 0 : i32
      %dma_wait3A_125 = tpu.memref_slice %arg5[%mul3A_2, %dma_wait3A_124] : memref<10112x64xbf16, #tpu.memory_space<hbm>> -> memref<632x64xbf16, #tpu.memory_space<hbm>>
      tpu.wait_dma2 semaphore(%run_scoped3A : memref<!tpu.dma_semaphore, #tpu.memory_space<semaphore_mem>>) src(%dma_wait3A_125 : memref<632x64xbf16, #tpu.memory_space<hbm>>) dst(%dma_wait3A_123 : memref<632x64xbf16, #tpu.memory_space<vmem_shared>>)
      tpu.yield
    }) : () -> ()
    %barrier3A = arith.constant 0 : index
    tpu.barrier barrier_id(%barrier3A)
    %dma_start3A = arith.constant 0 : i32
    %dma_start3A_3 = arith.constant 0 : i32
    %dma_start3A_4 = tpu.memref_slice %arg7[%dma_start3A, %dma_start3A_3] : memref<40x128xi32, #tpu.memory_space<vmem>> -> memref<1x128xi32, #tpu.memory_space<vmem>>
    %dma_start3A_5 = tpu.memref_squeeze %dma_start3A_4 : memref<1x128xi32, #tpu.memory_space<vmem>> -> memref<128xi32, #tpu.memory_space<vmem>>
    %dma_start3A_6 = arith.constant 0 : i32
    %dma_start3A_7 = arith.constant 0 : i32
    %dma_start3A_8 = tpu.memref_slice %arg2[%dma_start3A_6, %dma_start3A_7] : memref<10000x64xbf16, #tpu.memory_space<hbm>> -> memref<10000x64xbf16, #tpu.memory_space<hbm>>
    tpu.enqueue_indirect_dma source(%dma_start3A_8 : memref<10000x64xbf16, #tpu.memory_space<hbm>>) target(%arg9 : memref<128x64xbf16, #tpu.memory_space<vmem>>) offsets(%dma_start3A_5 : memref<128xi32, #tpu.memory_space<vmem>>) semaphore(%arg14 : memref<!tpu.dma_semaphore, #tpu.memory_space<semaphore_mem>>)
    %dma_start3A_9 = arith.constant 1 : i32
    %dma_start3A_10 = arith.constant 0 : i32
    %dma_start3A_11 = tpu.memref_slice %arg7[%dma_start3A_9, %dma_start3A_10] : memref<40x128xi32, #tpu.memory_space<vmem>> -> memref<1x128xi32, #tpu.memory_space<vmem>>
    %dma_start3A_12 = tpu.memref_squeeze %dma_start3A_11 : memref<1x128xi32, #tpu.memory_space<vmem>> -> memref<128xi32, #tpu.memory_space<vmem>>
    %dma_start3A_13 = arith.constant 0 : i32
    %dma_start3A_14 = arith.constant 0 : i32
    %dma_start3A_15 = tpu.memref_slice %arg2[%dma_start3A_13, %dma_start3A_14] : memref<10000x64xbf16, #tpu.memory_space<hbm>> -> memref<10000x64xbf16, #tpu.memory_space<hbm>>
    tpu.enqueue_indirect_dma source(%dma_start3A_15 : memref<10000x64xbf16, #tpu.memory_space<hbm>>) target(%arg10 : memref<128x64xbf16, #tpu.memory_space<vmem>>) offsets(%dma_start3A_12 : memref<128xi32, #tpu.memory_space<vmem>>) semaphore(%arg15 : memref<!tpu.dma_semaphore, #tpu.memory_space<semaphore_mem>>)
    %dma_wait3A = arith.constant 0 : i32
    %dma_wait3A_16 = arith.constant 0 : i32
    %dma_wait3A_17 = tpu.memref_slice %arg7[%dma_wait3A, %dma_wait3A_16] : memref<40x128xi32, #tpu.memory_space<vmem>> -> memref<1x128xi32, #tpu.memory_space<vmem>>
    %dma_wait3A_18 = tpu.memref_squeeze %dma_wait3A_17 : memref<1x128xi32, #tpu.memory_space<vmem>> -> memref<128xi32, #tpu.memory_space<vmem>>
    %dma_wait3A_19 = arith.constant 0 : i32
    %dma_wait3A_20 = arith.constant 0 : i32
    %dma_wait3A_21 = tpu.memref_slice %arg2[%dma_wait3A_19, %dma_wait3A_20] : memref<10000x64xbf16, #tpu.memory_space<hbm>> -> memref<10000x64xbf16, #tpu.memory_space<hbm>>
    tpu.wait_indirect_dma semaphore(%arg14 : memref<!tpu.dma_semaphore, #tpu.memory_space<semaphore_mem>>) src(%dma_wait3A_21 : memref<10000x64xbf16, #tpu.memory_space<hbm>>) dst(%arg9 : memref<128x64xbf16, #tpu.memory_space<vmem>>)
    %dma_start3A_22 = arith.constant 2 : i32
    %dma_start3A_23 = arith.constant 0 : i32
    %dma_start3A_24 = tpu.memref_slice %arg7[%dma_start3A_22, %dma_start3A_23] : memref<40x128xi32, #tpu.memory_space<vmem>> -> memref<1x128xi32, #tpu.memory_space<vmem>>
    %dma_start3A_25 = tpu.memref_squeeze %dma_start3A_24 : memref<1x128xi32, #tpu.memory_space<vmem>> -> memref<128xi32, #tpu.memory_space<vmem>>
    %dma_start3A_26 = arith.constant 0 : i32
    %dma_start3A_27 = arith.constant 0 : i32
    %dma_start3A_28 = tpu.memref_slice %arg2[%dma_start3A_26, %dma_start3A_27] : memref<10000x64xbf16, #tpu.memory_space<hbm>> -> memref<10000x64xbf16, #tpu.memory_space<hbm>>
    tpu.enqueue_indirect_dma source(%dma_start3A_28 : memref<10000x64xbf16, #tpu.memory_space<hbm>>) target(%arg11 : memref<128x64xbf16, #tpu.memory_space<vmem>>) offsets(%dma_start3A_25 : memref<128xi32, #tpu.memory_space<vmem>>) semaphore(%arg16 : memref<!tpu.dma_semaphore, #tpu.memory_space<semaphore_mem>>)
    %dma_start3A_29 = arith.constant 0 : i32
    %dma_start3A_30 = arith.constant 0 : i32
    %dma_start3A_31 = tpu.memref_slice %arg8[%dma_start3A_29, %dma_start3A_30] : memref<40x128xi32, #tpu.memory_space<vmem>> -> memref<1x128xi32, #tpu.memory_space<vmem>>
    %dma_start3A_32 = tpu.memref_squeeze %dma_start3A_31 : memref<1x128xi32, #tpu.memory_space<vmem>> -> memref<128xi32, #tpu.memory_space<vmem>>
    %dma_start3A_33 = arith.constant 0 : i32
    %dma_start3A_34 = arith.constant 0 : i32
    %dma_start3A_35 = tpu.memref_slice %arg13[%dma_start3A_33, %dma_start3A_34] : memref<10112x64xbf16, #tpu.memory_space<vmem_shared>> -> memref<10112x64xbf16, #tpu.memory_space<vmem_shared>>
    tpu.enqueue_indirect_dma source(%arg9 : memref<128x64xbf16, #tpu.memory_space<vmem>>) target(%dma_start3A_35 : memref<10112x64xbf16, #tpu.memory_space<vmem_shared>>) offsets(%dma_start3A_32 : memref<128xi32, #tpu.memory_space<vmem>>) semaphore(%arg18 : memref<!tpu.dma_semaphore, #tpu.memory_space<semaphore_mem>>) {add = true}
    %dma_wait3A_36 = arith.constant 0 : i32
    %dma_wait3A_37 = arith.constant 0 : i32
    %dma_wait3A_38 = tpu.memref_slice %arg7[%dma_wait3A_36, %dma_wait3A_37] : memref<40x128xi32, #tpu.memory_space<vmem>> -> memref<1x128xi32, #tpu.memory_space<vmem>>
    %dma_wait3A_39 = tpu.memref_squeeze %dma_wait3A_38 : memref<1x128xi32, #tpu.memory_space<vmem>> -> memref<128xi32, #tpu.memory_space<vmem>>
    %dma_wait3A_40 = arith.constant 0 : i32
    %dma_wait3A_41 = arith.constant 0 : i32
    %dma_wait3A_42 = tpu.memref_slice %arg2[%dma_wait3A_40, %dma_wait3A_41] : memref<10000x64xbf16, #tpu.memory_space<hbm>> -> memref<10000x64xbf16, #tpu.memory_space<hbm>>
    tpu.wait_indirect_dma semaphore(%arg15 : memref<!tpu.dma_semaphore, #tpu.memory_space<semaphore_mem>>) src(%dma_wait3A_42 : memref<10000x64xbf16, #tpu.memory_space<hbm>>) dst(%arg10 : memref<128x64xbf16, #tpu.memory_space<vmem>>)
    %dma_start3A_43 = arith.constant 3 : i32
    %dma_start3A_44 = arith.constant 0 : i32
    %dma_start3A_45 = tpu.memref_slice %arg7[%dma_start3A_43, %dma_start3A_44] : memref<40x128xi32, #tpu.memory_space<vmem>> -> memref<1x128xi32, #tpu.memory_space<vmem>>
    %dma_start3A_46 = tpu.memref_squeeze %dma_start3A_45 : memref<1x128xi32, #tpu.memory_space<vmem>> -> memref<128xi32, #tpu.memory_space<vmem>>
    %dma_start3A_47 = arith.constant 0 : i32
    %dma_start3A_48 = arith.constant 0 : i32
    %dma_start3A_49 = tpu.memref_slice %arg2[%dma_start3A_47, %dma_start3A_48] : memref<10000x64xbf16, #tpu.memory_space<hbm>> -> memref<10000x64xbf16, #tpu.memory_space<hbm>>
    tpu.enqueue_indirect_dma source(%dma_start3A_49 : memref<10000x64xbf16, #tpu.memory_space<hbm>>) target(%arg12 : memref<128x64xbf16, #tpu.memory_space<vmem>>) offsets(%dma_start3A_46 : memref<128xi32, #tpu.memory_space<vmem>>) semaphore(%arg17 : memref<!tpu.dma_semaphore, #tpu.memory_space<semaphore_mem>>)
    %dma_start3A_50 = arith.constant 1 : i32
    %dma_start3A_51 = arith.constant 0 : i32
    %dma_start3A_52 = tpu.memref_slice %arg8[%dma_start3A_50, %dma_start3A_51] : memref<40x128xi32, #tpu.memory_space<vmem>> -> memref<1x128xi32, #tpu.memory_space<vmem>>
    %dma_start3A_53 = tpu.memref_squeeze %dma_start3A_52 : memref<1x128xi32, #tpu.memory_space<vmem>> -> memref<128xi32, #tpu.memory_space<vmem>>
    %dma_start3A_54 = arith.constant 0 : i32
    %dma_start3A_55 = arith.constant 0 : i32
    %dma_start3A_56 = tpu.memref_slice %arg13[%dma_start3A_54, %dma_start3A_55] : memref<10112x64xbf16, #tpu.memory_space<vmem_shared>> -> memref<10112x64xbf16, #tpu.memory_space<vmem_shared>>
    tpu.enqueue_indirect_dma source(%arg10 : memref<128x64xbf16, #tpu.memory_space<vmem>>) target(%dma_start3A_56 : memref<10112x64xbf16, #tpu.memory_space<vmem_shared>>) offsets(%dma_start3A_53 : memref<128xi32, #tpu.memory_space<vmem>>) semaphore(%arg19 : memref<!tpu.dma_semaphore, #tpu.memory_space<semaphore_mem>>) {add = true}
    %scan3A = arith.constant 0 : i32
    %scan3A_57 = arith.constant 9 : i32
    %scan3A_58 = arith.addi %scan3A, %scan3A_57 : i32
    %scan3A_59 = arith.constant 1 : i32
    scf.for %scan3A_118 = %scan3A to %scan3A_58 step %scan3A_59  : i32 {
      %mul3A_119 = arith.constant 1 : i32
      %mul3A_120 = arith.muli %scan3A_118, %mul3A_119 : i32
      %add3A_121 = arith.constant 0 : i32
      %add3A_122 = arith.addi %add3A_121, %mul3A_120 : i32
      %mul3A_123 = arith.constant 4 : i32
      %mul3A_124 = arith.muli %mul3A_123, %add3A_122 : i32
      %add3A_125 = arith.constant 2 : i32
      %add3A_126 = arith.addi %mul3A_124, %add3A_125 : i32
      %add3A_127 = arith.constant 0 : i32
      %add3A_128 = arith.addi %add3A_126, %add3A_127 : i32
      %dma_wait3A_129 = arith.constant 0 : i32
      %dma_wait3A_130 = arith.constant 0 : i32
      %dma_wait3A_131 = tpu.memref_slice %arg7[%dma_wait3A_129, %dma_wait3A_130] : memref<40x128xi32, #tpu.memory_space<vmem>> -> memref<1x128xi32, #tpu.memory_space<vmem>>
      %dma_wait3A_132 = tpu.memref_squeeze %dma_wait3A_131 : memref<1x128xi32, #tpu.memory_space<vmem>> -> memref<128xi32, #tpu.memory_space<vmem>>
      %dma_wait3A_133 = arith.constant 0 : i32
      %dma_wait3A_134 = arith.constant 0 : i32
      %dma_wait3A_135 = tpu.memref_slice %arg2[%dma_wait3A_133, %dma_wait3A_134] : memref<10000x64xbf16, #tpu.memory_space<hbm>> -> memref<10000x64xbf16, #tpu.memory_space<hbm>>
      tpu.wait_indirect_dma semaphore(%arg16 : memref<!tpu.dma_semaphore, #tpu.memory_space<semaphore_mem>>) src(%dma_wait3A_135 : memref<10000x64xbf16, #tpu.memory_space<hbm>>) dst(%arg11 : memref<128x64xbf16, #tpu.memory_space<vmem>>)
      %dma_wait3A_136 = arith.constant 0 : i32
      %dma_wait3A_137 = arith.constant 0 : i32
      %dma_wait3A_138 = tpu.memref_slice %arg8[%dma_wait3A_136, %dma_wait3A_137] : memref<40x128xi32, #tpu.memory_space<vmem>> -> memref<1x128xi32, #tpu.memory_space<vmem>>
      %dma_wait3A_139 = tpu.memref_squeeze %dma_wait3A_138 : memref<1x128xi32, #tpu.memory_space<vmem>> -> memref<128xi32, #tpu.memory_space<vmem>>
      %dma_wait3A_140 = arith.constant 0 : i32
      %dma_wait3A_141 = arith.constant 0 : i32
      %dma_wait3A_142 = tpu.memref_slice %arg13[%dma_wait3A_140, %dma_wait3A_141] : memref<10112x64xbf16, #tpu.memory_space<vmem_shared>> -> memref<10112x64xbf16, #tpu.memory_space<vmem_shared>>
      tpu.wait_indirect_dma semaphore(%arg18 : memref<!tpu.dma_semaphore, #tpu.memory_space<semaphore_mem>>) src(%arg9 : memref<128x64xbf16, #tpu.memory_space<vmem>>) dst(%dma_wait3A_142 : memref<10112x64xbf16, #tpu.memory_space<vmem_shared>>)
      %add3A_143 = arith.constant 2 : i32
      %add3A_144 = arith.addi %add3A_128, %add3A_143 : i32
      %dma_start3A_145 = arith.constant 0 : i32
      %dma_start3A_146 = tpu.memref_slice %arg7[%add3A_144, %dma_start3A_145] : memref<40x128xi32, #tpu.memory_space<vmem>> -> memref<1x128xi32, #tpu.memory_space<vmem>>
      %dma_start3A_147 = tpu.memref_squeeze %dma_start3A_146 : memref<1x128xi32, #tpu.memory_space<vmem>> -> memref<128xi32, #tpu.memory_space<vmem>>
      %dma_start3A_148 = arith.constant 0 : i32
      %dma_start3A_149 = arith.constant 0 : i32
      %dma_start3A_150 = tpu.memref_slice %arg2[%dma_start3A_148, %dma_start3A_149] : memref<10000x64xbf16, #tpu.memory_space<hbm>> -> memref<10000x64xbf16, #tpu.memory_space<hbm>>
      tpu.enqueue_indirect_dma source(%dma_start3A_150 : memref<10000x64xbf16, #tpu.memory_space<hbm>>) target(%arg9 : memref<128x64xbf16, #tpu.memory_space<vmem>>) offsets(%dma_start3A_147 : memref<128xi32, #tpu.memory_space<vmem>>) semaphore(%arg14 : memref<!tpu.dma_semaphore, #tpu.memory_space<semaphore_mem>>)
      %dma_start3A_151 = arith.constant 0 : i32
      %dma_start3A_152 = tpu.memref_slice %arg8[%add3A_128, %dma_start3A_151] : memref<40x128xi32, #tpu.memory_space<vmem>> -> memref<1x128xi32, #tpu.memory_space<vmem>>
      %dma_start3A_153 = tpu.memref_squeeze %dma_start3A_152 : memref<1x128xi32, #tpu.memory_space<vmem>> -> memref<128xi32, #tpu.memory_space<vmem>>
      %dma_start3A_154 = arith.constant 0 : i32
      %dma_start3A_155 = arith.constant 0 : i32
      %dma_start3A_156 = tpu.memref_slice %arg13[%dma_start3A_154, %dma_start3A_155] : memref<10112x64xbf16, #tpu.memory_space<vmem_shared>> -> memref<10112x64xbf16, #tpu.memory_space<vmem_shared>>
      tpu.enqueue_indirect_dma source(%arg11 : memref<128x64xbf16, #tpu.memory_space<vmem>>) target(%dma_start3A_156 : memref<10112x64xbf16, #tpu.memory_space<vmem_shared>>) offsets(%dma_start3A_153 : memref<128xi32, #tpu.memory_space<vmem>>) semaphore(%arg20 : memref<!tpu.dma_semaphore, #tpu.memory_space<semaphore_mem>>) {add = true}
      %mul3A_157 = arith.constant 4 : i32
      %mul3A_158 = arith.muli %mul3A_157, %add3A_122 : i32
      %add3A_159 = arith.constant 2 : i32
      %add3A_160 = arith.addi %mul3A_158, %add3A_159 : i32
      %add3A_161 = arith.constant 1 : i32
      %add3A_162 = arith.addi %add3A_160, %add3A_161 : i32
      %dma_wait3A_163 = arith.constant 0 : i32
      %dma_wait3A_164 = arith.constant 0 : i32
      %dma_wait3A_165 = tpu.memref_slice %arg7[%dma_wait3A_163, %dma_wait3A_164] : memref<40x128xi32, #tpu.memory_space<vmem>> -> memref<1x128xi32, #tpu.memory_space<vmem>>
      %dma_wait3A_166 = tpu.memref_squeeze %dma_wait3A_165 : memref<1x128xi32, #tpu.memory_space<vmem>> -> memref<128xi32, #tpu.memory_space<vmem>>
      %dma_wait3A_167 = arith.constant 0 : i32
      %dma_wait3A_168 = arith.constant 0 : i32
      %dma_wait3A_169 = tpu.memref_slice %arg2[%dma_wait3A_167, %dma_wait3A_168] : memref<10000x64xbf16, #tpu.memory_space<hbm>> -> memref<10000x64xbf16, #tpu.memory_space<hbm>>
      tpu.wait_indirect_dma semaphore(%arg17 : memref<!tpu.dma_semaphore, #tpu.memory_space<semaphore_mem>>) src(%dma_wait3A_169 : memref<10000x64xbf16, #tpu.memory_space<hbm>>) dst(%arg12 : memref<128x64xbf16, #tpu.memory_space<vmem>>)
      %dma_wait3A_170 = arith.constant 0 : i32
      %dma_wait3A_171 = arith.constant 0 : i32
      %dma_wait3A_172 = tpu.memref_slice %arg8[%dma_wait3A_170, %dma_wait3A_171] : memref<40x128xi32, #tpu.memory_space<vmem>> -> memref<1x128xi32, #tpu.memory_space<vmem>>
      %dma_wait3A_173 = tpu.memref_squeeze %dma_wait3A_172 : memref<1x128xi32, #tpu.memory_space<vmem>> -> memref<128xi32, #tpu.memory_space<vmem>>
      %dma_wait3A_174 = arith.constant 0 : i32
      %dma_wait3A_175 = arith.constant 0 : i32
      %dma_wait3A_176 = tpu.memref_slice %arg13[%dma_wait3A_174, %dma_wait3A_175] : memref<10112x64xbf16, #tpu.memory_space<vmem_shared>> -> memref<10112x64xbf16, #tpu.memory_space<vmem_shared>>
      tpu.wait_indirect_dma semaphore(%arg19 : memref<!tpu.dma_semaphore, #tpu.memory_space<semaphore_mem>>) src(%arg10 : memref<128x64xbf16, #tpu.memory_space<vmem>>) dst(%dma_wait3A_176 : memref<10112x64xbf16, #tpu.memory_space<vmem_shared>>)
      %add3A_177 = arith.constant 2 : i32
      %add3A_178 = arith.addi %add3A_162, %add3A_177 : i32
      %dma_start3A_179 = arith.constant 0 : i32
      %dma_start3A_180 = tpu.memref_slice %arg7[%add3A_178, %dma_start3A_179] : memref<40x128xi32, #tpu.memory_space<vmem>> -> memref<1x128xi32, #tpu.memory_space<vmem>>
      %dma_start3A_181 = tpu.memref_squeeze %dma_start3A_180 : memref<1x128xi32, #tpu.memory_space<vmem>> -> memref<128xi32, #tpu.memory_space<vmem>>
      %dma_start3A_182 = arith.constant 0 : i32
      %dma_start3A_183 = arith.constant 0 : i32
      %dma_start3A_184 = tpu.memref_slice %arg2[%dma_start3A_182, %dma_start3A_183] : memref<10000x64xbf16, #tpu.memory_space<hbm>> -> memref<10000x64xbf16, #tpu.memory_space<hbm>>
      tpu.enqueue_indirect_dma source(%dma_start3A_184 : memref<10000x64xbf16, #tpu.memory_space<hbm>>) target(%arg10 : memref<128x64xbf16, #tpu.memory_space<vmem>>) offsets(%dma_start3A_181 : memref<128xi32, #tpu.memory_space<vmem>>) semaphore(%arg15 : memref<!tpu.dma_semaphore, #tpu.memory_space<semaphore_mem>>)
      %dma_start3A_185 = arith.constant 0 : i32
      %dma_start3A_186 = tpu.memref_slice %arg8[%add3A_162, %dma_start3A_185] : memref<40x128xi32, #tpu.memory_space<vmem>> -> memref<1x128xi32, #tpu.memory_space<vmem>>
      %dma_start3A_187 = tpu.memref_squeeze %dma_start3A_186 : memref<1x128xi32, #tpu.memory_space<vmem>> -> memref<128xi32, #tpu.memory_space<vmem>>
      %dma_start3A_188 = arith.constant 0 : i32
      %dma_start3A_189 = arith.constant 0 : i32
      %dma_start3A_190 = tpu.memref_slice %arg13[%dma_start3A_188, %dma_start3A_189] : memref<10112x64xbf16, #tpu.memory_space<vmem_shared>> -> memref<10112x64xbf16, #tpu.memory_space<vmem_shared>>
      tpu.enqueue_indirect_dma source(%arg12 : memref<128x64xbf16, #tpu.memory_space<vmem>>) target(%dma_start3A_190 : memref<10112x64xbf16, #tpu.memory_space<vmem_shared>>) offsets(%dma_start3A_187 : memref<128xi32, #tpu.memory_space<vmem>>) semaphore(%arg21 : memref<!tpu.dma_semaphore, #tpu.memory_space<semaphore_mem>>) {add = true}
      %mul3A_191 = arith.constant 4 : i32
      %mul3A_192 = arith.muli %mul3A_191, %add3A_122 : i32
      %add3A_193 = arith.constant 2 : i32
      %add3A_194 = arith.addi %mul3A_192, %add3A_193 : i32
      %add3A_195 = arith.constant 2 : i32
      %add3A_196 = arith.addi %add3A_194, %add3A_195 : i32
      %dma_wait3A_197 = arith.constant 0 : i32
      %dma_wait3A_198 = arith.constant 0 : i32
      %dma_wait3A_199 = tpu.memref_slice %arg7[%dma_wait3A_197, %dma_wait3A_198] : memref<40x128xi32, #tpu.memory_space<vmem>> -> memref<1x128xi32, #tpu.memory_space<vmem>>
      %dma_wait3A_200 = tpu.memref_squeeze %dma_wait3A_199 : memref<1x128xi32, #tpu.memory_space<vmem>> -> memref<128xi32, #tpu.memory_space<vmem>>
      %dma_wait3A_201 = arith.constant 0 : i32
      %dma_wait3A_202 = arith.constant 0 : i32
      %dma_wait3A_203 = tpu.memref_slice %arg2[%dma_wait3A_201, %dma_wait3A_202] : memref<10000x64xbf16, #tpu.memory_space<hbm>> -> memref<10000x64xbf16, #tpu.memory_space<hbm>>
      tpu.wait_indirect_dma semaphore(%arg14 : memref<!tpu.dma_semaphore, #tpu.memory_space<semaphore_mem>>) src(%dma_wait3A_203 : memref<10000x64xbf16, #tpu.memory_space<hbm>>) dst(%arg9 : memref<128x64xbf16, #tpu.memory_space<vmem>>)
      %dma_wait3A_204 = arith.constant 0 : i32
      %dma_wait3A_205 = arith.constant 0 : i32
      %dma_wait3A_206 = tpu.memref_slice %arg8[%dma_wait3A_204, %dma_wait3A_205] : memref<40x128xi32, #tpu.memory_space<vmem>> -> memref<1x128xi32, #tpu.memory_space<vmem>>
      %dma_wait3A_207 = tpu.memref_squeeze %dma_wait3A_206 : memref<1x128xi32, #tpu.memory_space<vmem>> -> memref<128xi32, #tpu.memory_space<vmem>>
      %dma_wait3A_208 = arith.constant 0 : i32
      %dma_wait3A_209 = arith.constant 0 : i32
      %dma_wait3A_210 = tpu.memref_slice %arg13[%dma_wait3A_208, %dma_wait3A_209] : memref<10112x64xbf16, #tpu.memory_space<vmem_shared>> -> memref<10112x64xbf16, #tpu.memory_space<vmem_shared>>
      tpu.wait_indirect_dma semaphore(%arg20 : memref<!tpu.dma_semaphore, #tpu.memory_space<semaphore_mem>>) src(%arg11 : memref<128x64xbf16, #tpu.memory_space<vmem>>) dst(%dma_wait3A_210 : memref<10112x64xbf16, #tpu.memory_space<vmem_shared>>)
      %add3A_211 = arith.constant 2 : i32
      %add3A_212 = arith.addi %add3A_196, %add3A_211 : i32
      %dma_start3A_213 = arith.constant 0 : i32
      %dma_start3A_214 = tpu.memref_slice %arg7[%add3A_212, %dma_start3A_213] : memref<40x128xi32, #tpu.memory_space<vmem>> -> memref<1x128xi32, #tpu.memory_space<vmem>>
      %dma_start3A_215 = tpu.memref_squeeze %dma_start3A_214 : memref<1x128xi32, #tpu.memory_space<vmem>> -> memref<128xi32, #tpu.memory_space<vmem>>
      %dma_start3A_216 = arith.constant 0 : i32
      %dma_start3A_217 = arith.constant 0 : i32
      %dma_start3A_218 = tpu.memref_slice %arg2[%dma_start3A_216, %dma_start3A_217] : memref<10000x64xbf16, #tpu.memory_space<hbm>> -> memref<10000x64xbf16, #tpu.memory_space<hbm>>
      tpu.enqueue_indirect_dma source(%dma_start3A_218 : memref<10000x64xbf16, #tpu.memory_space<hbm>>) target(%arg11 : memref<128x64xbf16, #tpu.memory_space<vmem>>) offsets(%dma_start3A_215 : memref<128xi32, #tpu.memory_space<vmem>>) semaphore(%arg16 : memref<!tpu.dma_semaphore, #tpu.memory_space<semaphore_mem>>)
      %dma_start3A_219 = arith.constant 0 : i32
      %dma_start3A_220 = tpu.memref_slice %arg8[%add3A_196, %dma_start3A_219] : memref<40x128xi32, #tpu.memory_space<vmem>> -> memref<1x128xi32, #tpu.memory_space<vmem>>
      %dma_start3A_221 = tpu.memref_squeeze %dma_start3A_220 : memref<1x128xi32, #tpu.memory_space<vmem>> -> memref<128xi32, #tpu.memory_space<vmem>>
      %dma_start3A_222 = arith.constant 0 : i32
      %dma_start3A_223 = arith.constant 0 : i32
      %dma_start3A_224 = tpu.memref_slice %arg13[%dma_start3A_222, %dma_start3A_223] : memref<10112x64xbf16, #tpu.memory_space<vmem_shared>> -> memref<10112x64xbf16, #tpu.memory_space<vmem_shared>>
      tpu.enqueue_indirect_dma source(%arg9 : memref<128x64xbf16, #tpu.memory_space<vmem>>) target(%dma_start3A_224 : memref<10112x64xbf16, #tpu.memory_space<vmem_shared>>) offsets(%dma_start3A_221 : memref<128xi32, #tpu.memory_space<vmem>>) semaphore(%arg18 : memref<!tpu.dma_semaphore, #tpu.memory_space<semaphore_mem>>) {add = true}
      %mul3A_225 = arith.constant 4 : i32
      %mul3A_226 = arith.muli %mul3A_225, %add3A_122 : i32
      %add3A_227 = arith.constant 2 : i32
      %add3A_228 = arith.addi %mul3A_226, %add3A_227 : i32
      %add3A_229 = arith.constant 3 : i32
      %add3A_230 = arith.addi %add3A_228, %add3A_229 : i32
      %dma_wait3A_231 = arith.constant 0 : i32
      %dma_wait3A_232 = arith.constant 0 : i32
      %dma_wait3A_233 = tpu.memref_slice %arg7[%dma_wait3A_231, %dma_wait3A_232] : memref<40x128xi32, #tpu.memory_space<vmem>> -> memref<1x128xi32, #tpu.memory_space<vmem>>
      %dma_wait3A_234 = tpu.memref_squeeze %dma_wait3A_233 : memref<1x128xi32, #tpu.memory_space<vmem>> -> memref<128xi32, #tpu.memory_space<vmem>>
      %dma_wait3A_235 = arith.constant 0 : i32
      %dma_wait3A_236 = arith.constant 0 : i32
      %dma_wait3A_237 = tpu.memref_slice %arg2[%dma_wait3A_235, %dma_wait3A_236] : memref<10000x64xbf16, #tpu.memory_space<hbm>> -> memref<10000x64xbf16, #tpu.memory_space<hbm>>
      tpu.wait_indirect_dma semaphore(%arg15 : memref<!tpu.dma_semaphore, #tpu.memory_space<semaphore_mem>>) src(%dma_wait3A_237 : memref<10000x64xbf16, #tpu.memory_space<hbm>>) dst(%arg10 : memref<128x64xbf16, #tpu.memory_space<vmem>>)
      %dma_wait3A_238 = arith.constant 0 : i32
      %dma_wait3A_239 = arith.constant 0 : i32
      %dma_wait3A_240 = tpu.memref_slice %arg8[%dma_wait3A_238, %dma_wait3A_239] : memref<40x128xi32, #tpu.memory_space<vmem>> -> memref<1x128xi32, #tpu.memory_space<vmem>>
      %dma_wait3A_241 = tpu.memref_squeeze %dma_wait3A_240 : memref<1x128xi32, #tpu.memory_space<vmem>> -> memref<128xi32, #tpu.memory_space<vmem>>
      %dma_wait3A_242 = arith.constant 0 : i32
      %dma_wait3A_243 = arith.constant 0 : i32
      %dma_wait3A_244 = tpu.memref_slice %arg13[%dma_wait3A_242, %dma_wait3A_243] : memref<10112x64xbf16, #tpu.memory_space<vmem_shared>> -> memref<10112x64xbf16, #tpu.memory_space<vmem_shared>>
      tpu.wait_indirect_dma semaphore(%arg21 : memref<!tpu.dma_semaphore, #tpu.memory_space<semaphore_mem>>) src(%arg12 : memref<128x64xbf16, #tpu.memory_space<vmem>>) dst(%dma_wait3A_244 : memref<10112x64xbf16, #tpu.memory_space<vmem_shared>>)
      %add3A_245 = arith.constant 2 : i32
      %add3A_246 = arith.addi %add3A_230, %add3A_245 : i32
      %dma_start3A_247 = arith.constant 0 : i32
      %dma_start3A_248 = tpu.memref_slice %arg7[%add3A_246, %dma_start3A_247] : memref<40x128xi32, #tpu.memory_space<vmem>> -> memref<1x128xi32, #tpu.memory_space<vmem>>
      %dma_start3A_249 = tpu.memref_squeeze %dma_start3A_248 : memref<1x128xi32, #tpu.memory_space<vmem>> -> memref<128xi32, #tpu.memory_space<vmem>>
      %dma_start3A_250 = arith.constant 0 : i32
      %dma_start3A_251 = arith.constant 0 : i32
      %dma_start3A_252 = tpu.memref_slice %arg2[%dma_start3A_250, %dma_start3A_251] : memref<10000x64xbf16, #tpu.memory_space<hbm>> -> memref<10000x64xbf16, #tpu.memory_space<hbm>>
      tpu.enqueue_indirect_dma source(%dma_start3A_252 : memref<10000x64xbf16, #tpu.memory_space<hbm>>) target(%arg12 : memref<128x64xbf16, #tpu.memory_space<vmem>>) offsets(%dma_start3A_249 : memref<128xi32, #tpu.memory_space<vmem>>) semaphore(%arg17 : memref<!tpu.dma_semaphore, #tpu.memory_space<semaphore_mem>>)
      %dma_start3A_253 = arith.constant 0 : i32
      %dma_start3A_254 = tpu.memref_slice %arg8[%add3A_230, %dma_start3A_253] : memref<40x128xi32, #tpu.memory_space<vmem>> -> memref<1x128xi32, #tpu.memory_space<vmem>>
      %dma_start3A_255 = tpu.memref_squeeze %dma_start3A_254 : memref<1x128xi32, #tpu.memory_space<vmem>> -> memref<128xi32, #tpu.memory_space<vmem>>
      %dma_start3A_256 = arith.constant 0 : i32
      %dma_start3A_257 = arith.constant 0 : i32
      %dma_start3A_258 = tpu.memref_slice %arg13[%dma_start3A_256, %dma_start3A_257] : memref<10112x64xbf16, #tpu.memory_space<vmem_shared>> -> memref<10112x64xbf16, #tpu.memory_space<vmem_shared>>
      tpu.enqueue_indirect_dma source(%arg10 : memref<128x64xbf16, #tpu.memory_space<vmem>>) target(%dma_start3A_258 : memref<10112x64xbf16, #tpu.memory_space<vmem_shared>>) offsets(%dma_start3A_255 : memref<128xi32, #tpu.memory_space<vmem>>) semaphore(%arg19 : memref<!tpu.dma_semaphore, #tpu.memory_space<semaphore_mem>>) {add = true}
    }
    %scan3A_60 = arith.constant 9 : i32
    %dma_wait3A_61 = arith.constant 0 : i32
    %dma_wait3A_62 = arith.constant 0 : i32
    %dma_wait3A_63 = tpu.memref_slice %arg7[%dma_wait3A_61, %dma_wait3A_62] : memref<40x128xi32, #tpu.memory_space<vmem>> -> memref<1x128xi32, #tpu.memory_space<vmem>>
    %dma_wait3A_64 = tpu.memref_squeeze %dma_wait3A_63 : memref<1x128xi32, #tpu.memory_space<vmem>> -> memref<128xi32, #tpu.memory_space<vmem>>
    %dma_wait3A_65 = arith.constant 0 : i32
    %dma_wait3A_66 = arith.constant 0 : i32
    %dma_wait3A_67 = tpu.memref_slice %arg2[%dma_wait3A_65, %dma_wait3A_66] : memref<10000x64xbf16, #tpu.memory_space<hbm>> -> memref<10000x64xbf16, #tpu.memory_space<hbm>>
    tpu.wait_indirect_dma semaphore(%arg16 : memref<!tpu.dma_semaphore, #tpu.memory_space<semaphore_mem>>) src(%dma_wait3A_67 : memref<10000x64xbf16, #tpu.memory_space<hbm>>) dst(%arg11 : memref<128x64xbf16, #tpu.memory_space<vmem>>)
    %dma_start3A_68 = arith.constant 38 : i32
    %dma_start3A_69 = arith.constant 0 : i32
    %dma_start3A_70 = tpu.memref_slice %arg8[%dma_start3A_68, %dma_start3A_69] : memref<40x128xi32, #tpu.memory_space<vmem>> -> memref<1x128xi32, #tpu.memory_space<vmem>>
    %dma_start3A_71 = tpu.memref_squeeze %dma_start3A_70 : memref<1x128xi32, #tpu.memory_space<vmem>> -> memref<128xi32, #tpu.memory_space<vmem>>
    %dma_start3A_72 = arith.constant 0 : i32
    %dma_start3A_73 = arith.constant 0 : i32
    %dma_start3A_74 = tpu.memref_slice %arg13[%dma_start3A_72, %dma_start3A_73] : memref<10112x64xbf16, #tpu.memory_space<vmem_shared>> -> memref<10112x64xbf16, #tpu.memory_space<vmem_shared>>
    tpu.enqueue_indirect_dma source(%arg11 : memref<128x64xbf16, #tpu.memory_space<vmem>>) target(%dma_start3A_74 : memref<10112x64xbf16, #tpu.memory_space<vmem_shared>>) offsets(%dma_start3A_71 : memref<128xi32, #tpu.memory_space<vmem>>) semaphore(%arg20 : memref<!tpu.dma_semaphore, #tpu.memory_space<semaphore_mem>>) {add = true}
    %dma_wait3A_75 = arith.constant 0 : i32
    %dma_wait3A_76 = arith.constant 0 : i32
    %dma_wait3A_77 = tpu.memref_slice %arg7[%dma_wait3A_75, %dma_wait3A_76] : memref<40x128xi32, #tpu.memory_space<vmem>> -> memref<1x128xi32, #tpu.memory_space<vmem>>
    %dma_wait3A_78 = tpu.memref_squeeze %dma_wait3A_77 : memref<1x128xi32, #tpu.memory_space<vmem>> -> memref<128xi32, #tpu.memory_space<vmem>>
    %dma_wait3A_79 = arith.constant 0 : i32
    %dma_wait3A_80 = arith.constant 0 : i32
    %dma_wait3A_81 = tpu.memref_slice %arg2[%dma_wait3A_79, %dma_wait3A_80] : memref<10000x64xbf16, #tpu.memory_space<hbm>> -> memref<10000x64xbf16, #tpu.memory_space<hbm>>
    tpu.wait_indirect_dma semaphore(%arg17 : memref<!tpu.dma_semaphore, #tpu.memory_space<semaphore_mem>>) src(%dma_wait3A_81 : memref<10000x64xbf16, #tpu.memory_space<hbm>>) dst(%arg12 : memref<128x64xbf16, #tpu.memory_space<vmem>>)
    %dma_start3A_82 = arith.constant 39 : i32
    %dma_start3A_83 = arith.constant 0 : i32
    %dma_start3A_84 = tpu.memref_slice %arg8[%dma_start3A_82, %dma_start3A_83] : memref<40x128xi32, #tpu.memory_space<vmem>> -> memref<1x128xi32, #tpu.memory_space<vmem>>
    %dma_start3A_85 = tpu.memref_squeeze %dma_start3A_84 : memref<1x128xi32, #tpu.memory_space<vmem>> -> memref<128xi32, #tpu.memory_space<vmem>>
    %dma_start3A_86 = arith.constant 0 : i32
    %dma_start3A_87 = arith.constant 0 : i32
    %dma_start3A_88 = tpu.memref_slice %arg13[%dma_start3A_86, %dma_start3A_87] : memref<10112x64xbf16, #tpu.memory_space<vmem_shared>> -> memref<10112x64xbf16, #tpu.memory_space<vmem_shared>>
    tpu.enqueue_indirect_dma source(%arg12 : memref<128x64xbf16, #tpu.memory_space<vmem>>) target(%dma_start3A_88 : memref<10112x64xbf16, #tpu.memory_space<vmem_shared>>) offsets(%dma_start3A_85 : memref<128xi32, #tpu.memory_space<vmem>>) semaphore(%arg21 : memref<!tpu.dma_semaphore, #tpu.memory_space<semaphore_mem>>) {add = true}
    %dma_wait3A_89 = arith.constant 0 : i32
    %dma_wait3A_90 = arith.constant 0 : i32
    %dma_wait3A_91 = tpu.memref_slice %arg8[%dma_wait3A_89, %dma_wait3A_90] : memref<40x128xi32, #tpu.memory_space<vmem>> -> memref<1x128xi32, #tpu.memory_space<vmem>>
    %dma_wait3A_92 = tpu.memref_squeeze %dma_wait3A_91 : memref<1x128xi32, #tpu.memory_space<vmem>> -> memref<128xi32, #tpu.memory_space<vmem>>
    %dma_wait3A_93 = arith.constant 0 : i32
    %dma_wait3A_94 = arith.constant 0 : i32
    %dma_wait3A_95 = tpu.memref_slice %arg13[%dma_wait3A_93, %dma_wait3A_94] : memref<10112x64xbf16, #tpu.memory_space<vmem_shared>> -> memref<10112x64xbf16, #tpu.memory_space<vmem_shared>>
    tpu.wait_indirect_dma semaphore(%arg18 : memref<!tpu.dma_semaphore, #tpu.memory_space<semaphore_mem>>) src(%arg9 : memref<128x64xbf16, #tpu.memory_space<vmem>>) dst(%dma_wait3A_95 : memref<10112x64xbf16, #tpu.memory_space<vmem_shared>>)
    %dma_wait3A_96 = arith.constant 0 : i32
    %dma_wait3A_97 = arith.constant 0 : i32
    %dma_wait3A_98 = tpu.memref_slice %arg8[%dma_wait3A_96, %dma_wait3A_97] : memref<40x128xi32, #tpu.memory_space<vmem>> -> memref<1x128xi32, #tpu.memory_space<vmem>>
    %dma_wait3A_99 = tpu.memref_squeeze %dma_wait3A_98 : memref<1x128xi32, #tpu.memory_space<vmem>> -> memref<128xi32, #tpu.memory_space<vmem>>
    %dma_wait3A_100 = arith.constant 0 : i32
    %dma_wait3A_101 = arith.constant 0 : i32
    %dma_wait3A_102 = tpu.memref_slice %arg13[%dma_wait3A_100, %dma_wait3A_101] : memref<10112x64xbf16, #tpu.memory_space<vmem_shared>> -> memref<10112x64xbf16, #tpu.memory_space<vmem_shared>>
    tpu.wait_indirect_dma semaphore(%arg19 : memref<!tpu.dma_semaphore, #tpu.memory_space<semaphore_mem>>) src(%arg10 : memref<128x64xbf16, #tpu.memory_space<vmem>>) dst(%dma_wait3A_102 : memref<10112x64xbf16, #tpu.memory_space<vmem_shared>>)
    %dma_wait3A_103 = arith.constant 0 : i32
    %dma_wait3A_104 = arith.constant 0 : i32
    %dma_wait3A_105 = tpu.memref_slice %arg8[%dma_wait3A_103, %dma_wait3A_104] : memref<40x128xi32, #tpu.memory_space<vmem>> -> memref<1x128xi32, #tpu.memory_space<vmem>>
    %dma_wait3A_106 = tpu.memref_squeeze %dma_wait3A_105 : memref<1x128xi32, #tpu.memory_space<vmem>> -> memref<128xi32, #tpu.memory_space<vmem>>
    %dma_wait3A_107 = arith.constant 0 : i32
    %dma_wait3A_108 = arith.constant 0 : i32
    %dma_wait3A_109 = tpu.memref_slice %arg13[%dma_wait3A_107, %dma_wait3A_108] : memref<10112x64xbf16, #tpu.memory_space<vmem_shared>> -> memref<10112x64xbf16, #tpu.memory_space<vmem_shared>>
    tpu.wait_indirect_dma semaphore(%arg20 : memref<!tpu.dma_semaphore, #tpu.memory_space<semaphore_mem>>) src(%arg11 : memref<128x64xbf16, #tpu.memory_space<vmem>>) dst(%dma_wait3A_109 : memref<10112x64xbf16, #tpu.memory_space<vmem_shared>>)
    %dma_wait3A_110 = arith.constant 0 : i32
    %dma_wait3A_111 = arith.constant 0 : i32
    %dma_wait3A_112 = tpu.memref_slice %arg8[%dma_wait3A_110, %dma_wait3A_111] : memref<40x128xi32, #tpu.memory_space<vmem>> -> memref<1x128xi32, #tpu.memory_space<vmem>>
    %dma_wait3A_113 = tpu.memref_squeeze %dma_wait3A_112 : memref<1x128xi32, #tpu.memory_space<vmem>> -> memref<128xi32, #tpu.memory_space<vmem>>
    %dma_wait3A_114 = arith.constant 0 : i32
    %dma_wait3A_115 = arith.constant 0 : i32
    %dma_wait3A_116 = tpu.memref_slice %arg13[%dma_wait3A_114, %dma_wait3A_115] : memref<10112x64xbf16, #tpu.memory_space<vmem_shared>> -> memref<10112x64xbf16, #tpu.memory_space<vmem_shared>>
    tpu.wait_indirect_dma semaphore(%arg21 : memref<!tpu.dma_semaphore, #tpu.memory_space<semaphore_mem>>) src(%arg12 : memref<128x64xbf16, #tpu.memory_space<vmem>>) dst(%dma_wait3A_116 : memref<10112x64xbf16, #tpu.memory_space<vmem_shared>>)
    %barrier3A_117 = arith.constant 0 : index
    tpu.barrier barrier_id(%barrier3A_117)
    "tpu.region"() ({
      %run_scoped3A = tpu.sem_alloc : memref<!tpu.dma_semaphore, #tpu.memory_space<semaphore_mem>>
      %dma_start3A_118 = arith.constant 0 : i32
      %dma_start3A_119 = tpu.memref_slice %arg6[%arg0, %mul3A_2, %dma_start3A_118] : memref<2x10112x64xbf16, #tpu.memory_space<hbm>> -> memref<1x632x64xbf16, #tpu.memory_space<hbm>>
      %dma_start3A_120 = tpu.memref_squeeze %dma_start3A_119 : memref<1x632x64xbf16, #tpu.memory_space<hbm>> -> memref<632x64xbf16, #tpu.memory_space<hbm>>
      %dma_start3A_121 = arith.constant 0 : i32
      %dma_start3A_122 = tpu.memref_slice %arg13[%mul3A_2, %dma_start3A_121] : memref<10112x64xbf16, #tpu.memory_space<vmem_shared>> -> memref<632x64xbf16, #tpu.memory_space<vmem_shared>>
      tpu.enqueue_dma source(%dma_start3A_122 : memref<632x64xbf16, #tpu.memory_space<vmem_shared>>) target(%dma_start3A_120 : memref<632x64xbf16, #tpu.memory_space<hbm>>) target_semaphore(%run_scoped3A : memref<!tpu.dma_semaphore, #tpu.memory_space<semaphore_mem>>)
      %dma_wait3A_123 = arith.constant 0 : i32
      %dma_wait3A_124 = tpu.memref_slice %arg6[%arg0, %mul3A_2, %dma_wait3A_123] : memref<2x10112x64xbf16, #tpu.memory_space<hbm>> -> memref<1x632x64xbf16, #tpu.memory_space<hbm>>
      %dma_wait3A_125 = tpu.memref_squeeze %dma_wait3A_124 : memref<1x632x64xbf16, #tpu.memory_space<hbm>> -> memref<632x64xbf16, #tpu.memory_space<hbm>>
      %dma_wait3A_126 = arith.constant 0 : i32
      %dma_wait3A_127 = tpu.memref_slice %arg13[%mul3A_2, %dma_wait3A_126] : memref<10112x64xbf16, #tpu.memory_space<vmem_shared>> -> memref<632x64xbf16, #tpu.memory_space<vmem_shared>>
      tpu.wait_dma2 semaphore(%run_scoped3A : memref<!tpu.dma_semaphore, #tpu.memory_space<semaphore_mem>>) src(%dma_wait3A_127 : memref<632x64xbf16, #tpu.memory_space<vmem_shared>>) dst(%dma_wait3A_125 : memref<632x64xbf16, #tpu.memory_space<hbm>>)
      tpu.yield
    }) : () -> ()
    return
  }
}

module attributes {stable_mosaic.version = 14 : i64} {
  func.func @_tc0_body(%arg0: i32, %arg1: memref<1000x256xf32, #tpu.memory_space<vmem>>, %arg2: memref<256x160xf32, #tpu.memory_space<vmem>>, %arg3: memref<256x128xf32, #tpu.memory_space<vmem>>, %arg4: memref<1000x160xbf16, #tpu.memory_space<vmem>>, %arg5: memref<1000x128xf32, #tpu.memory_space<vmem>>) attributes {dimension_semantics = [#tpu.dimension_semantics<arbitrary>], iteration_bounds = array<i64: 10>, scalar_prefetch = 0 : i64, scratch_operands = 0 : i64, tpu.core_type = #tpu.core_type<tc>, window_params = [{transform_indices = @transform_0, window_bounds = array<i64: 1000, 256>}, {pipeline_mode = #tpu.pipeline_mode<synchronous>, transform_indices = @transform_1, window_bounds = array<i64: 256, 160>}, {pipeline_mode = #tpu.pipeline_mode<synchronous>, transform_indices = @transform_2, window_bounds = array<i64: 256, 128>}, {transform_indices = @transform_3, window_bounds = array<i64: 1000, 160>}, {transform_indices = @transform_4, window_bounds = array<i64: 1000, 128>}]} {
    %get3A = arith.constant 0 : index
    %get3A_0 = arith.constant 0 : index
    %get3A_1 = vector.load %arg1[%get3A, %get3A_0] : memref<1000x256xf32, #tpu.memory_space<vmem>>, vector<1000x256xf32>
    %get3A_2 = arith.constant 0 : index
    %get3A_3 = arith.constant 0 : index
    %get3A_4 = vector.load %arg2[%get3A_2, %get3A_3] : memref<256x160xf32, #tpu.memory_space<vmem>>, vector<256x160xf32>
    %dot_general3A = arith.constant dense<0.000000e+00> : vector<1000x160xf32>
    %dot_general3A_5 = tpu.matmul %get3A_1, %get3A_4, %dot_general3A {dimension_numbers = #tpu.dot_dimension_numbers<[1], [0], [0], [1], [0, 0, 1, 1], [], []>, transpose_lhs_hint = false} : vector<1000x256xf32>, vector<256x160xf32>, vector<1000x160xf32> -> vector<1000x160xf32>
    %iota3A = tpu.iota {dimensions = array<i32: 1>} : vector<1000x160xi32>
    %eq3A = arith.constant 128 : i32
    %eq3A_6 = vector.broadcast %eq3A : i32 to vector<1000x160xi32>
    %eq3A_7 = arith.cmpi eq, %iota3A, %eq3A_6 : vector<1000x160xi32>
    %jit3A = arith.constant 1.000000e+00 : f32
    %jit3A_8 = arith.constant 0.000000e+00 : f32
    %broadcast_in_dim3A = vector.broadcast %jit3A : f32 to vector<1000x160xf32>
    %broadcast_in_dim3A_9 = vector.broadcast %jit3A_8 : f32 to vector<1000x160xf32>
    %select_n3A = arith.select %eq3A_7, %broadcast_in_dim3A, %broadcast_in_dim3A_9 : vector<1000x160xi1>, vector<1000x160xf32>
    %add3A = arith.addf %dot_general3A_5, %select_n3A : vector<1000x160xf32>
    %convert_element_type3A = arith.truncf %add3A : vector<1000x160xf32> to vector<1000x160xbf16>
    %swap3A = arith.constant 0 : index
    %swap3A_10 = arith.constant 0 : index
    %swap3A_11 = vector.load %arg4[%swap3A, %swap3A_10] : memref<1000x160xbf16, #tpu.memory_space<vmem>>, vector<1000x160xbf16>
    tpu.vector_store %arg4[%swap3A, %swap3A_10], %convert_element_type3A {strides = array<i32>} : memref<1000x160xbf16, #tpu.memory_space<vmem>>, vector<1000x160xbf16>,
    %get3A_12 = arith.constant 0 : index
    %get3A_13 = arith.constant 0 : index
    %get3A_14 = vector.load %arg3[%get3A_12, %get3A_13] : memref<256x128xf32, #tpu.memory_space<vmem>>, vector<256x128xf32>
    %dot_general3A_15 = arith.constant dense<0.000000e+00> : vector<1000x128xf32>
    %dot_general3A_16 = tpu.matmul %get3A_1, %get3A_14, %dot_general3A_15 {dimension_numbers = #tpu.dot_dimension_numbers<[1], [0], [0], [1], [0, 0, 1, 1], [], []>, transpose_lhs_hint = false} : vector<1000x256xf32>, vector<256x128xf32>, vector<1000x128xf32> -> vector<1000x128xf32>
    %swap3A_17 = arith.constant 0 : index
    %swap3A_18 = arith.constant 0 : index
    %swap3A_19 = vector.load %arg5[%swap3A_17, %swap3A_18] : memref<1000x128xf32, #tpu.memory_space<vmem>>, vector<1000x128xf32>
    tpu.vector_store %arg5[%swap3A_17, %swap3A_18], %dot_general3A_16 {strides = array<i32>} : memref<1000x128xf32, #tpu.memory_space<vmem>>, vector<1000x128xf32>,
    return
  }
  func.func @transform_0(%arg0: i32) -> (i32, i32) {
    %c0_i32 = arith.constant 0 : i32
    %c0_i32_0 = arith.constant 0 : i32
    return %arg0, %c0_i32 : i32, i32
  }
  func.func @transform_1(%arg0: i32) -> (i32, i32) {
    %c0_i32 = arith.constant 0 : i32
    %c0_i32_0 = arith.constant 0 : i32
    %c0_i32_1 = arith.constant 0 : i32
    return %c0_i32, %c0_i32_0 : i32, i32
  }
  func.func @transform_2(%arg0: i32) -> (i32, i32) {
    %c0_i32 = arith.constant 0 : i32
    %c0_i32_0 = arith.constant 0 : i32
    %c0_i32_1 = arith.constant 0 : i32
    return %c0_i32, %c0_i32_0 : i32, i32
  }
  func.func @transform_3(%arg0: i32) -> (i32, i32) {
    %c0_i32 = arith.constant 0 : i32
    %c0_i32_0 = arith.constant 0 : i32
    return %arg0, %c0_i32 : i32, i32
  }
  func.func @transform_4(%arg0: i32) -> (i32, i32) {
    %c0_i32 = arith.constant 0 : i32
    %c0_i32_0 = arith.constant 0 : i32
    return %arg0, %c0_i32 : i32, i32
  }
}

module attributes {stable_mosaic.version = 14 : i64} {
  func.func @_fuse1_body(%arg0: i32, %arg1: memref<1x1000x160xbf16, #tpu.memory_space<vmem>>, %arg2: memref<1x1000x160xbf16, #tpu.memory_space<vmem>>, %arg3: memref<1000x128xf32, #tpu.memory_space<vmem>>, %arg4: memref<1x128xf32, #tpu.memory_space<vmem>>, %arg5: memref<128x128xf32, #tpu.memory_space<vmem>>, %arg6: memref<128x128xf32, #tpu.memory_space<vmem>>, %arg7: memref<1000x128xbf16, #tpu.memory_space<vmem>>, %arg8: memref<1000x128xf32, #tpu.memory_space<vmem>>, %arg9: memref<1000x1xf32, #tpu.memory_space<vmem>>) attributes {dimension_semantics = [#tpu.dimension_semantics<arbitrary>], iteration_bounds = array<i64: 10>, scalar_prefetch = 0 : i64, scratch_operands = 0 : i64, tpu.core_type = #tpu.core_type<tc>, window_params = [{transform_indices = @transform_0, window_bounds = array<i64: 1, 1000, 160>}, {transform_indices = @transform_1, window_bounds = array<i64: 1, 1000, 160>}, {transform_indices = @transform_2, window_bounds = array<i64: 1000, 128>}, {pipeline_mode = #tpu.pipeline_mode<synchronous>, transform_indices = @transform_3, window_bounds = array<i64: 1, 128>}, {pipeline_mode = #tpu.pipeline_mode<synchronous>, transform_indices = @transform_4, window_bounds = array<i64: 128, 128>}, {pipeline_mode = #tpu.pipeline_mode<synchronous>, transform_indices = @transform_5, window_bounds = array<i64: 128, 128>}, {transform_indices = @transform_6, window_bounds = array<i64: 1000, 128>}, {transform_indices = @transform_7, window_bounds = array<i64: 1000, 128>}, {transform_indices = @transform_8, window_bounds = array<i64: 1000, 1>}]} {
    %get3A = arith.constant 0 : index
    %get3A_0 = arith.constant 0 : index
    %get3A_1 = arith.constant 0 : index
    %get3A_2 = vector.load %arg1[%get3A, %get3A_0, %get3A_1] : memref<1x1000x160xbf16, #tpu.memory_space<vmem>>, vector<1x1000x160xbf16>
    %get3A_3 = vector.shape_cast %get3A_2 : vector<1x1000x160xbf16> to vector<1000x160xbf16>
    %convert_element_type3A = arith.extf %get3A_3 : vector<1000x160xbf16> to vector<1000x160xf32>
    %get3A_4 = arith.constant 0 : index
    %get3A_5 = arith.constant 0 : index
    %get3A_6 = arith.constant 0 : index
    %get3A_7 = vector.load %arg2[%get3A_4, %get3A_5, %get3A_6] : memref<1x1000x160xbf16, #tpu.memory_space<vmem>>, vector<1x1000x160xbf16>
    %get3A_8 = vector.shape_cast %get3A_7 : vector<1x1000x160xbf16> to vector<1000x160xbf16>
    %convert_element_type3A_9 = arith.extf %get3A_8 : vector<1000x160xbf16> to vector<1000x160xf32>
    %slice3A = vector.extract_strided_slice %convert_element_type3A {offsets = [0, 0], sizes = [1000, 128], strides = [1, 1]} : vector<1000x160xf32> to vector<1000x128xf32>
    %slice3A_10 = vector.extract_strided_slice %convert_element_type3A_9 {offsets = [0, 0], sizes = [1000, 128], strides = [1, 1]} : vector<1000x160xf32> to vector<1000x128xf32>
    %add3A = arith.addf %slice3A, %slice3A_10 : vector<1000x128xf32>
    %slice3A_11 = vector.extract_strided_slice %convert_element_type3A {offsets = [0, 128], sizes = [1000, 1], strides = [1, 1]} : vector<1000x160xf32> to vector<1000x1xf32>
    %slice3A_12 = vector.extract_strided_slice %convert_element_type3A_9 {offsets = [0, 128], sizes = [1000, 1], strides = [1, 1]} : vector<1000x160xf32> to vector<1000x1xf32>
    %add3A_13 = arith.addf %slice3A_11, %slice3A_12 : vector<1000x1xf32>
    %max3A = arith.constant 1.000000e+00 : f32
    %max3A_14 = vector.broadcast %max3A : f32 to vector<1000x1xf32>
    %max3A_15 = arith.maximumf %add3A_13, %max3A_14 : vector<1000x1xf32>
    %div3A = arith.constant 1.000000e+00 : f32
    %div3A_16 = vector.broadcast %div3A : f32 to vector<1000x1xf32>
    %div3A_17 = arith.divf %div3A_16, %max3A_15 : vector<1000x1xf32>
    %mul3A = vector.broadcast %div3A_17 : vector<1000x1xf32> to vector<1000x128xf32>
    %mul3A_18 = arith.mulf %add3A, %mul3A : vector<1000x128xf32>
    %get3A_19 = arith.constant 0 : index
    %get3A_20 = arith.constant 0 : index
    %get3A_21 = vector.load %arg4[%get3A_19, %get3A_20] : memref<1x128xf32, #tpu.memory_space<vmem>>, vector<1x128xf32>
    %add3A_22 = vector.broadcast %get3A_21 : vector<1x128xf32> to vector<1000x128xf32>
    %add3A_23 = arith.addf %mul3A_18, %add3A_22 : vector<1000x128xf32>
    %get3A_24 = arith.constant 0 : index
    %get3A_25 = arith.constant 0 : index
    %get3A_26 = vector.load %arg3[%get3A_24, %get3A_25] : memref<1000x128xf32, #tpu.memory_space<vmem>>, vector<1000x128xf32>
    %add3A_27 = arith.addf %add3A_23, %get3A_26 : vector<1000x128xf32>
    %max3A_28 = arith.constant 0.000000e+00 : f32
    %max3A_29 = vector.broadcast %max3A_28 : f32 to vector<1000x128xf32>
    %max3A_30 = arith.maximumf %add3A_27, %max3A_29 : vector<1000x128xf32>
    %get3A_31 = arith.constant 0 : index
    %get3A_32 = arith.constant 0 : index
    %get3A_33 = vector.load %arg5[%get3A_31, %get3A_32] : memref<128x128xf32, #tpu.memory_space<vmem>>, vector<128x128xf32>
    %dot_general3A = arith.constant dense<0.000000e+00> : vector<1000x128xf32>
    %dot_general3A_34 = tpu.matmul %max3A_30, %get3A_33, %dot_general3A {dimension_numbers = #tpu.dot_dimension_numbers<[1], [0], [0], [1], [0, 0, 1, 1], [], []>, transpose_lhs_hint = false} : vector<1000x128xf32>, vector<128x128xf32>, vector<1000x128xf32> -> vector<1000x128xf32>
    %convert_element_type3A_35 = arith.truncf %dot_general3A_34 : vector<1000x128xf32> to vector<1000x128xbf16>
    %swap3A = arith.constant 0 : index
    %swap3A_36 = arith.constant 0 : index
    %swap3A_37 = vector.load %arg7[%swap3A, %swap3A_36] : memref<1000x128xbf16, #tpu.memory_space<vmem>>, vector<1000x128xbf16>
    tpu.vector_store %arg7[%swap3A, %swap3A_36], %convert_element_type3A_35 {strides = array<i32>} : memref<1000x128xbf16, #tpu.memory_space<vmem>>, vector<1000x128xbf16>,
    %get3A_38 = arith.constant 0 : index
    %get3A_39 = arith.constant 0 : index
    %get3A_40 = vector.load %arg6[%get3A_38, %get3A_39] : memref<128x128xf32, #tpu.memory_space<vmem>>, vector<128x128xf32>
    %dot_general3A_41 = arith.constant dense<0.000000e+00> : vector<1000x128xf32>
    %dot_general3A_42 = tpu.matmul %max3A_30, %get3A_40, %dot_general3A_41 {dimension_numbers = #tpu.dot_dimension_numbers<[1], [0], [0], [1], [0, 0, 1, 1], [], []>, transpose_lhs_hint = false} : vector<1000x128xf32>, vector<128x128xf32>, vector<1000x128xf32> -> vector<1000x128xf32>
    %swap3A_43 = arith.constant 0 : index
    %swap3A_44 = arith.constant 0 : index
    %swap3A_45 = vector.load %arg8[%swap3A_43, %swap3A_44] : memref<1000x128xf32, #tpu.memory_space<vmem>>, vector<1000x128xf32>
    tpu.vector_store %arg8[%swap3A_43, %swap3A_44], %dot_general3A_42 {strides = array<i32>} : memref<1000x128xf32, #tpu.memory_space<vmem>>, vector<1000x128xf32>,
    %swap3A_46 = arith.constant 0 : index
    %swap3A_47 = arith.constant 0 : index
    %swap3A_48 = vector.load %arg9[%swap3A_46, %swap3A_47] : memref<1000x1xf32, #tpu.memory_space<vmem>>, vector<1000x1xf32>
    tpu.vector_store %arg9[%swap3A_46, %swap3A_47], %div3A_17 {strides = array<i32>} : memref<1000x1xf32, #tpu.memory_space<vmem>>, vector<1000x1xf32>,
    return
  }
  func.func @transform_0(%arg0: i32) -> (i32, i32, i32) {
    %c0_i32 = arith.constant 0 : i32
    %c0_i32_0 = arith.constant 0 : i32
    %c0_i32_1 = arith.constant 0 : i32
    return %c0_i32, %arg0, %c0_i32_0 : i32, i32, i32
  }
  func.func @transform_1(%arg0: i32) -> (i32, i32, i32) {
    %c1_i32 = arith.constant 1 : i32
    %c0_i32 = arith.constant 0 : i32
    %c0_i32_0 = arith.constant 0 : i32
    return %c1_i32, %arg0, %c0_i32 : i32, i32, i32
  }
  func.func @transform_2(%arg0: i32) -> (i32, i32) {
    %c0_i32 = arith.constant 0 : i32
    %c0_i32_0 = arith.constant 0 : i32
    return %arg0, %c0_i32 : i32, i32
  }
  func.func @transform_3(%arg0: i32) -> (i32, i32) {
    %c0_i32 = arith.constant 0 : i32
    %c0_i32_0 = arith.constant 0 : i32
    %c0_i32_1 = arith.constant 0 : i32
    return %c0_i32, %c0_i32_0 : i32, i32
  }
  func.func @transform_4(%arg0: i32) -> (i32, i32) {
    %c0_i32 = arith.constant 0 : i32
    %c0_i32_0 = arith.constant 0 : i32
    %c0_i32_1 = arith.constant 0 : i32
    return %c0_i32, %c0_i32_0 : i32, i32
  }
  func.func @transform_5(%arg0: i32) -> (i32, i32) {
    %c0_i32 = arith.constant 0 : i32
    %c0_i32_0 = arith.constant 0 : i32
    %c0_i32_1 = arith.constant 0 : i32
    return %c0_i32, %c0_i32_0 : i32, i32
  }
  func.func @transform_6(%arg0: i32) -> (i32, i32) {
    %c0_i32 = arith.constant 0 : i32
    %c0_i32_0 = arith.constant 0 : i32
    return %arg0, %c0_i32 : i32, i32
  }
  func.func @transform_7(%arg0: i32) -> (i32, i32) {
    %c0_i32 = arith.constant 0 : i32
    %c0_i32_0 = arith.constant 0 : i32
    return %arg0, %c0_i32 : i32, i32
  }
  func.func @transform_8(%arg0: i32) -> (i32, i32) {
    %c0_i32 = arith.constant 0 : i32
    %c0_i32_0 = arith.constant 0 : i32
    return %arg0, %c0_i32 : i32, i32
  }
}

module attributes {stable_mosaic.version = 14 : i64} {
  func.func @_fuse2_body(%arg0: i32, %arg1: memref<1x1000x128xbf16, #tpu.memory_space<vmem>>, %arg2: memref<1x1000x128xbf16, #tpu.memory_space<vmem>>, %arg3: memref<1000x128xf32, #tpu.memory_space<vmem>>, %arg4: memref<1000x1xf32, #tpu.memory_space<vmem>>, %arg5: memref<1x128xf32, #tpu.memory_space<vmem>>, %arg6: memref<128x64xf32, #tpu.memory_space<vmem>>, %arg7: memref<128x64xf32, #tpu.memory_space<vmem>>, %arg8: memref<1000x64xbf16, #tpu.memory_space<vmem>>, %arg9: memref<1000x64xf32, #tpu.memory_space<vmem>>) attributes {dimension_semantics = [#tpu.dimension_semantics<arbitrary>], iteration_bounds = array<i64: 10>, scalar_prefetch = 0 : i64, scratch_operands = 0 : i64, tpu.core_type = #tpu.core_type<tc>, window_params = [{transform_indices = @transform_0, window_bounds = array<i64: 1, 1000, 128>}, {transform_indices = @transform_1, window_bounds = array<i64: 1, 1000, 128>}, {transform_indices = @transform_2, window_bounds = array<i64: 1000, 128>}, {transform_indices = @transform_3, window_bounds = array<i64: 1000, 1>}, {pipeline_mode = #tpu.pipeline_mode<synchronous>, transform_indices = @transform_4, window_bounds = array<i64: 1, 128>}, {pipeline_mode = #tpu.pipeline_mode<synchronous>, transform_indices = @transform_5, window_bounds = array<i64: 128, 64>}, {pipeline_mode = #tpu.pipeline_mode<synchronous>, transform_indices = @transform_6, window_bounds = array<i64: 128, 64>}, {transform_indices = @transform_7, window_bounds = array<i64: 1000, 64>}, {transform_indices = @transform_8, window_bounds = array<i64: 1000, 64>}]} {
    %get3A = arith.constant 0 : index
    %get3A_0 = arith.constant 0 : index
    %get3A_1 = arith.constant 0 : index
    %get3A_2 = vector.load %arg1[%get3A, %get3A_0, %get3A_1] : memref<1x1000x128xbf16, #tpu.memory_space<vmem>>, vector<1x1000x128xbf16>
    %get3A_3 = vector.shape_cast %get3A_2 : vector<1x1000x128xbf16> to vector<1000x128xbf16>
    %convert_element_type3A = arith.extf %get3A_3 : vector<1000x128xbf16> to vector<1000x128xf32>
    %get3A_4 = arith.constant 0 : index
    %get3A_5 = arith.constant 0 : index
    %get3A_6 = arith.constant 0 : index
    %get3A_7 = vector.load %arg2[%get3A_4, %get3A_5, %get3A_6] : memref<1x1000x128xbf16, #tpu.memory_space<vmem>>, vector<1x1000x128xbf16>
    %get3A_8 = vector.shape_cast %get3A_7 : vector<1x1000x128xbf16> to vector<1000x128xbf16>
    %convert_element_type3A_9 = arith.extf %get3A_8 : vector<1000x128xbf16> to vector<1000x128xf32>
    %add3A = arith.addf %convert_element_type3A, %convert_element_type3A_9 : vector<1000x128xf32>
    %get3A_10 = arith.constant 0 : index
    %get3A_11 = arith.constant 0 : index
    %get3A_12 = vector.load %arg4[%get3A_10, %get3A_11] : memref<1000x1xf32, #tpu.memory_space<vmem>>, vector<1000x1xf32>
    %mul3A = vector.broadcast %get3A_12 : vector<1000x1xf32> to vector<1000x128xf32>
    %mul3A_13 = arith.mulf %add3A, %mul3A : vector<1000x128xf32>
    %get3A_14 = arith.constant 0 : index
    %get3A_15 = arith.constant 0 : index
    %get3A_16 = vector.load %arg5[%get3A_14, %get3A_15] : memref<1x128xf32, #tpu.memory_space<vmem>>, vector<1x128xf32>
    %add3A_17 = vector.broadcast %get3A_16 : vector<1x128xf32> to vector<1000x128xf32>
    %add3A_18 = arith.addf %mul3A_13, %add3A_17 : vector<1000x128xf32>
    %get3A_19 = arith.constant 0 : index
    %get3A_20 = arith.constant 0 : index
    %get3A_21 = vector.load %arg3[%get3A_19, %get3A_20] : memref<1000x128xf32, #tpu.memory_space<vmem>>, vector<1000x128xf32>
    %add3A_22 = arith.addf %add3A_18, %get3A_21 : vector<1000x128xf32>
    %max3A = arith.constant 0.000000e+00 : f32
    %max3A_23 = vector.broadcast %max3A : f32 to vector<1000x128xf32>
    %max3A_24 = arith.maximumf %add3A_22, %max3A_23 : vector<1000x128xf32>
    %get3A_25 = arith.constant 0 : index
    %get3A_26 = arith.constant 0 : index
    %get3A_27 = vector.load %arg6[%get3A_25, %get3A_26] : memref<128x64xf32, #tpu.memory_space<vmem>>, vector<128x64xf32>
    %dot_general3A = arith.constant dense<0.000000e+00> : vector<1000x64xf32>
    %dot_general3A_28 = tpu.matmul %max3A_24, %get3A_27, %dot_general3A {dimension_numbers = #tpu.dot_dimension_numbers<[1], [0], [0], [1], [0, 0, 1, 1], [], []>, transpose_lhs_hint = false} : vector<1000x128xf32>, vector<128x64xf32>, vector<1000x64xf32> -> vector<1000x64xf32>
    %convert_element_type3A_29 = arith.truncf %dot_general3A_28 : vector<1000x64xf32> to vector<1000x64xbf16>
    %swap3A = arith.constant 0 : index
    %swap3A_30 = arith.constant 0 : index
    %swap3A_31 = vector.load %arg8[%swap3A, %swap3A_30] : memref<1000x64xbf16, #tpu.memory_space<vmem>>, vector<1000x64xbf16>
    tpu.vector_store %arg8[%swap3A, %swap3A_30], %convert_element_type3A_29 {strides = array<i32>} : memref<1000x64xbf16, #tpu.memory_space<vmem>>, vector<1000x64xbf16>,
    %get3A_32 = arith.constant 0 : index
    %get3A_33 = arith.constant 0 : index
    %get3A_34 = vector.load %arg7[%get3A_32, %get3A_33] : memref<128x64xf32, #tpu.memory_space<vmem>>, vector<128x64xf32>
    %dot_general3A_35 = arith.constant dense<0.000000e+00> : vector<1000x64xf32>
    %dot_general3A_36 = tpu.matmul %max3A_24, %get3A_34, %dot_general3A_35 {dimension_numbers = #tpu.dot_dimension_numbers<[1], [0], [0], [1], [0, 0, 1, 1], [], []>, transpose_lhs_hint = false} : vector<1000x128xf32>, vector<128x64xf32>, vector<1000x64xf32> -> vector<1000x64xf32>
    %swap3A_37 = arith.constant 0 : index
    %swap3A_38 = arith.constant 0 : index
    %swap3A_39 = vector.load %arg9[%swap3A_37, %swap3A_38] : memref<1000x64xf32, #tpu.memory_space<vmem>>, vector<1000x64xf32>
    tpu.vector_store %arg9[%swap3A_37, %swap3A_38], %dot_general3A_36 {strides = array<i32>} : memref<1000x64xf32, #tpu.memory_space<vmem>>, vector<1000x64xf32>,
    return
  }
  func.func @transform_0(%arg0: i32) -> (i32, i32, i32) {
    %c0_i32 = arith.constant 0 : i32
    %c0_i32_0 = arith.constant 0 : i32
    %c0_i32_1 = arith.constant 0 : i32
    return %c0_i32, %arg0, %c0_i32_0 : i32, i32, i32
  }
  func.func @transform_1(%arg0: i32) -> (i32, i32, i32) {
    %c1_i32 = arith.constant 1 : i32
    %c0_i32 = arith.constant 0 : i32
    %c0_i32_0 = arith.constant 0 : i32
    return %c1_i32, %arg0, %c0_i32 : i32, i32, i32
  }
  func.func @transform_2(%arg0: i32) -> (i32, i32) {
    %c0_i32 = arith.constant 0 : i32
    %c0_i32_0 = arith.constant 0 : i32
    return %arg0, %c0_i32 : i32, i32
  }
  func.func @transform_3(%arg0: i32) -> (i32, i32) {
    %c0_i32 = arith.constant 0 : i32
    %c0_i32_0 = arith.constant 0 : i32
    return %arg0, %c0_i32 : i32, i32
  }
  func.func @transform_4(%arg0: i32) -> (i32, i32) {
    %c0_i32 = arith.constant 0 : i32
    %c0_i32_0 = arith.constant 0 : i32
    %c0_i32_1 = arith.constant 0 : i32
    return %c0_i32, %c0_i32_0 : i32, i32
  }
  func.func @transform_5(%arg0: i32) -> (i32, i32) {
    %c0_i32 = arith.constant 0 : i32
    %c0_i32_0 = arith.constant 0 : i32
    %c0_i32_1 = arith.constant 0 : i32
    return %c0_i32, %c0_i32_0 : i32, i32
  }
  func.func @transform_6(%arg0: i32) -> (i32, i32) {
    %c0_i32 = arith.constant 0 : i32
    %c0_i32_0 = arith.constant 0 : i32
    %c0_i32_1 = arith.constant 0 : i32
    return %c0_i32, %c0_i32_0 : i32, i32
  }
  func.func @transform_7(%arg0: i32) -> (i32, i32) {
    %c0_i32 = arith.constant 0 : i32
    %c0_i32_0 = arith.constant 0 : i32
    return %arg0, %c0_i32 : i32, i32
  }
  func.func @transform_8(%arg0: i32) -> (i32, i32) {
    %c0_i32 = arith.constant 0 : i32
    %c0_i32_0 = arith.constant 0 : i32
    return %arg0, %c0_i32 : i32, i32
  }
}

module attributes {stable_mosaic.version = 14 : i64} {
  func.func @_final_body(%arg0: i32, %arg1: memref<1x1000x64xbf16, #tpu.memory_space<vmem>>, %arg2: memref<1x1000x64xbf16, #tpu.memory_space<vmem>>, %arg3: memref<1000x64xf32, #tpu.memory_space<vmem>>, %arg4: memref<1000x1xf32, #tpu.memory_space<vmem>>, %arg5: memref<1x64xf32, #tpu.memory_space<vmem>>, %arg6: memref<1000x64xf32, #tpu.memory_space<vmem>>) attributes {dimension_semantics = [#tpu.dimension_semantics<arbitrary>], iteration_bounds = array<i64: 10>, scalar_prefetch = 0 : i64, scratch_operands = 0 : i64, tpu.core_type = #tpu.core_type<tc>, window_params = [{transform_indices = @transform_0, window_bounds = array<i64: 1, 1000, 64>}, {transform_indices = @transform_1, window_bounds = array<i64: 1, 1000, 64>}, {transform_indices = @transform_2, window_bounds = array<i64: 1000, 64>}, {transform_indices = @transform_3, window_bounds = array<i64: 1000, 1>}, {pipeline_mode = #tpu.pipeline_mode<synchronous>, transform_indices = @transform_4, window_bounds = array<i64: 1, 64>}, {transform_indices = @transform_5, window_bounds = array<i64: 1000, 64>}]} {
    %get3A = arith.constant 0 : index
    %get3A_0 = arith.constant 0 : index
    %get3A_1 = arith.constant 0 : index
    %get3A_2 = vector.load %arg1[%get3A, %get3A_0, %get3A_1] : memref<1x1000x64xbf16, #tpu.memory_space<vmem>>, vector<1x1000x64xbf16>
    %get3A_3 = vector.shape_cast %get3A_2 : vector<1x1000x64xbf16> to vector<1000x64xbf16>
    %convert_element_type3A = arith.extf %get3A_3 : vector<1000x64xbf16> to vector<1000x64xf32>
    %get3A_4 = arith.constant 0 : index
    %get3A_5 = arith.constant 0 : index
    %get3A_6 = arith.constant 0 : index
    %get3A_7 = vector.load %arg2[%get3A_4, %get3A_5, %get3A_6] : memref<1x1000x64xbf16, #tpu.memory_space<vmem>>, vector<1x1000x64xbf16>
    %get3A_8 = vector.shape_cast %get3A_7 : vector<1x1000x64xbf16> to vector<1000x64xbf16>
    %convert_element_type3A_9 = arith.extf %get3A_8 : vector<1000x64xbf16> to vector<1000x64xf32>
    %add3A = arith.addf %convert_element_type3A, %convert_element_type3A_9 : vector<1000x64xf32>
    %get3A_10 = arith.constant 0 : index
    %get3A_11 = arith.constant 0 : index
    %get3A_12 = vector.load %arg4[%get3A_10, %get3A_11] : memref<1000x1xf32, #tpu.memory_space<vmem>>, vector<1000x1xf32>
    %mul3A = vector.broadcast %get3A_12 : vector<1000x1xf32> to vector<1000x64xf32>
    %mul3A_13 = arith.mulf %add3A, %mul3A : vector<1000x64xf32>
    %get3A_14 = arith.constant 0 : index
    %get3A_15 = arith.constant 0 : index
    %get3A_16 = vector.load %arg5[%get3A_14, %get3A_15] : memref<1x64xf32, #tpu.memory_space<vmem>>, vector<1x64xf32>
    %add3A_17 = vector.broadcast %get3A_16 : vector<1x64xf32> to vector<1000x64xf32>
    %add3A_18 = arith.addf %mul3A_13, %add3A_17 : vector<1000x64xf32>
    %get3A_19 = arith.constant 0 : index
    %get3A_20 = arith.constant 0 : index
    %get3A_21 = vector.load %arg3[%get3A_19, %get3A_20] : memref<1000x64xf32, #tpu.memory_space<vmem>>, vector<1000x64xf32>
    %add3A_22 = arith.addf %add3A_18, %get3A_21 : vector<1000x64xf32>
    %swap3A = arith.constant 0 : index
    %swap3A_23 = arith.constant 0 : index
    %swap3A_24 = vector.load %arg6[%swap3A, %swap3A_23] : memref<1000x64xf32, #tpu.memory_space<vmem>>, vector<1000x64xf32>
    tpu.vector_store %arg6[%swap3A, %swap3A_23], %add3A_22 {strides = array<i32>} : memref<1000x64xf32, #tpu.memory_space<vmem>>, vector<1000x64xf32>,
    return
  }
  func.func @transform_0(%arg0: i32) -> (i32, i32, i32) {
    %c0_i32 = arith.constant 0 : i32
    %c0_i32_0 = arith.constant 0 : i32
    %c0_i32_1 = arith.constant 0 : i32
    return %c0_i32, %arg0, %c0_i32_0 : i32, i32, i32
  }
  func.func @transform_1(%arg0: i32) -> (i32, i32, i32) {
    %c1_i32 = arith.constant 1 : i32
    %c0_i32 = arith.constant 0 : i32
    %c0_i32_0 = arith.constant 0 : i32
    return %c1_i32, %arg0, %c0_i32 : i32, i32, i32
  }
  func.func @transform_2(%arg0: i32) -> (i32, i32) {
    %c0_i32 = arith.constant 0 : i32
    %c0_i32_0 = arith.constant 0 : i32
    return %arg0, %c0_i32 : i32, i32
  }
  func.func @transform_3(%arg0: i32) -> (i32, i32) {
    %c0_i32 = arith.constant 0 : i32
    %c0_i32_0 = arith.constant 0 : i32
    return %arg0, %c0_i32 : i32, i32
  }
  func.func @transform_4(%arg0: i32) -> (i32, i32) {
    %c0_i32 = arith.constant 0 : i32
    %c0_i32_0 = arith.constant 0 : i32
    %c0_i32_1 = arith.constant 0 : i32
    return %c0_i32, %c0_i32_0 : i32, i32
  }
  func.func @transform_5(%arg0: i32) -> (i32, i32) {
    %c0_i32 = arith.constant 0 : i32
    %c0_i32_0 = arith.constant 0 : i32
    return %arg0, %c0_i32 : i32, i32
  }
}

</mosaic_0001>

<sc_bundles>
// kernel: kernel.12.cloned.1.call-start
scs
__scs_entry_jumppad:
0x0: {  	(pc) =	sbr.rel $0x88, $3  }
0x1: {  	(tag) =	ssettag $0x0;
	lr =	simm.s32 $0x1  }
0x2: {  	[smem:$0x3F96] =	sst lr;
	_ =	strace $0xD0000000  }
0x3: {  	_ = 	snop  }
0x4: {  	_ = 	snop  }
0x5: {  	_ = 	snop  }
0x6: {  	_ = 	snop  }
0x7: {  	_ = 	snop  }
__scs_overlays_trampoline_lowered:
0x8: {  	[smem:$0x3FA5] =	sst s0  }
0x9: {  	[smem:$0x3FA6] =	sst s1  }
0xa: {  	[smem:$0x3FA7] =	sst s2  }
0xb: {  	[smem:$0x3FA8] =	sst s3  }
0xc: {  	[smem:$0x3FA9] =	sst s4  }
0xd: {  	[smem:$0x3FAA] =	sst s5  }
0xe: {  	[smem:$0x3FAB] =	sst s6  }
0xf: {  	[smem:$0x3FAC] =	sst s7  }
0x10: {  	[smem:$0x3FAD] =	sst s8  }
0x11: {  	[smem:$0x3FAE] =	sst s9;
	s0 =	simm.s32 @!p0 $0x0  }
0x12: {  	s1 =	sld [smem:$0x3F94];
	s0 =	simm.s32 @p0 $0x1  }
0x13: {  	[smem:$0x3FAF] =	sst s0;
	s0 =	simm.s32 @!p1 $0x0  }
0x14: {  	s2 =	sld [smem:$0x3F93];
	s0 =	simm.s32 @p1 $0x1  }
0x15: {  	[smem:$0x3FB0] =	sst s0;
	s0 =	simm.s32 @!p2 $0x0  }
0x16: {  	s3 =	sld [smem:$0x3FDB];
	s0 =	simm.s32 @p2 $0x1  }
0x17: {  	s4 =	simm.s32 $0x1BF5;
	[smem:$0x3FB2] =	sst s0  }
0x18: {  	s0 =	sld [smem:$0x3F95];
	_ =	swait.ge [sflag:s4], $0x0  }
0x19: {  	s7 =	sld [smem:$0x3F96]  }
0x1a: {  	s8 =	sadd.s32 $0xFFFFE003, lr  }
0x1b: {  	s9 =	sadd.s32 $0xFFFFFEF7, lr;
	s5 =	simm.s32 $0xFFFFFFFF;
	p2 =	slt.u32 s8, $0xFFFFF086  }
0x1c: {  	p1 =	slt.u32 s9, $0xF7A;
	s5 =	simm.s32 @!p2 $0x0  }
0x1d: {  	s5 =	simm.s32 @p1 $0x1;
	p0 =	seq.s32 s7, s2  }
0x1e: {  	s7 =	smul.u32 @!p0 $0xF7A, s2;
	p2 =	seq.s32 @!p0 s5, $0x0  }
0x1f: {  	s9 =	smul.u32 $0xF7A, s1;
	s8 =	simm.s32 @!p0 $0x1BF5;
	p2 =	por !p2, p0  }
0x20: {  	[sflag:s8] =	ssyncset.s32 @!p0 $0xFFFFF086;
	s6 =	sadd.s32 @!p0 s3, s7;
	s7 =	simm.s32 @!p0 $0x108  }
0x21: {  	s3 =	sadd.s32 s3, s9;
	s6 =	sadd.s32 @!p0 $0x88, s6;
	s7 =	simm.s32 @p2 $0x1082  }
0x22: {  	[simem:s7], [sflag:s8] =	dma.local @!p0 [hbm:s6], $0xF7A  }
0x23: {  	s9 =	sor.u32 $0xD0000000, s2;
	s6 =	simm.s32 $0x108;
	_ =	swait.ge @!p0 [sflag:s8], $0x0  }
0x24: {  	s3 =	sadd.s32 $0x88, s3;
	s6 =	simm.s32 @!p1 $0x1082;
	[sflag:s4] =	ssyncset.s32 $0xFFFFF086  }
0x25: {  	[simem:s6], [sflag:s4] =	dma.local [hbm:s3], $0xF7A  }
0x26: {  	[smem:$0x3F96] =	sst s1;
	(tag) =	ssettag s2;
	_ =	strace s9  }
0x27: {  	s1 =	sld [smem:$0x3FA6]  }
0x28: {  	s2 =	sld [smem:$0x3FA7]  }
0x29: {  	s4 =	sld [smem:$0x3FA9]  }
0x2a: {  	p0 =	seq.s32 s5, $0x0;
	s5 =	sld [smem:$0x3FAA]  }
0x2b: {  	s6 =	sld [smem:$0x3FAB]  }
0x2c: {  	s7 =	sld [smem:$0x3FAC]  }
0x2d: {  	s3 =	simm.s32 $0x108;
	s8 =	sld [smem:$0x3FAD]  }
0x2e: {  	s3 =	simm.s32 @!p0 $0x1082;
	s9 =	sld [smem:$0x3FAE]  }
0x2f: {  	lr =	sadd.s32 s0, s3;
	s0 =	sld [smem:$0x3FA5]  }
0x30: {  	s3 =	sld [smem:$0x3FA8]  }
0x31: {  	[smem:$0x3FB1] =	sst s10  }
0x32: {  	s10 =	sld [smem:$0x3FAF];
	_ =	sdelay $0x3  }
0x33: {  	p0 =	seq.s32 s10, $0x1;
	s10 =	sld [smem:$0x3FB1];
	_ =	sdelay $0x3  }
0x34: {  	[smem:$0x3FB1] =	sst s10  }
0x35: {  	s10 =	sld [smem:$0x3FB0];
	_ =	sdelay $0x3  }
0x36: {  	p1 =	seq.s32 s10, $0x1;
	s10 =	sld [smem:$0x3FB1];
	_ =	sdelay $0x3  }
0x37: {  	[smem:$0x3FB1] =	sst s10  }
0x38: {  	s10 =	sld [smem:$0x3FB2]  }
0x39: {  	_ = 	snop;
	(pc) =	sbr.ind lr, $3  }
0x3a: {  	_ = 	snop  }
0x3b: {  	_ = 	snop  }
0x3c: {  	p2 =	seq.s32 s10, $0x1;
	s10 =	sld [smem:$0x3FB1]  }
0x3d: {  	_ =	shalt  }
0x3e: {  	_ =	shalt  }
0x3f: {  	_ =	shalt  }
0x40: {  	_ =	shalt  }
0x41: {  	_ =	shalt  }
0x42: {  	_ =	shalt  }
0x43: {  	_ =	shalt  }
0x44: {  	_ =	shalt  }
0x45: {  	_ =	shalt  }
0x46: {  	_ =	shalt  }
0x47: {  	_ =	shalt  }
0x48: {  	_ =	shalt  }
0x49: {  	_ =	shalt  }
0x4a: {  	_ =	shalt  }
0x4b: {  	_ =	shalt  }
0x4c: {  	_ =	shalt  }
0x4d: {  	_ =	shalt  }
0x4e: {  	_ =	shalt  }
0x4f: {  	_ =	shalt  }
0x50: {  	_ =	shalt  }
0x51: {  	_ =	shalt  }
0x52: {  	_ =	shalt  }
0x53: {  	_ =	shalt  }
0x54: {  	_ =	shalt  }
0x55: {  	_ =	shalt  }
0x56: {  	_ =	shalt  }
0x57: {  	_ =	shalt  }
0x58: {  	_ =	shalt  }
0x59: {  	_ =	shalt  }
0x5a: {  	_ =	shalt  }
0x5b: {  	_ =	shalt  }
0x5c: {  	_ =	shalt  }
0x5d: {  	_ =	shalt  }
0x5e: {  	_ =	shalt  }
0x5f: {  	_ =	shalt  }
0x60: {  	_ =	shalt  }
0x61: {  	_ =	shalt  }
0x62: {  	_ =	shalt  }
0x63: {  	_ =	shalt  }
0x64: {  	_ =	shalt  }
0x65: {  	_ =	shalt  }
0x66: {  	_ =	shalt  }
0x67: {  	_ =	shalt  }
0x68: {  	_ =	shalt  }
0x69: {  	_ =	shalt  }
0x6a: {  	_ =	shalt  }
0x6b: {  	_ =	shalt  }
0x6c: {  	_ =	shalt  }
0x6d: {  	_ =	shalt  }
0x6e: {  	_ =	shalt  }
0x6f: {  	_ =	shalt  }
0x70: {  	_ =	shalt  }
0x71: {  	_ =	shalt  }
0x72: {  	_ =	shalt  }
0x73: {  	_ =	shalt  }
0x74: {  	_ =	shalt  }
0x75: {  	_ =	shalt  }
0x76: {  	_ =	shalt  }
0x77: {  	_ =	shalt  }
0x78: {  	_ =	shalt  }
0x79: {  	_ =	shalt  }
0x7a: {  	_ =	shalt  }
0x7b: {  	_ =	shalt  }
0x7c: {  	_ =	shalt  }
0x7d: {  	_ =	shalt  }
0x7e: {  	_ =	shalt  }
0x7f: {  	_ =	shalt  }
0x80: {  	_ =	shalt  }
0x81: {  	_ =	shalt  }
0x82: {  	_ =	shalt  }
0x83: {  	_ =	shalt  }
0x84: {  	_ =	shalt  }
0x85: {  	_ =	shalt  }
0x86: {  	_ =	shalt  }
0x87: {  	_ =	shalt  }
.Lfunc_end0:
.L_simem_size_0:
called_computation.1_lowered:
.L_overlay_start_0:
0x88: {  	s2 =	sld [smem:$0x3FD9]  }
0x89: {  	s3 =	sld [smem:$0x3FFE];
	_ =	sdelay $0x1  }
0x8a: {  	s1 =	srdreg.scid  }
0x8b: {  	s0 =	sand.u32 $0x1, s1  }
0x8c: {  	s17 =	sshll.u32 s0, $0xA;
	s2 =	sadd.s32 s3, s2  }
0x8d: {  	s2 =	sadd.s32 s2, s17  }
0x8e: {  	[smem:$0x3FBD] =	sst s2  }
0x8f: {  	_ = 	snop  }
0x90: {  	s2 =	sld [smem:$0x3FD0];
	(tm) =	ssettm $0x1  }
0x91: {  	s18 =	sld [smem:$0x3FFB];
	_ =	sdelay $0x3  }
0x92: {  	_ =	strace s18  }
0x93: {  	s3 =	sld [smem:$0x3FFC];
	_ =	sdelay $0x3  }
0x94: {  	_ =	strace s3  }
0x95: {  	s3 =	sld [smem:$0x3FFD];
	_ =	sdelay $0x3  }
0x96: {  	_ =	strace s3  }
0x97: {  	_ =	strace $0x8FFFFFFF  }
0x98: {  	s19 =	sld [smem:$0x3FDB];
	_ =	sdelay $0x1  }
0x99: {  	s4 =	simm.s32 $_scs_section_size  }
0x9a: {  	s5 =	simm.s32 $_size__tile_overlayer_lowered;
	s6 =	simm.s32 $_tile_overlayer_lowered  }
0x9b: {  	s22 =	simm.s32 $0x1BFF;
	s21 =	sshll.u32 s6, $0x1;
	s3 =	sadd.s32 s4, s19  }
0x9c: {  	s7 =	simm.s32 $0x0;
	s20 =	sshll.u32 s5, $0x1;
	s5 =	sadd.s32 s21, s3  }
0x9d: {  	[timem:s7], [sflag:s22] =	dma.local [hbm:s5], s20  }
0x9e: {  	_ =	swait.ge [sflag:s22], s20  }
0x9f: {  	s4 =	ssub.s32 $0x0, s20;
	[sflag:s22] =	ssyncset.done $0x0  }
0xa0: {  	[sflag:s22] =	ssyncadd.s32 s4;
	_ =	sdelay $0x1  }
0xa1: {  	s23 =	simm.s32 $0x1B8B  }
0xa2: {  	_ =	swait.ge [sflag:s23], $0x1  }
0xa3: {  	[sflag:s23] =	ssyncset.done $0x0  }
0xa4: {  	s25 =	simm.s32 $0x1B8E;
	s24 =	sld [smem:$0x3FFE];
	[sflag:s23] =	ssyncadd.s32 $0xFFFFFFFF  }
0xa5: {  	s26 =	simm.s32 $execute0_lowered;
	[smem:$0x3FD2] =	sst s25  }
0xa6: {  	s5 =	sshll.u32 s26, $0x1;
	_ =	strace $0x80000049;
	[dreg:$0x1] =	wrdreg $0xFFFFFFFF  }
0xa7: {  	s28 =	simm.s32 $_size_execute0_lowered;
	s3 =	sadd.s32 s3, s5;
	[dreg:$0x0] =	wrdreg $0x0  }
0xa8: {  	s5 =	sshll.u32 s28, $0x1;
	[dreg:$0x2] =	wrdreg s3  }
0xa9: {  	[dreg:$0x3] =	wrdreg s5  }
0xaa: {  	[dreg:$0x4] =	wrdreg $0xC0  }
0xab: {  	_ =	task [dreg:s7], $0x5FFFF  }
0xac: {  	[dreg:$0x1] =	wrdreg $0xFFFFFFFF  }
0xad: {  	[dreg:$0x0] =	wrdreg $0x60  }
0xae: {  	[dreg:$0x2] =	wrdreg s24  }
0xaf: {  	[dreg:$0x3] =	wrdreg s2  }
0xb0: {  	[dreg:$0x4] =	wrdreg $0xA8000  }
0xb1: {  	[dreg:$0x5] =	wrdreg $0x9  }
0xb2: {  	_ =	task.clear_ibuf [dreg:s7], $0x6FFFF;
	_ =	strace $0x90000049  }
0xb3: {  	s29 =	simm.s32 $0x9;
	_ =	strace $0x8000004B  }
0xb4: {  	_ =	swait.ge [sflag:s29], $0x1  }
0xb5: {  	[sflag:s29] =	ssyncadd.s32 $0xFFFFFFFF  }
0xb6: {  	_ =	strace $0x9000004B  }
0xb7: {  	_ =	sfence  }
0xb8: {  	s30 =	sld [smem:$0x0];
	_ =	sdelay $0x2  }
0xb9: {  	s31 =	sshll.u32 s1, $0xD;
	s1 =	sshrl.u32 s1, $0x2  }
0xba: {  	s3 =	sand.u32 $0x4000, s31;
	s1 =	sadd.s32 s1, s30  }
0xbb: {  	s0 =	sor.u32 s3, s0;
	s1 =	sshll.u32 s1, $0x11  }
0xbc: {  	s0 =	sor.u32 s1, s0  }
0xbd: {  	s0 =	sadd.s32 $0x8F2B, s0  }
0xbe: {  	[sflag:s0] =	ssyncadd.remote.s32 $0x1  }
0xbf: {  	_ =	sfence.sel $0xFFFF  }
0xc0: {  	[dreg:$0x0] =	wrdreg $0xFFFFFFFF;
	(pc) =	sbr.abs _section_cstart, $3  }
0xc1: {  	[dreg:$0x1] =	wrdreg $0xFFFFFFFF  }
0xc2: {  	_ =	task.clear_ibuf [dreg:s7], $0x2FFFF;
	_ =	strace $0x9FFFFFFF  }
0xc3: {  	(tm) =	ssettm $0x7FFFFFFF  }
tec
execute0_lowered:
.L_overlay_start_1:
0x0: {  	(tag) =	ssettag $0x1  }
0x1: {  	s0 =	rddreg [dreg:$0x0]  }
0x2: {  	s1 =	rddreg [dreg:$0x1]  }
0x3: {  	s2 =	rddreg [dreg:$0x2]  }
0x4: {  	s3 =	srdreg.scid;
	s12 =	stileid.u32;
	s11 =	simm.s32 $0x1400  }
0x5: {  	s14 =	simm.s32 $0x80;
	s15 =	simm.s32 $0x2800;
	s16 =	simm.s32 $0x4800  }
0x6: {  	s17 =	simm.s32 $0x1;
	s19 =	simm.s32 $0x6800;
	s20 =	simm.s32 $0x2  }
0x7: {  	s22 =	simm.s32 $0x8800;
	s24 =	simm.s32 $0x3;
	s28 =	simm.s32 $0x6  }
0x8: {  	s29 =	simm.s32 $0x7;
	s30 =	simm.s32 $0x8;
	s31 =	simm.s32 $0x2700  }
0x9: {  	s5 =	sand.u32 $0x1, s3;
	s7 =	smul.u32 $0x13C00, s12;
	s3 =	simm.s32 $0x0  }
0xa: {  	s4 =	sshll.u32 s12, $0x1;
	s26 =	sshll.u32 s12, $0x6;
	s6 =	smul.u32 $0x13C000, s5  }
0xb: {  	[smem:$0x7FF] =	sst s3;
	s4 =	sor.u32 s5, s4;
	s5 =	ssub.s32 $0x2, s5  }
0xc: {  	s12 =	sor.u32 $0x1C09, s26;
	s26 =	simm.s32 $0x4;
	_ =	strace $0x8000004A  }
0xd: {  	s8 =	smul.u32 $0x280, s4;
	s4 =	sadd.s32 $0x2800, s0;
	s25 =	sshrl.u32 s5, $0x1  }
0xe: {  	s10 =	sshrl.u32 s7, $0x1;
	s6 =	sadd.s32 s7, s6;
	s9 =	ssub.s32 s5, s25  }
0xf: {  	s13 =	sadd.s32 s10, s2;
	s7 =	sshrl.u32 s7, $0x4;
	s10 =	simm.s32 $0x9  }
0x10: {  	s25 =	simm.s32 $0x5;
	s6 =	sshrl.u32 s6, $0x4;
	s8 =	sadd.s32 s8, s0  }
0x11: {  	s7 =	sadd.s32 s1, s7;
	s9 =	smax.u32 s9, $0x1;
	s13 =	sshrl.u32 s13, $0x3  }
0x12: {  	s1 =	simm.s32 $0x0;
	s0 =	sadd.s32 s6, s0;
	s5 =	sadd.s32 $0x5FE00, s8  }
0x13: {  	s6 =	sadd.s32 $0x5AE00, s8;
	s8 =	sadd.s32 $0x16200, s0;
	s0 =	simm.s32 $0x2780  }
.LBB2_1:
0x14: {  	[tilespmem:s3], [sflag:$0x9] =	stream.linear.gather [hbm4b:s5+s3], $0x1400, $0x38;
	[tilespmem:$0x14600] =	vst v63  }
0x15: {  	_ =	swait.ge [sflag:s10], $0x1400  }
0x16: {  	[sflag:s10] =	ssyncset.done $0x0  }
0x17: {  	[sflag:s10] =	ssyncadd.s32 $0xFFFFEC00  }
0x18: {  	[tilespmem:s11], [sflag:$0x9] =	stream.linear.gather [hbm4b:s6+s3], $0x1400, $0x38;
	[tilespmem:$0x14600] =	vst v63  }
0x19: {  	_ =	swait.ge [sflag:s10], $0x1400  }
0x1a: {  	[sflag:s10] =	ssyncset.done $0x0  }
0x1b: {  	[sflag:s10] =	ssyncadd.s32 $0xFFFFEC00  }
0x1c: {  	[spmem:s13], [sflag:s12] =	dma.local [hbm:s7], $0x13C0  }
0x1d: {  	_ =	swait.ge [sflag:s10], $0x13C0  }
0x1e: {  	[sflag:s10] =	ssyncset.done $0x0  }
0x1f: {  	[sflag:s10] =	ssyncadd.s32 $0xFFFFEC40  }
0x20: {  	[bflag:$0x0] =	sbarrier.arrive $0xFFFF  }
0x21: {  	[tilespmem:s15], [sflag:$0x1] =	stream.indirect.gather [hbm4b:s4+s14], $0x40, s3, s14, $0xb8;
	[tilespmem:$0x14600] =	vst v63  }
0x22: {  	_ = 	snop  }
0x23: {  	[tilespmem:s16], [sflag:$0x2] =	stream.indirect.gather [hbm4b:s4+s14], $0x40, s14, s14, $0xb8;
	[tilespmem:$0x14600] =	vst v63  }
0x24: {  	_ =	swait.ge [sflag:s17], $0x2000  }
0x25: {  	[sflag:s17] =	ssyncset.done $0x0  }
0x26: {  	s18 =	simm.s32 $0x100;
	[sflag:s17] =	ssyncadd.s32 $0xFFFFE000  }
0x27: {  	[tilespmem:s19], [sflag:$0x3] =	stream.indirect.gather [hbm4b:s4+s14], $0x40, s18, s14, $0xb8;
	[tilespmem:$0x14600] =	vst v63  }
0x28: {  	_ = 	snop  }
0x29: {  	[spmem:s2] =	stream.indirect.scatter.add.bf16 [tilespmem:s15], [sflag:$0x5], $0x40, s11, s14, $0xb8;
	[tilespmem:$0x14600] =	vst v63  }
0x2a: {  	_ =	swait.ge [sflag:s20], $0x2000  }
0x2b: {  	[sflag:s20] =	ssyncset.done $0x0  }
0x2c: {  	s23 =	simm.s32 $0x180;
	[sflag:s20] =	ssyncadd.s32 $0xFFFFE000  }
0x2d: {  	[tilespmem:s22], [sflag:$0x4] =	stream.indirect.gather [hbm4b:s4+s14], $0x40, s23, s14, $0xb8;
	[tilespmem:$0x14600] =	vst v63  }
0x2e: {  	s21 =	simm.s32 $0x1480  }
0x2f: {  	[spmem:s2] =	stream.indirect.scatter.add.bf16 [tilespmem:s16], [sflag:$0x6], $0x40, s21, s14, $0xb8;
	[tilespmem:$0x14600] =	vst v63  }
0x30: {  	_ =	swait.ge [sflag:s24], $0x2000  }
0x31: {  	[sflag:s24] =	ssyncset.done $0x0  }
0x32: {  	[sflag:s24] =	ssyncadd.s32 $0xFFFFE000  }
0x33: {  	_ =	swait.ge [sflag:s25], $0x2000  }
0x34: {  	[sflag:s25] =	ssyncset.done $0x0  }
0x35: {  	s23 =	simm.s32 $0x200;
	[sflag:s25] =	ssyncadd.s32 $0xFFFFE000  }
0x36: {  	[tilespmem:s15], [sflag:$0x1] =	stream.indirect.gather [hbm4b:s4+s14], $0x40, s23, s14, $0xb8;
	[tilespmem:$0x14600] =	vst v63  }
0x37: {  	s21 =	simm.s32 $0x1500  }
0x38: {  	[spmem:s2] =	stream.indirect.scatter.add.bf16 [tilespmem:s19], [sflag:$0x7], $0x40, s21, s14, $0xb8;
	[tilespmem:$0x14600] =	vst v63  }
0x39: {  	_ =	swait.ge [sflag:s26], $0x2000  }
0x3a: {  	[sflag:s26] =	ssyncset.done $0x0  }
0x3b: {  	[sflag:s26] =	ssyncadd.s32 $0xFFFFE000  }
0x3c: {  	_ =	swait.ge [sflag:s28], $0x2000  }
0x3d: {  	[sflag:s28] =	ssyncset.done $0x0  }
0x3e: {  	s23 =	simm.s32 $0x280;
	[sflag:s28] =	ssyncadd.s32 $0xFFFFE000  }
0x3f: {  	[tilespmem:s16], [sflag:$0x2] =	stream.indirect.gather [hbm4b:s4+s14], $0x40, s23, s14, $0xb8;
	[tilespmem:$0x14600] =	vst v63  }
0x40: {  	s21 =	simm.s32 $0x1580  }
0x41: {  	[spmem:s2] =	stream.indirect.scatter.add.bf16 [tilespmem:s22], [sflag:$0x8], $0x40, s21, s14, $0xb8;
	[tilespmem:$0x14600] =	vst v63  }
0x42: {  	_ =	swait.ge [sflag:s17], $0x2000  }
0x43: {  	[sflag:s17] =	ssyncset.done $0x0  }
0x44: {  	[sflag:s17] =	ssyncadd.s32 $0xFFFFE000  }
0x45: {  	_ =	swait.ge [sflag:s29], $0x2000  }
0x46: {  	[sflag:s29] =	ssyncset.done $0x0  }
0x47: {  	s23 =	simm.s32 $0x300;
	[sflag:s29] =	ssyncadd.s32 $0xFFFFE000  }
0x48: {  	[tilespmem:s19], [sflag:$0x3] =	stream.indirect.gather [hbm4b:s4+s14], $0x40, s23, s14, $0xb8;
	[tilespmem:$0x14600] =	vst v63  }
0x49: {  	s21 =	simm.s32 $0x1600  }
0x4a: {  	[spmem:s2] =	stream.indirect.scatter.add.bf16 [tilespmem:s15], [sflag:$0x5], $0x40, s21, s14, $0xb8;
	[tilespmem:$0x14600] =	vst v63  }
0x4b: {  	_ =	swait.ge [sflag:s20], $0x2000  }
0x4c: {  	[sflag:s20] =	ssyncset.done $0x0  }
0x4d: {  	[sflag:s20] =	ssyncadd.s32 $0xFFFFE000  }
0x4e: {  	_ =	swait.ge [sflag:s30], $0x2000  }
0x4f: {  	s18 =	simm.s32 $0x800;
	[sflag:s30] =	ssyncset.done $0x0  }
0x50: {  	s23 =	simm.s32 $0x380;
	s21 =	simm.s32 $0x1680;
	[sflag:s30] =	ssyncadd.s32 $0xFFFFE000  }
0x51: {  	[tilespmem:s22], [sflag:$0x4] =	stream.indirect.gather [hbm4b:s4+s14], $0x40, s23, s14, $0xb8;
	[tilespmem:$0x14600] =	vst v63  }
.LBB2_2:
0x52: {  	[spmem:s2] =	stream.indirect.scatter.add.bf16 [tilespmem:s16], [sflag:$0x6], $0x40, s21, s14, $0xb8;
	[tilespmem:$0x14600] =	vst v63  }
0x53: {  	s21 =	smov.u32 s18  }
0x54: {  	p0 =	sne.s32 s18, $0x4000;
	s18 =	sadd.s32 $0x800, s18;
	_ =	swait.ge [sflag:s24], $0x2000  }
0x55: {  	[sflag:s24] =	ssyncset.done $0x0  }
0x56: {  	[sflag:s24] =	ssyncadd.s32 $0xFFFFE000  }
0x57: {  	_ =	swait.ge [sflag:s25], $0x2000  }
0x58: {  	s21 =	sshra.s32 s21, $0x2;
	[sflag:s25] =	ssyncset.done $0x0  }
0x59: {  	s23 =	sadd.s32 $0x200, s21;
	[sflag:s25] =	ssyncadd.s32 $0xFFFFE000  }
0x5a: {  	[tilespmem:s15], [sflag:$0x1] =	stream.indirect.gather [hbm4b:s4+s14], $0x40, s23, s14, $0xb8;
	[tilespmem:$0x14600] =	vst v63  }
0x5b: {  	s23 =	sadd.s32 $0x1500, s21  }
0x5c: {  	[spmem:s2] =	stream.indirect.scatter.add.bf16 [tilespmem:s19], [sflag:$0x7], $0x40, s23, s14, $0xb8;
	[tilespmem:$0x14600] =	vst v63  }
0x5d: {  	_ =	swait.ge [sflag:s26], $0x2000  }
0x5e: {  	[sflag:s26] =	ssyncset.done $0x0  }
0x5f: {  	[sflag:s26] =	ssyncadd.s32 $0xFFFFE000  }
0x60: {  	_ =	swait.ge [sflag:s28], $0x2000  }
0x61: {  	[sflag:s28] =	ssyncset.done $0x0  }
0x62: {  	s23 =	sadd.s32 $0x280, s21;
	[sflag:s28] =	ssyncadd.s32 $0xFFFFE000  }
0x63: {  	[tilespmem:s16], [sflag:$0x2] =	stream.indirect.gather [hbm4b:s4+s14], $0x40, s23, s14, $0xb8;
	[tilespmem:$0x14600] =	vst v63  }
0x64: {  	s23 =	sadd.s32 $0x1580, s21  }
0x65: {  	[spmem:s2] =	stream.indirect.scatter.add.bf16 [tilespmem:s22], [sflag:$0x8], $0x40, s23, s14, $0xb8;
	[tilespmem:$0x14600] =	vst v63  }
0x66: {  	_ =	swait.ge [sflag:s17], $0x2000  }
0x67: {  	[sflag:s17] =	ssyncset.done $0x0  }
0x68: {  	[sflag:s17] =	ssyncadd.s32 $0xFFFFE000  }
0x69: {  	_ =	swait.ge [sflag:s29], $0x2000  }
0x6a: {  	[sflag:s29] =	ssyncset.done $0x0  }
0x6b: {  	s23 =	sadd.s32 $0x300, s21;
	[sflag:s29] =	ssyncadd.s32 $0xFFFFE000  }
0x6c: {  	[tilespmem:s19], [sflag:$0x3] =	stream.indirect.gather [hbm4b:s4+s14], $0x40, s23, s14, $0xb8;
	[tilespmem:$0x14600] =	vst v63  }
0x6d: {  	s23 =	sadd.s32 $0x1600, s21  }
0x6e: {  	[spmem:s2] =	stream.indirect.scatter.add.bf16 [tilespmem:s15], [sflag:$0x5], $0x40, s23, s14, $0xb8;
	[tilespmem:$0x14600] =	vst v63  }
0x6f: {  	_ =	swait.ge [sflag:s20], $0x2000  }
0x70: {  	[sflag:s20] =	ssyncset.done $0x0  }
0x71: {  	[sflag:s20] =	ssyncadd.s32 $0xFFFFE000  }
.Ltmp0:
0x72: {  	_ =	swait.ge [sflag:s30], $0x2000;
	(pc) =	sbr.rel @p0 .LBB2_2-.Ltmp0, $4  }
0x73: {  	[sflag:s30] =	ssyncset.done $0x0  }
0x74: {  	s23 =	sadd.s32 $0x380, s21;
	[sflag:s30] =	ssyncadd.s32 $0xFFFFE000  }
0x75: {  	[tilespmem:s22], [sflag:$0x4] =	stream.indirect.gather [hbm4b:s4+s14], $0x40, s23, s14, $0xb8;
	[tilespmem:$0x14600] =	vst v63  }
0x76: {  	s21 =	sadd.s32 $0x1680, s21  }
0x77: {  	[spmem:s2] =	stream.indirect.scatter.add.bf16 [tilespmem:s16], [sflag:$0x6], $0x40, s21, s14, $0xb8;
	[tilespmem:$0x14600] =	vst v63  }
0x78: {  	_ =	swait.ge [sflag:s24], $0x2000  }
0x79: {  	[sflag:s24] =	ssyncset.done $0x0  }
0x7a: {  	[sflag:s24] =	ssyncadd.s32 $0xFFFFE000  }
0x7b: {  	[spmem:s2] =	stream.indirect.scatter.add.bf16 [tilespmem:s19], [sflag:$0x7], $0x40, s31, s14, $0xb8;
	[tilespmem:$0x14600] =	vst v63  }
0x7c: {  	_ =	swait.ge [sflag:s26], $0x2000  }
0x7d: {  	[sflag:s26] =	ssyncset.done $0x0  }
0x7e: {  	[sflag:s26] =	ssyncadd.s32 $0xFFFFE000  }
0x7f: {  	[spmem:s2] =	stream.indirect.scatter.add.bf16 [tilespmem:s22], [sflag:$0x8], $0x40, s0, s14, $0xb8;
	[tilespmem:$0x14600] =	vst v63  }
0x80: {  	_ =	swait.ge [sflag:s25], $0x2000  }
0x81: {  	[sflag:s25] =	ssyncset.done $0x0  }
0x82: {  	[sflag:s25] =	ssyncadd.s32 $0xFFFFE000  }
0x83: {  	_ =	swait.ge [sflag:s28], $0x2000  }
0x84: {  	[sflag:s28] =	ssyncset.done $0x0  }
0x85: {  	[sflag:s28] =	ssyncadd.s32 $0xFFFFE000  }
0x86: {  	_ =	swait.ge [sflag:s29], $0x2000  }
0x87: {  	[sflag:s29] =	ssyncset.done $0x0  }
0x88: {  	[sflag:s29] =	ssyncadd.s32 $0xFFFFE000  }
0x89: {  	_ =	swait.ge [sflag:s30], $0x2000  }
0x8a: {  	s1 =	sadd.s32 $0x1, s1;
	[sflag:s30] =	ssyncset.done $0x0  }
0x8b: {  	p0 =	sne.s32 s1, s9;
	[sflag:s30] =	ssyncadd.s32 $0xFFFFE000  }
.Ltmp1:
0x8c: {  	[bflag:$0x0] =	sbarrier.arrive $0xFFFF;
	(pc) =	sbr.rel @p0 .LBB2_1-.Ltmp1, $4  }
0x8d: {  	[hbm:s8], [sflag:s12] =	dma.local [spmem:s13], $0x13C0  }
0x8e: {  	_ =	swait.ge [sflag:s10], $0x13C0  }
0x8f: {  	[sflag:s10] =	ssyncset.done $0x0  }
0x90: {  	[sflag:s10] =	ssyncadd.s32 $0xFFFFEC40  }
0x91: {  	_ =	sfence.sel $0x180000  }
0x92: {  	[bflag:$0x0] =	sbarrier.arrive $0xFFFF  }
0x93: {  	_ =	strace $0x9000004A  }
0x94: {  	s0 =	stileid.u32;
	[bflag:$0x2] =	sbarrier.arrive $0xFFFF  }
0x95: {  	p0 =	sne.s32 s0, $0x0;
	s0 =	rddreg [dreg:$0x3]  }
0x96: {  	s0 =	sadd.s32 @!p0 $0x100000, s0  }
0x97: {  	[sflag:s0] =	ssyncadd.tile.s32 @!p0 $0x1;
	_ =	shalt  }
.Lfunc_end2:
_tile_overlayer_lowered:
.L_overlay_start_2:
0x98: {  	(tag) =	ssettag $0x2  }
0x99: {  	s0 =	rddreg [dreg:$0x0];
	s2 =	stileid.u32  }
0x9a: {  	s1 =	rddreg [dreg:$0x1];
	p0 =	sne.s32 s2, $0x0  }
0x9b: {  	s3 =	rddreg [dreg:$0x2];
	[bflag:$0x3] =	sbarrier.arrive $0xFFFF;
	s2 =	simm.s32 @!p0 $0x1C09  }
0x9c: {  	[timem:s3], [sflag:s2] =	dma.local @!p0 [hbm:s0], s1  }
0x9d: {  	s0 =	simm.s32 @!p0 $0x9  }
0x9e: {  	_ =	swait.ge @!p0 [sflag:s0], s1  }
0x9f: {  	s1 =	ssub.s32 @!p0 $0x0, s1;
	[sflag:s0] =	ssyncset.done @!p0 $0x0  }
0xa0: {  	[sflag:s0] =	ssyncadd.s32 @!p0 s1  }
0xa1: {  	[bflag:$0x3] =	sbarrier.arrive $0xFFFF  }
0xa2: {  	_ =	shalt  }

// kernel: kernel.15.cloned.1.call-start
scs
__scs_entry_jumppad:
0x0: {  	(pc) =	sbr.rel $0x88, $3  }
0x1: {  	(tag) =	ssettag $0x0;
	lr =	simm.s32 $0x1  }
0x2: {  	[smem:$0x3F96] =	sst lr;
	_ =	strace $0xD0000000  }
0x3: {  	_ = 	snop  }
0x4: {  	_ = 	snop  }
0x5: {  	_ = 	snop  }
0x6: {  	_ = 	snop  }
0x7: {  	_ = 	snop  }
__scs_overlays_trampoline_lowered:
0x8: {  	[smem:$0x3FA5] =	sst s0  }
0x9: {  	[smem:$0x3FA6] =	sst s1  }
0xa: {  	[smem:$0x3FA7] =	sst s2  }
0xb: {  	[smem:$0x3FA8] =	sst s3  }
0xc: {  	[smem:$0x3FA9] =	sst s4  }
0xd: {  	[smem:$0x3FAA] =	sst s5  }
0xe: {  	[smem:$0x3FAB] =	sst s6  }
0xf: {  	[smem:$0x3FAC] =	sst s7  }
0x10: {  	[smem:$0x3FAD] =	sst s8  }
0x11: {  	[smem:$0x3FAE] =	sst s9;
	s0 =	simm.s32 @!p0 $0x0  }
0x12: {  	s1 =	sld [smem:$0x3F94];
	s0 =	simm.s32 @p0 $0x1  }
0x13: {  	[smem:$0x3FAF] =	sst s0;
	s0 =	simm.s32 @!p1 $0x0  }
0x14: {  	s2 =	sld [smem:$0x3F93];
	s0 =	simm.s32 @p1 $0x1  }
0x15: {  	[smem:$0x3FB0] =	sst s0;
	s0 =	simm.s32 @!p2 $0x0  }
0x16: {  	s3 =	sld [smem:$0x3FDB];
	s0 =	simm.s32 @p2 $0x1  }
0x17: {  	s4 =	simm.s32 $0x1BF5;
	[smem:$0x3FB2] =	sst s0  }
0x18: {  	s0 =	sld [smem:$0x3F95];
	_ =	swait.ge [sflag:s4], $0x0  }
0x19: {  	s7 =	sld [smem:$0x3F96]  }
0x1a: {  	s8 =	sadd.s32 $0xFFFFE003, lr  }
0x1b: {  	s9 =	sadd.s32 $0xFFFFFEF7, lr;
	s5 =	simm.s32 $0xFFFFFFFF;
	p2 =	slt.u32 s8, $0xFFFFF086  }
0x1c: {  	p1 =	slt.u32 s9, $0xF7A;
	s5 =	simm.s32 @!p2 $0x0  }
0x1d: {  	s5 =	simm.s32 @p1 $0x1;
	p0 =	seq.s32 s7, s2  }
0x1e: {  	s7 =	smul.u32 @!p0 $0xF7A, s2;
	p2 =	seq.s32 @!p0 s5, $0x0  }
0x1f: {  	s9 =	smul.u32 $0xF7A, s1;
	s8 =	simm.s32 @!p0 $0x1BF5;
	p2 =	por !p2, p0  }
0x20: {  	[sflag:s8] =	ssyncset.s32 @!p0 $0xFFFFF086;
	s6 =	sadd.s32 @!p0 s3, s7;
	s7 =	simm.s32 @!p0 $0x108  }
0x21: {  	s3 =	sadd.s32 s3, s9;
	s6 =	sadd.s32 @!p0 $0x88, s6;
	s7 =	simm.s32 @p2 $0x1082  }
0x22: {  	[simem:s7], [sflag:s8] =	dma.local @!p0 [hbm:s6], $0xF7A  }
0x23: {  	s9 =	sor.u32 $0xD0000000, s2;
	s6 =	simm.s32 $0x108;
	_ =	swait.ge @!p0 [sflag:s8], $0x0  }
0x24: {  	s3 =	sadd.s32 $0x88, s3;
	s6 =	simm.s32 @!p1 $0x1082;
	[sflag:s4] =	ssyncset.s32 $0xFFFFF086  }
0x25: {  	[simem:s6], [sflag:s4] =	dma.local [hbm:s3], $0xF7A  }
0x26: {  	[smem:$0x3F96] =	sst s1;
	(tag) =	ssettag s2;
	_ =	strace s9  }
0x27: {  	s1 =	sld [smem:$0x3FA6]  }
0x28: {  	s2 =	sld [smem:$0x3FA7]  }
0x29: {  	s4 =	sld [smem:$0x3FA9]  }
0x2a: {  	p0 =	seq.s32 s5, $0x0;
	s5 =	sld [smem:$0x3FAA]  }
0x2b: {  	s6 =	sld [smem:$0x3FAB]  }
0x2c: {  	s7 =	sld [smem:$0x3FAC]  }
0x2d: {  	s3 =	simm.s32 $0x108;
	s8 =	sld [smem:$0x3FAD]  }
0x2e: {  	s3 =	simm.s32 @!p0 $0x1082;
	s9 =	sld [smem:$0x3FAE]  }
0x2f: {  	lr =	sadd.s32 s0, s3;
	s0 =	sld [smem:$0x3FA5]  }
0x30: {  	s3 =	sld [smem:$0x3FA8]  }
0x31: {  	[smem:$0x3FB1] =	sst s10  }
0x32: {  	s10 =	sld [smem:$0x3FAF];
	_ =	sdelay $0x3  }
0x33: {  	p0 =	seq.s32 s10, $0x1;
	s10 =	sld [smem:$0x3FB1];
	_ =	sdelay $0x3  }
0x34: {  	[smem:$0x3FB1] =	sst s10  }
0x35: {  	s10 =	sld [smem:$0x3FB0];
	_ =	sdelay $0x3  }
0x36: {  	p1 =	seq.s32 s10, $0x1;
	s10 =	sld [smem:$0x3FB1];
	_ =	sdelay $0x3  }
0x37: {  	[smem:$0x3FB1] =	sst s10  }
0x38: {  	s10 =	sld [smem:$0x3FB2]  }
0x39: {  	_ = 	snop;
	(pc) =	sbr.ind lr, $3  }
0x3a: {  	_ = 	snop  }
0x3b: {  	_ = 	snop  }
0x3c: {  	p2 =	seq.s32 s10, $0x1;
	s10 =	sld [smem:$0x3FB1]  }
0x3d: {  	_ =	shalt  }
0x3e: {  	_ =	shalt  }
0x3f: {  	_ =	shalt  }
0x40: {  	_ =	shalt  }
0x41: {  	_ =	shalt  }
0x42: {  	_ =	shalt  }
0x43: {  	_ =	shalt  }
0x44: {  	_ =	shalt  }
0x45: {  	_ =	shalt  }
0x46: {  	_ =	shalt  }
0x47: {  	_ =	shalt  }
0x48: {  	_ =	shalt  }
0x49: {  	_ =	shalt  }
0x4a: {  	_ =	shalt  }
0x4b: {  	_ =	shalt  }
0x4c: {  	_ =	shalt  }
0x4d: {  	_ =	shalt  }
0x4e: {  	_ =	shalt  }
0x4f: {  	_ =	shalt  }
0x50: {  	_ =	shalt  }
0x51: {  	_ =	shalt  }
0x52: {  	_ =	shalt  }
0x53: {  	_ =	shalt  }
0x54: {  	_ =	shalt  }
0x55: {  	_ =	shalt  }
0x56: {  	_ =	shalt  }
0x57: {  	_ =	shalt  }
0x58: {  	_ =	shalt  }
0x59: {  	_ =	shalt  }
0x5a: {  	_ =	shalt  }
0x5b: {  	_ =	shalt  }
0x5c: {  	_ =	shalt  }
0x5d: {  	_ =	shalt  }
0x5e: {  	_ =	shalt  }
0x5f: {  	_ =	shalt  }
0x60: {  	_ =	shalt  }
0x61: {  	_ =	shalt  }
0x62: {  	_ =	shalt  }
0x63: {  	_ =	shalt  }
0x64: {  	_ =	shalt  }
0x65: {  	_ =	shalt  }
0x66: {  	_ =	shalt  }
0x67: {  	_ =	shalt  }
0x68: {  	_ =	shalt  }
0x69: {  	_ =	shalt  }
0x6a: {  	_ =	shalt  }
0x6b: {  	_ =	shalt  }
0x6c: {  	_ =	shalt  }
0x6d: {  	_ =	shalt  }
0x6e: {  	_ =	shalt  }
0x6f: {  	_ =	shalt  }
0x70: {  	_ =	shalt  }
0x71: {  	_ =	shalt  }
0x72: {  	_ =	shalt  }
0x73: {  	_ =	shalt  }
0x74: {  	_ =	shalt  }
0x75: {  	_ =	shalt  }
0x76: {  	_ =	shalt  }
0x77: {  	_ =	shalt  }
0x78: {  	_ =	shalt  }
0x79: {  	_ =	shalt  }
0x7a: {  	_ =	shalt  }
0x7b: {  	_ =	shalt  }
0x7c: {  	_ =	shalt  }
0x7d: {  	_ =	shalt  }
0x7e: {  	_ =	shalt  }
0x7f: {  	_ =	shalt  }
0x80: {  	_ =	shalt  }
0x81: {  	_ =	shalt  }
0x82: {  	_ =	shalt  }
0x83: {  	_ =	shalt  }
0x84: {  	_ =	shalt  }
0x85: {  	_ =	shalt  }
0x86: {  	_ =	shalt  }
0x87: {  	_ =	shalt  }
.Lfunc_end0:
.L_simem_size_0:
called_computation.2_lowered:
.L_overlay_start_0:
0x88: {  	s2 =	sld [smem:$0x3FD9]  }
0x89: {  	s3 =	sld [smem:$0x3FFE];
	_ =	sdelay $0x1  }
0x8a: {  	s1 =	srdreg.scid  }
0x8b: {  	s0 =	sand.u32 $0x1, s1  }
0x8c: {  	s17 =	sshll.u32 s0, $0xA;
	s2 =	sadd.s32 s3, s2  }
0x8d: {  	s2 =	sadd.s32 s2, s17  }
0x8e: {  	[smem:$0x3FBD] =	sst s2  }
0x8f: {  	_ = 	snop  }
0x90: {  	s2 =	sld [smem:$0x3FD0];
	(tm) =	ssettm $0x1  }
0x91: {  	s18 =	sld [smem:$0x3FFB];
	_ =	sdelay $0x3  }
0x92: {  	_ =	strace s18  }
0x93: {  	s3 =	sld [smem:$0x3FFC];
	_ =	sdelay $0x3  }
0x94: {  	_ =	strace s3  }
0x95: {  	s3 =	sld [smem:$0x3FFD];
	_ =	sdelay $0x3  }
0x96: {  	_ =	strace s3  }
0x97: {  	_ =	strace $0x8FFFFFFF  }
0x98: {  	s19 =	sld [smem:$0x3FDB];
	_ =	sdelay $0x1  }
0x99: {  	s4 =	simm.s32 $_scs_section_size  }
0x9a: {  	s5 =	simm.s32 $_size__tile_overlayer_lowered;
	s6 =	simm.s32 $_tile_overlayer_lowered  }
0x9b: {  	s22 =	simm.s32 $0x1BFF;
	s21 =	sshll.u32 s6, $0x1;
	s3 =	sadd.s32 s4, s19  }
0x9c: {  	s7 =	simm.s32 $0x0;
	s20 =	sshll.u32 s5, $0x1;
	s5 =	sadd.s32 s21, s3  }
0x9d: {  	[timem:s7], [sflag:s22] =	dma.local [hbm:s5], s20  }
0x9e: {  	_ =	swait.ge [sflag:s22], s20  }
0x9f: {  	s4 =	ssub.s32 $0x0, s20;
	[sflag:s22] =	ssyncset.done $0x0  }
0xa0: {  	[sflag:s22] =	ssyncadd.s32 s4;
	_ =	sdelay $0x1  }
0xa1: {  	s23 =	simm.s32 $0x1B8B  }
0xa2: {  	_ =	swait.ge [sflag:s23], $0x1  }
0xa3: {  	[sflag:s23] =	ssyncset.done $0x0  }
0xa4: {  	s25 =	simm.s32 $0x1B8E;
	s24 =	sld [smem:$0x3FFE];
	[sflag:s23] =	ssyncadd.s32 $0xFFFFFFFF  }
0xa5: {  	s26 =	simm.s32 $execute0_lowered;
	[smem:$0x3FD2] =	sst s25  }
0xa6: {  	s5 =	sshll.u32 s26, $0x1;
	_ =	strace $0x8000004C;
	[dreg:$0x1] =	wrdreg $0xFFFFFFFF  }
0xa7: {  	s28 =	simm.s32 $_size_execute0_lowered;
	s3 =	sadd.s32 s3, s5;
	[dreg:$0x0] =	wrdreg $0x0  }
0xa8: {  	s5 =	sshll.u32 s28, $0x1;
	[dreg:$0x2] =	wrdreg s3  }
0xa9: {  	[dreg:$0x3] =	wrdreg s5  }
0xaa: {  	[dreg:$0x4] =	wrdreg $0xC0  }
0xab: {  	_ =	task [dreg:s7], $0x5FFFF  }
0xac: {  	[dreg:$0x1] =	wrdreg $0xFFFFFFFF  }
0xad: {  	[dreg:$0x0] =	wrdreg $0x60  }
0xae: {  	[dreg:$0x2] =	wrdreg s24  }
0xaf: {  	[dreg:$0x3] =	wrdreg s2  }
0xb0: {  	[dreg:$0x4] =	wrdreg $0x68000  }
0xb1: {  	[dreg:$0x5] =	wrdreg $0x9  }
0xb2: {  	_ =	task.clear_ibuf [dreg:s7], $0x6FFFF;
	_ =	strace $0x9000004C  }
0xb3: {  	s29 =	simm.s32 $0x9;
	_ =	strace $0x8000004E  }
0xb4: {  	_ =	swait.ge [sflag:s29], $0x1  }
0xb5: {  	[sflag:s29] =	ssyncadd.s32 $0xFFFFFFFF  }
0xb6: {  	_ =	strace $0x9000004E  }
0xb7: {  	_ =	sfence  }
0xb8: {  	s30 =	sld [smem:$0x0];
	_ =	sdelay $0x2  }
0xb9: {  	s31 =	sshll.u32 s1, $0xD;
	s1 =	sshrl.u32 s1, $0x2  }
0xba: {  	s3 =	sand.u32 $0x4000, s31;
	s1 =	sadd.s32 s1, s30  }
0xbb: {  	s0 =	sor.u32 s3, s0;
	s1 =	sshll.u32 s1, $0x11  }
0xbc: {  	s0 =	sor.u32 s1, s0  }
0xbd: {  	s0 =	sadd.s32 $0x8F2B, s0  }
0xbe: {  	[sflag:s0] =	ssyncadd.remote.s32 $0x1  }
0xbf: {  	_ =	sfence.sel $0xFFFF  }
0xc0: {  	[dreg:$0x0] =	wrdreg $0xFFFFFFFF;
	(pc) =	sbr.abs _section_cstart, $3  }
0xc1: {  	[dreg:$0x1] =	wrdreg $0xFFFFFFFF  }
0xc2: {  	_ =	task.clear_ibuf [dreg:s7], $0x2FFFF;
	_ =	strace $0x9FFFFFFF  }
0xc3: {  	(tm) =	ssettm $0x7FFFFFFF  }
tec
execute0_lowered:
.L_overlay_start_1:
0x0: {  	(tag) =	ssettag $0x1  }
0x1: {  	s0 =	rddreg [dreg:$0x0]  }
0x2: {  	s1 =	rddreg [dreg:$0x1]  }
0x3: {  	s2 =	rddreg [dreg:$0x2]  }
0x4: {  	s3 =	simm.s32 $0x0;
	s4 =	srdreg.scid;
	s12 =	stileid.u32  }
0x5: {  	s14 =	simm.s32 $0x80;
	s15 =	simm.s32 $0x2800;
	s16 =	simm.s32 $0x3800  }
0x6: {  	s17 =	simm.s32 $0x1;
	s19 =	simm.s32 $0x4800;
	s20 =	simm.s32 $0x2  }
0x7: {  	s28 =	simm.s32 $0x6;
	s29 =	simm.s32 $0x7;
	s30 =	simm.s32 $0x8  }
0x8: {  	s31 =	simm.s32 $0x2700;
	[smem:$0x7FF] =	sst s3;
	s5 =	sand.u32 $0x1, s4  }
0x9: {  	s22 =	sshll.u32 s12, $0x1;
	s7 =	smul.u32 $0x9E00, s12;
	s4 =	sadd.s32 $0x47800, s0  }
0xa: {  	s26 =	sshll.u32 s12, $0x6;
	_ =	strace $0x8000004D;
	s6 =	sor.u32 s5, s22  }
0xb: {  	s8 =	ssub.s32 $0x2, s5;
	s11 =	smul.u32 $0x9E000, s5;
	s12 =	sor.u32 $0x1C09, s26  }
0xc: {  	s22 =	simm.s32 $0x5800;
	s26 =	simm.s32 $0x4;
	s6 =	smul.u32 $0x280, s6  }
0xd: {  	s9 =	sshrl.u32 s7, $0x4;
	s10 =	sshrl.u32 s8, $0x1;
	s24 =	sshrl.u32 s7, $0x1  }
0xe: {  	s23 =	ssub.s32 s8, s10;
	s7 =	sadd.s32 s7, s11;
	s13 =	sadd.s32 s24, s2  }
0xf: {  	s10 =	simm.s32 $0x9;
	s11 =	simm.s32 $0x1400;
	s24 =	simm.s32 $0x3  }
0x10: {  	s6 =	sadd.s32 s6, s0;
	s0 =	sadd.s32 s9, s0;
	s25 =	sshrl.u32 s7, $0x4  }
0x11: {  	s9 =	smax.u32 s23, $0x1;
	s13 =	sshrl.u32 s13, $0x3;
	s5 =	sadd.s32 $0x5FE00, s6  }
0x12: {  	s6 =	sadd.s32 $0x5AE00, s6;
	s7 =	sadd.s32 $0x3DA00, s0;
	s8 =	sadd.s32 s1, s25  }
0x13: {  	s25 =	simm.s32 $0x5;
	s0 =	simm.s32 $0x2780;
	s1 =	simm.s32 $0x0  }
.LBB2_1:
0x14: {  	[tilespmem:s3], [sflag:$0x9] =	stream.linear.gather [hbm4b:s5+s3], $0x1400, $0x38;
	[tilespmem:$0xB700] =	vst v63  }
0x15: {  	_ =	swait.ge [sflag:s10], $0x1400  }
0x16: {  	[sflag:s10] =	ssyncset.done $0x0  }
0x17: {  	[sflag:s10] =	ssyncadd.s32 $0xFFFFEC00  }
0x18: {  	[tilespmem:s11], [sflag:$0x9] =	stream.linear.gather [hbm4b:s6+s3], $0x1400, $0x38;
	[tilespmem:$0xB700] =	vst v63  }
0x19: {  	_ =	swait.ge [sflag:s10], $0x1400  }
0x1a: {  	[sflag:s10] =	ssyncset.done $0x0  }
0x1b: {  	[sflag:s10] =	ssyncadd.s32 $0xFFFFEC00  }
0x1c: {  	[spmem:s13], [sflag:s12] =	dma.local [hbm:s7], $0x9E0  }
0x1d: {  	_ =	swait.ge [sflag:s10], $0x9E0  }
0x1e: {  	[sflag:s10] =	ssyncset.done $0x0  }
0x1f: {  	[sflag:s10] =	ssyncadd.s32 $0xFFFFF620  }
0x20: {  	[bflag:$0x0] =	sbarrier.arrive $0xFFFF  }
0x21: {  	[tilespmem:s15], [sflag:$0x1] =	stream.indirect.gather [hbm4b:s4+s14], $0x20, s3, s14, $0xb8;
	[tilespmem:$0xB700] =	vst v63  }
0x22: {  	_ = 	snop  }
0x23: {  	[tilespmem:s16], [sflag:$0x2] =	stream.indirect.gather [hbm4b:s4+s14], $0x20, s14, s14, $0xb8;
	[tilespmem:$0xB700] =	vst v63  }
0x24: {  	_ =	swait.ge [sflag:s17], $0x1000  }
0x25: {  	[sflag:s17] =	ssyncset.done $0x0  }
0x26: {  	s18 =	simm.s32 $0x100;
	[sflag:s17] =	ssyncadd.s32 $0xFFFFF000  }
0x27: {  	[tilespmem:s19], [sflag:$0x3] =	stream.indirect.gather [hbm4b:s4+s14], $0x20, s18, s14, $0xb8;
	[tilespmem:$0xB700] =	vst v63  }
0x28: {  	_ = 	snop  }
0x29: {  	[spmem:s2] =	stream.indirect.scatter.add.bf16 [tilespmem:s15], [sflag:$0x5], $0x20, s11, s14, $0xb8;
	[tilespmem:$0xB700] =	vst v63  }
0x2a: {  	_ =	swait.ge [sflag:s20], $0x1000  }
0x2b: {  	[sflag:s20] =	ssyncset.done $0x0  }
0x2c: {  	s23 =	simm.s32 $0x180;
	[sflag:s20] =	ssyncadd.s32 $0xFFFFF000  }
0x2d: {  	[tilespmem:s22], [sflag:$0x4] =	stream.indirect.gather [hbm4b:s4+s14], $0x20, s23, s14, $0xb8;
	[tilespmem:$0xB700] =	vst v63  }
0x2e: {  	s21 =	simm.s32 $0x1480  }
0x2f: {  	[spmem:s2] =	stream.indirect.scatter.add.bf16 [tilespmem:s16], [sflag:$0x6], $0x20, s21, s14, $0xb8;
	[tilespmem:$0xB700] =	vst v63  }
0x30: {  	_ =	swait.ge [sflag:s24], $0x1000  }
0x31: {  	[sflag:s24] =	ssyncset.done $0x0  }
0x32: {  	[sflag:s24] =	ssyncadd.s32 $0xFFFFF000  }
0x33: {  	_ =	swait.ge [sflag:s25], $0x1000  }
0x34: {  	[sflag:s25] =	ssyncset.done $0x0  }
0x35: {  	s23 =	simm.s32 $0x200;
	[sflag:s25] =	ssyncadd.s32 $0xFFFFF000  }
0x36: {  	[tilespmem:s15], [sflag:$0x1] =	stream.indirect.gather [hbm4b:s4+s14], $0x20, s23, s14, $0xb8;
	[tilespmem:$0xB700] =	vst v63  }
0x37: {  	s21 =	simm.s32 $0x1500  }
0x38: {  	[spmem:s2] =	stream.indirect.scatter.add.bf16 [tilespmem:s19], [sflag:$0x7], $0x20, s21, s14, $0xb8;
	[tilespmem:$0xB700] =	vst v63  }
0x39: {  	_ =	swait.ge [sflag:s26], $0x1000  }
0x3a: {  	[sflag:s26] =	ssyncset.done $0x0  }
0x3b: {  	[sflag:s26] =	ssyncadd.s32 $0xFFFFF000  }
0x3c: {  	_ =	swait.ge [sflag:s28], $0x1000  }
0x3d: {  	[sflag:s28] =	ssyncset.done $0x0  }
0x3e: {  	s23 =	simm.s32 $0x280;
	[sflag:s28] =	ssyncadd.s32 $0xFFFFF000  }
0x3f: {  	[tilespmem:s16], [sflag:$0x2] =	stream.indirect.gather [hbm4b:s4+s14], $0x20, s23, s14, $0xb8;
	[tilespmem:$0xB700] =	vst v63  }
0x40: {  	s21 =	simm.s32 $0x1580  }
0x41: {  	[spmem:s2] =	stream.indirect.scatter.add.bf16 [tilespmem:s22], [sflag:$0x8], $0x20, s21, s14, $0xb8;
	[tilespmem:$0xB700] =	vst v63  }
0x42: {  	_ =	swait.ge [sflag:s17], $0x1000  }
0x43: {  	[sflag:s17] =	ssyncset.done $0x0  }
0x44: {  	[sflag:s17] =	ssyncadd.s32 $0xFFFFF000  }
0x45: {  	_ =	swait.ge [sflag:s29], $0x1000  }
0x46: {  	[sflag:s29] =	ssyncset.done $0x0  }
0x47: {  	s23 =	simm.s32 $0x300;
	[sflag:s29] =	ssyncadd.s32 $0xFFFFF000  }
0x48: {  	[tilespmem:s19], [sflag:$0x3] =	stream.indirect.gather [hbm4b:s4+s14], $0x20, s23, s14, $0xb8;
	[tilespmem:$0xB700] =	vst v63  }
0x49: {  	s21 =	simm.s32 $0x1600  }
0x4a: {  	[spmem:s2] =	stream.indirect.scatter.add.bf16 [tilespmem:s15], [sflag:$0x5], $0x20, s21, s14, $0xb8;
	[tilespmem:$0xB700] =	vst v63  }
0x4b: {  	_ =	swait.ge [sflag:s20], $0x1000  }
0x4c: {  	[sflag:s20] =	ssyncset.done $0x0  }
0x4d: {  	[sflag:s20] =	ssyncadd.s32 $0xFFFFF000  }
0x4e: {  	_ =	swait.ge [sflag:s30], $0x1000  }
0x4f: {  	s18 =	simm.s32 $0x800;
	[sflag:s30] =	ssyncset.done $0x0  }
0x50: {  	s23 =	simm.s32 $0x380;
	s21 =	simm.s32 $0x1680;
	[sflag:s30] =	ssyncadd.s32 $0xFFFFF000  }
0x51: {  	[tilespmem:s22], [sflag:$0x4] =	stream.indirect.gather [hbm4b:s4+s14], $0x20, s23, s14, $0xb8;
	[tilespmem:$0xB700] =	vst v63  }
.LBB2_2:
0x52: {  	[spmem:s2] =	stream.indirect.scatter.add.bf16 [tilespmem:s16], [sflag:$0x6], $0x20, s21, s14, $0xb8;
	[tilespmem:$0xB700] =	vst v63  }
0x53: {  	s21 =	smov.u32 s18  }
0x54: {  	p0 =	sne.s32 s18, $0x4000;
	s18 =	sadd.s32 $0x800, s18;
	_ =	swait.ge [sflag:s24], $0x1000  }
0x55: {  	[sflag:s24] =	ssyncset.done $0x0  }
0x56: {  	[sflag:s24] =	ssyncadd.s32 $0xFFFFF000  }
0x57: {  	_ =	swait.ge [sflag:s25], $0x1000  }
0x58: {  	s21 =	sshra.s32 s21, $0x2;
	[sflag:s25] =	ssyncset.done $0x0  }
0x59: {  	s23 =	sadd.s32 $0x200, s21;
	[sflag:s25] =	ssyncadd.s32 $0xFFFFF000  }
0x5a: {  	[tilespmem:s15], [sflag:$0x1] =	stream.indirect.gather [hbm4b:s4+s14], $0x20, s23, s14, $0xb8;
	[tilespmem:$0xB700] =	vst v63  }
0x5b: {  	s23 =	sadd.s32 $0x1500, s21  }
0x5c: {  	[spmem:s2] =	stream.indirect.scatter.add.bf16 [tilespmem:s19], [sflag:$0x7], $0x20, s23, s14, $0xb8;
	[tilespmem:$0xB700] =	vst v63  }
0x5d: {  	_ =	swait.ge [sflag:s26], $0x1000  }
0x5e: {  	[sflag:s26] =	ssyncset.done $0x0  }
0x5f: {  	[sflag:s26] =	ssyncadd.s32 $0xFFFFF000  }
0x60: {  	_ =	swait.ge [sflag:s28], $0x1000  }
0x61: {  	[sflag:s28] =	ssyncset.done $0x0  }
0x62: {  	s23 =	sadd.s32 $0x280, s21;
	[sflag:s28] =	ssyncadd.s32 $0xFFFFF000  }
0x63: {  	[tilespmem:s16], [sflag:$0x2] =	stream.indirect.gather [hbm4b:s4+s14], $0x20, s23, s14, $0xb8;
	[tilespmem:$0xB700] =	vst v63  }
0x64: {  	s23 =	sadd.s32 $0x1580, s21  }
0x65: {  	[spmem:s2] =	stream.indirect.scatter.add.bf16 [tilespmem:s22], [sflag:$0x8], $0x20, s23, s14, $0xb8;
	[tilespmem:$0xB700] =	vst v63  }
0x66: {  	_ =	swait.ge [sflag:s17], $0x1000  }
0x67: {  	[sflag:s17] =	ssyncset.done $0x0  }
0x68: {  	[sflag:s17] =	ssyncadd.s32 $0xFFFFF000  }
0x69: {  	_ =	swait.ge [sflag:s29], $0x1000  }
0x6a: {  	[sflag:s29] =	ssyncset.done $0x0  }
0x6b: {  	s23 =	sadd.s32 $0x300, s21;
	[sflag:s29] =	ssyncadd.s32 $0xFFFFF000  }
0x6c: {  	[tilespmem:s19], [sflag:$0x3] =	stream.indirect.gather [hbm4b:s4+s14], $0x20, s23, s14, $0xb8;
	[tilespmem:$0xB700] =	vst v63  }
0x6d: {  	s23 =	sadd.s32 $0x1600, s21  }
0x6e: {  	[spmem:s2] =	stream.indirect.scatter.add.bf16 [tilespmem:s15], [sflag:$0x5], $0x20, s23, s14, $0xb8;
	[tilespmem:$0xB700] =	vst v63  }
0x6f: {  	_ =	swait.ge [sflag:s20], $0x1000  }
0x70: {  	[sflag:s20] =	ssyncset.done $0x0  }
0x71: {  	[sflag:s20] =	ssyncadd.s32 $0xFFFFF000  }
.Ltmp0:
0x72: {  	_ =	swait.ge [sflag:s30], $0x1000;
	(pc) =	sbr.rel @p0 .LBB2_2-.Ltmp0, $4  }
0x73: {  	[sflag:s30] =	ssyncset.done $0x0  }
0x74: {  	s23 =	sadd.s32 $0x380, s21;
	[sflag:s30] =	ssyncadd.s32 $0xFFFFF000  }
0x75: {  	[tilespmem:s22], [sflag:$0x4] =	stream.indirect.gather [hbm4b:s4+s14], $0x20, s23, s14, $0xb8;
	[tilespmem:$0xB700] =	vst v63  }
0x76: {  	s21 =	sadd.s32 $0x1680, s21  }
0x77: {  	[spmem:s2] =	stream.indirect.scatter.add.bf16 [tilespmem:s16], [sflag:$0x6], $0x20, s21, s14, $0xb8;
	[tilespmem:$0xB700] =	vst v63  }
0x78: {  	_ =	swait.ge [sflag:s24], $0x1000  }
0x79: {  	[sflag:s24] =	ssyncset.done $0x0  }
0x7a: {  	[sflag:s24] =	ssyncadd.s32 $0xFFFFF000  }
0x7b: {  	[spmem:s2] =	stream.indirect.scatter.add.bf16 [tilespmem:s19], [sflag:$0x7], $0x20, s31, s14, $0xb8;
	[tilespmem:$0xB700] =	vst v63  }
0x7c: {  	_ =	swait.ge [sflag:s26], $0x1000  }
0x7d: {  	[sflag:s26] =	ssyncset.done $0x0  }
0x7e: {  	[sflag:s26] =	ssyncadd.s32 $0xFFFFF000  }
0x7f: {  	[spmem:s2] =	stream.indirect.scatter.add.bf16 [tilespmem:s22], [sflag:$0x8], $0x20, s0, s14, $0xb8;
	[tilespmem:$0xB700] =	vst v63  }
0x80: {  	_ =	swait.ge [sflag:s25], $0x1000  }
0x81: {  	[sflag:s25] =	ssyncset.done $0x0  }
0x82: {  	[sflag:s25] =	ssyncadd.s32 $0xFFFFF000  }
0x83: {  	_ =	swait.ge [sflag:s28], $0x1000  }
0x84: {  	[sflag:s28] =	ssyncset.done $0x0  }
0x85: {  	[sflag:s28] =	ssyncadd.s32 $0xFFFFF000  }
0x86: {  	_ =	swait.ge [sflag:s29], $0x1000  }
0x87: {  	[sflag:s29] =	ssyncset.done $0x0  }
0x88: {  	[sflag:s29] =	ssyncadd.s32 $0xFFFFF000  }
0x89: {  	_ =	swait.ge [sflag:s30], $0x1000  }
0x8a: {  	s1 =	sadd.s32 $0x1, s1;
	[sflag:s30] =	ssyncset.done $0x0  }
0x8b: {  	p0 =	sne.s32 s1, s9;
	[sflag:s30] =	ssyncadd.s32 $0xFFFFF000  }
.Ltmp1:
0x8c: {  	[bflag:$0x0] =	sbarrier.arrive $0xFFFF;
	(pc) =	sbr.rel @p0 .LBB2_1-.Ltmp1, $4  }
0x8d: {  	[hbm:s8], [sflag:s12] =	dma.local [spmem:s13], $0x9E0  }
0x8e: {  	_ =	swait.ge [sflag:s10], $0x9E0  }
0x8f: {  	[sflag:s10] =	ssyncset.done $0x0  }
0x90: {  	[sflag:s10] =	ssyncadd.s32 $0xFFFFF620  }
0x91: {  	_ =	sfence.sel $0x180000  }
0x92: {  	[bflag:$0x0] =	sbarrier.arrive $0xFFFF  }
0x93: {  	_ =	strace $0x9000004D  }
0x94: {  	s0 =	stileid.u32;
	[bflag:$0x2] =	sbarrier.arrive $0xFFFF  }
0x95: {  	p0 =	sne.s32 s0, $0x0;
	s0 =	rddreg [dreg:$0x3]  }
0x96: {  	s0 =	sadd.s32 @!p0 $0x100000, s0  }
0x97: {  	[sflag:s0] =	ssyncadd.tile.s32 @!p0 $0x1;
	_ =	shalt  }
.Lfunc_end2:
_tile_overlayer_lowered:
.L_overlay_start_2:
0x98: {  	(tag) =	ssettag $0x2  }
0x99: {  	s0 =	rddreg [dreg:$0x0];
	s2 =	stileid.u32  }
0x9a: {  	s1 =	rddreg [dreg:$0x1];
	p0 =	sne.s32 s2, $0x0  }
0x9b: {  	s3 =	rddreg [dreg:$0x2];
	[bflag:$0x3] =	sbarrier.arrive $0xFFFF;
	s2 =	simm.s32 @!p0 $0x1C09  }
0x9c: {  	[timem:s3], [sflag:s2] =	dma.local @!p0 [hbm:s0], s1  }
0x9d: {  	s0 =	simm.s32 @!p0 $0x9  }
0x9e: {  	_ =	swait.ge @!p0 [sflag:s0], s1  }
0x9f: {  	s1 =	ssub.s32 @!p0 $0x0, s1;
	[sflag:s0] =	ssyncset.done @!p0 $0x0  }
0xa0: {  	[sflag:s0] =	ssyncadd.s32 @!p0 s1  }
0xa1: {  	[bflag:$0x3] =	sbarrier.arrive $0xFFFF  }
0xa2: {  	_ =	shalt  }

// kernel: kernel.9.cloned.1.call-start
scs
__scs_entry_jumppad:
0x0: {  	(pc) =	sbr.rel $0x88, $3  }
0x1: {  	(tag) =	ssettag $0x0;
	lr =	simm.s32 $0x1  }
0x2: {  	[smem:$0x3F96] =	sst lr;
	_ =	strace $0xD0000000  }
0x3: {  	_ = 	snop  }
0x4: {  	_ = 	snop  }
0x5: {  	_ = 	snop  }
0x6: {  	_ = 	snop  }
0x7: {  	_ = 	snop  }
__scs_overlays_trampoline_lowered:
0x8: {  	[smem:$0x3FA5] =	sst s0  }
0x9: {  	[smem:$0x3FA6] =	sst s1  }
0xa: {  	[smem:$0x3FA7] =	sst s2  }
0xb: {  	[smem:$0x3FA8] =	sst s3  }
0xc: {  	[smem:$0x3FA9] =	sst s4  }
0xd: {  	[smem:$0x3FAA] =	sst s5  }
0xe: {  	[smem:$0x3FAB] =	sst s6  }
0xf: {  	[smem:$0x3FAC] =	sst s7  }
0x10: {  	[smem:$0x3FAD] =	sst s8  }
0x11: {  	[smem:$0x3FAE] =	sst s9;
	s0 =	simm.s32 @!p0 $0x0  }
0x12: {  	s1 =	sld [smem:$0x3F94];
	s0 =	simm.s32 @p0 $0x1  }
0x13: {  	[smem:$0x3FAF] =	sst s0;
	s0 =	simm.s32 @!p1 $0x0  }
0x14: {  	s2 =	sld [smem:$0x3F93];
	s0 =	simm.s32 @p1 $0x1  }
0x15: {  	[smem:$0x3FB0] =	sst s0;
	s0 =	simm.s32 @!p2 $0x0  }
0x16: {  	s3 =	sld [smem:$0x3FDB];
	s0 =	simm.s32 @p2 $0x1  }
0x17: {  	s4 =	simm.s32 $0x1BF5;
	[smem:$0x3FB2] =	sst s0  }
0x18: {  	s0 =	sld [smem:$0x3F95];
	_ =	swait.ge [sflag:s4], $0x0  }
0x19: {  	s7 =	sld [smem:$0x3F96]  }
0x1a: {  	s8 =	sadd.s32 $0xFFFFE003, lr  }
0x1b: {  	s9 =	sadd.s32 $0xFFFFFEF7, lr;
	s5 =	simm.s32 $0xFFFFFFFF;
	p2 =	slt.u32 s8, $0xFFFFF086  }
0x1c: {  	p1 =	slt.u32 s9, $0xF7A;
	s5 =	simm.s32 @!p2 $0x0  }
0x1d: {  	s5 =	simm.s32 @p1 $0x1;
	p0 =	seq.s32 s7, s2  }
0x1e: {  	s7 =	smul.u32 @!p0 $0xF7A, s2;
	p2 =	seq.s32 @!p0 s5, $0x0  }
0x1f: {  	s9 =	smul.u32 $0xF7A, s1;
	s8 =	simm.s32 @!p0 $0x1BF5;
	p2 =	por !p2, p0  }
0x20: {  	[sflag:s8] =	ssyncset.s32 @!p0 $0xFFFFF086;
	s6 =	sadd.s32 @!p0 s3, s7;
	s7 =	simm.s32 @!p0 $0x108  }
0x21: {  	s3 =	sadd.s32 s3, s9;
	s6 =	sadd.s32 @!p0 $0x88, s6;
	s7 =	simm.s32 @p2 $0x1082  }
0x22: {  	[simem:s7], [sflag:s8] =	dma.local @!p0 [hbm:s6], $0xF7A  }
0x23: {  	s9 =	sor.u32 $0xD0000000, s2;
	s6 =	simm.s32 $0x108;
	_ =	swait.ge @!p0 [sflag:s8], $0x0  }
0x24: {  	s3 =	sadd.s32 $0x88, s3;
	s6 =	simm.s32 @!p1 $0x1082;
	[sflag:s4] =	ssyncset.s32 $0xFFFFF086  }
0x25: {  	[simem:s6], [sflag:s4] =	dma.local [hbm:s3], $0xF7A  }
0x26: {  	[smem:$0x3F96] =	sst s1;
	(tag) =	ssettag s2;
	_ =	strace s9  }
0x27: {  	s1 =	sld [smem:$0x3FA6]  }
0x28: {  	s2 =	sld [smem:$0x3FA7]  }
0x29: {  	s4 =	sld [smem:$0x3FA9]  }
0x2a: {  	p0 =	seq.s32 s5, $0x0;
	s5 =	sld [smem:$0x3FAA]  }
0x2b: {  	s6 =	sld [smem:$0x3FAB]  }
0x2c: {  	s7 =	sld [smem:$0x3FAC]  }
0x2d: {  	s3 =	simm.s32 $0x108;
	s8 =	sld [smem:$0x3FAD]  }
0x2e: {  	s3 =	simm.s32 @!p0 $0x1082;
	s9 =	sld [smem:$0x3FAE]  }
0x2f: {  	lr =	sadd.s32 s0, s3;
	s0 =	sld [smem:$0x3FA5]  }
0x30: {  	s3 =	sld [smem:$0x3FA8]  }
0x31: {  	[smem:$0x3FB1] =	sst s10  }
0x32: {  	s10 =	sld [smem:$0x3FAF];
	_ =	sdelay $0x3  }
0x33: {  	p0 =	seq.s32 s10, $0x1;
	s10 =	sld [smem:$0x3FB1];
	_ =	sdelay $0x3  }
0x34: {  	[smem:$0x3FB1] =	sst s10  }
0x35: {  	s10 =	sld [smem:$0x3FB0];
	_ =	sdelay $0x3  }
0x36: {  	p1 =	seq.s32 s10, $0x1;
	s10 =	sld [smem:$0x3FB1];
	_ =	sdelay $0x3  }
0x37: {  	[smem:$0x3FB1] =	sst s10  }
0x38: {  	s10 =	sld [smem:$0x3FB2]  }
0x39: {  	_ = 	snop;
	(pc) =	sbr.ind lr, $3  }
0x3a: {  	_ = 	snop  }
0x3b: {  	_ = 	snop  }
0x3c: {  	p2 =	seq.s32 s10, $0x1;
	s10 =	sld [smem:$0x3FB1]  }
0x3d: {  	_ =	shalt  }
0x3e: {  	_ =	shalt  }
0x3f: {  	_ =	shalt  }
0x40: {  	_ =	shalt  }
0x41: {  	_ =	shalt  }
0x42: {  	_ =	shalt  }
0x43: {  	_ =	shalt  }
0x44: {  	_ =	shalt  }
0x45: {  	_ =	shalt  }
0x46: {  	_ =	shalt  }
0x47: {  	_ =	shalt  }
0x48: {  	_ =	shalt  }
0x49: {  	_ =	shalt  }
0x4a: {  	_ =	shalt  }
0x4b: {  	_ =	shalt  }
0x4c: {  	_ =	shalt  }
0x4d: {  	_ =	shalt  }
0x4e: {  	_ =	shalt  }
0x4f: {  	_ =	shalt  }
0x50: {  	_ =	shalt  }
0x51: {  	_ =	shalt  }
0x52: {  	_ =	shalt  }
0x53: {  	_ =	shalt  }
0x54: {  	_ =	shalt  }
0x55: {  	_ =	shalt  }
0x56: {  	_ =	shalt  }
0x57: {  	_ =	shalt  }
0x58: {  	_ =	shalt  }
0x59: {  	_ =	shalt  }
0x5a: {  	_ =	shalt  }
0x5b: {  	_ =	shalt  }
0x5c: {  	_ =	shalt  }
0x5d: {  	_ =	shalt  }
0x5e: {  	_ =	shalt  }
0x5f: {  	_ =	shalt  }
0x60: {  	_ =	shalt  }
0x61: {  	_ =	shalt  }
0x62: {  	_ =	shalt  }
0x63: {  	_ =	shalt  }
0x64: {  	_ =	shalt  }
0x65: {  	_ =	shalt  }
0x66: {  	_ =	shalt  }
0x67: {  	_ =	shalt  }
0x68: {  	_ =	shalt  }
0x69: {  	_ =	shalt  }
0x6a: {  	_ =	shalt  }
0x6b: {  	_ =	shalt  }
0x6c: {  	_ =	shalt  }
0x6d: {  	_ =	shalt  }
0x6e: {  	_ =	shalt  }
0x6f: {  	_ =	shalt  }
0x70: {  	_ =	shalt  }
0x71: {  	_ =	shalt  }
0x72: {  	_ =	shalt  }
0x73: {  	_ =	shalt  }
0x74: {  	_ =	shalt  }
0x75: {  	_ =	shalt  }
0x76: {  	_ =	shalt  }
0x77: {  	_ =	shalt  }
0x78: {  	_ =	shalt  }
0x79: {  	_ =	shalt  }
0x7a: {  	_ =	shalt  }
0x7b: {  	_ =	shalt  }
0x7c: {  	_ =	shalt  }
0x7d: {  	_ =	shalt  }
0x7e: {  	_ =	shalt  }
0x7f: {  	_ =	shalt  }
0x80: {  	_ =	shalt  }
0x81: {  	_ =	shalt  }
0x82: {  	_ =	shalt  }
0x83: {  	_ =	shalt  }
0x84: {  	_ =	shalt  }
0x85: {  	_ =	shalt  }
0x86: {  	_ =	shalt  }
0x87: {  	_ =	shalt  }
.Lfunc_end0:
.L_simem_size_0:
called_computation_lowered:
.L_overlay_start_0:
0x88: {  	s2 =	sld [smem:$0x3FD9]  }
0x89: {  	s3 =	sld [smem:$0x3FFE];
	_ =	sdelay $0x1  }
0x8a: {  	s1 =	srdreg.scid  }
0x8b: {  	s0 =	sand.u32 $0x1, s1  }
0x8c: {  	s16 =	sshll.u32 s0, $0xA;
	s2 =	sadd.s32 s3, s2  }
0x8d: {  	s2 =	sadd.s32 s2, s16  }
0x8e: {  	[smem:$0x3FBD] =	sst s2  }
0x8f: {  	_ = 	snop  }
0x90: {  	(tm) =	ssettm $0x1  }
0x91: {  	s17 =	sld [smem:$0x3FFB];
	_ =	sdelay $0x3  }
0x92: {  	_ =	strace s17  }
0x93: {  	s2 =	sld [smem:$0x3FFC];
	_ =	sdelay $0x3  }
0x94: {  	_ =	strace s2  }
0x95: {  	s2 =	sld [smem:$0x3FFD];
	_ =	sdelay $0x3  }
0x96: {  	_ =	strace s2  }
0x97: {  	_ =	strace $0x8FFFFFFF  }
0x98: {  	s18 =	sld [smem:$0x3FDB];
	_ =	sdelay $0x1  }
0x99: {  	s19 =	simm.s32 $_scs_section_size  }
0x9a: {  	s4 =	simm.s32 $_size__tile_overlayer_lowered;
	s5 =	simm.s32 $_tile_overlayer_lowered  }
0x9b: {  	s22 =	simm.s32 $0x1BFF;
	s21 =	sshll.u32 s5, $0x1;
	s2 =	sadd.s32 s19, s18  }
0x9c: {  	s6 =	simm.s32 $0x0;
	s20 =	sshll.u32 s4, $0x1;
	s4 =	sadd.s32 s21, s2  }
0x9d: {  	[timem:s6], [sflag:s22] =	dma.local [hbm:s4], s20  }
0x9e: {  	_ =	swait.ge [sflag:s22], s20  }
0x9f: {  	s3 =	ssub.s32 $0x0, s20;
	[sflag:s22] =	ssyncset.done $0x0  }
0xa0: {  	[sflag:s22] =	ssyncadd.s32 s3;
	_ =	sdelay $0x1  }
0xa1: {  	s23 =	simm.s32 $0x1B8B  }
0xa2: {  	_ =	swait.ge [sflag:s23], $0x1  }
0xa3: {  	[sflag:s23] =	ssyncset.done $0x0  }
0xa4: {  	s25 =	simm.s32 $0x1B8E;
	s24 =	sld [smem:$0x3FFE];
	[sflag:s23] =	ssyncadd.s32 $0xFFFFFFFF  }
0xa5: {  	s26 =	simm.s32 $execute0_lowered;
	[smem:$0x3FD2] =	sst s25  }
0xa6: {  	s4 =	sshll.u32 s26, $0x1;
	_ =	strace $0x80000046;
	[dreg:$0x1] =	wrdreg $0xFFFFFFFF  }
0xa7: {  	s28 =	simm.s32 $_size_execute0_lowered;
	s2 =	sadd.s32 s2, s4;
	[dreg:$0x0] =	wrdreg $0x0  }
0xa8: {  	s4 =	sshll.u32 s28, $0x1;
	[dreg:$0x2] =	wrdreg s2  }
0xa9: {  	[dreg:$0x3] =	wrdreg s4  }
0xaa: {  	[dreg:$0x4] =	wrdreg $0xC0  }
0xab: {  	_ =	task [dreg:s6], $0x5FFFF  }
0xac: {  	[dreg:$0x1] =	wrdreg $0xFFFFFFFF  }
0xad: {  	[dreg:$0x0] =	wrdreg $0x60  }
0xae: {  	[dreg:$0x2] =	wrdreg s24  }
0xaf: {  	[dreg:$0x3] =	wrdreg $0x78000  }
0xb0: {  	[dreg:$0x4] =	wrdreg $0x9  }
0xb1: {  	_ =	task.clear_ibuf [dreg:s6], $0x5FFFF;
	_ =	strace $0x90000046  }
0xb2: {  	s29 =	simm.s32 $0x9;
	_ =	strace $0x80000048  }
0xb3: {  	_ =	swait.ge [sflag:s29], $0x1  }
0xb4: {  	[sflag:s29] =	ssyncadd.s32 $0xFFFFFFFF  }
0xb5: {  	_ =	strace $0x90000048  }
0xb6: {  	_ =	sfence  }
0xb7: {  	s30 =	sld [smem:$0x0];
	_ =	sdelay $0x2  }
0xb8: {  	s31 =	sshll.u32 s1, $0xD;
	s1 =	sshrl.u32 s1, $0x2  }
0xb9: {  	s3 =	sand.u32 $0x4000, s31;
	s1 =	sadd.s32 s1, s30  }
0xba: {  	s0 =	sor.u32 s3, s0;
	s1 =	sshll.u32 s1, $0x11  }
0xbb: {  	s0 =	sor.u32 s1, s0  }
0xbc: {  	s0 =	sadd.s32 $0x8F2B, s0  }
0xbd: {  	[sflag:s0] =	ssyncadd.remote.s32 $0x1  }
0xbe: {  	_ =	sfence.sel $0xFFFF  }
0xbf: {  	[dreg:$0x0] =	wrdreg $0xFFFFFFFF;
	(pc) =	sbr.abs _section_cstart, $3  }
0xc0: {  	[dreg:$0x1] =	wrdreg $0xFFFFFFFF  }
0xc1: {  	_ =	task.clear_ibuf [dreg:s6], $0x2FFFF;
	_ =	strace $0x9FFFFFFF  }
0xc2: {  	(tm) =	ssettm $0x7FFFFFFF  }
0xc3: {  	_ =	shalt  }
tec
execute0_lowered:
.L_overlay_start_1:
0x0: {  	(tag) =	ssettag $0x1  }
0x1: {  	s0 =	srdreg.scid  }
0x2: {  	s12 =	stileid.u32;
	s5 =	rddreg [dreg:$0x0]  }
0x3: {  	s2 =	rddreg [dreg:$0x1];
	s3 =	simm.s32 $0x0;
	s11 =	simm.s32 $0x1400  }
0x4: {  	s14 =	simm.s32 $0x40;
	s15 =	simm.s32 $0x2800;
	s16 =	simm.s32 $0x3C00  }
0x5: {  	s17 =	simm.s32 $0x1;
	s19 =	simm.s32 $0x5000;
	s20 =	simm.s32 $0x2  }
0x6: {  	s22 =	simm.s32 $0x6400;
	s28 =	simm.s32 $0x6;
	s29 =	simm.s32 $0x7  }
0x7: {  	s30 =	simm.s32 $0x8;
	s31 =	simm.s32 $0x2780;
	s0 =	sand.u32 $0x1, s0  }
0x8: {  	s1 =	sshll.u32 s12, $0x1;
	s6 =	smul.u32 $0x18B00, s12;
	[smem:$0x7FF] =	sst s3  }
0x9: {  	s4 =	sadd.s32 $0x42600, s5;
	s26 =	sshll.u32 s12, $0x6;
	s1 =	sor.u32 s0, s1  }
0xa: {  	s7 =	smul.u32 $0x18B000, s0;
	_ =	strace $0x80000047;
	s0 =	ssub.s32 $0x2, s0  }
0xb: {  	s12 =	sor.u32 $0x1C09, s26;
	s26 =	simm.s32 $0x4;
	s1 =	smul.u32 $0x280, s1  }
0xc: {  	s8 =	sshrl.u32 s6, $0x4;
	s9 =	sshrl.u32 s0, $0x1;
	s24 =	sshrl.u32 s6, $0x1  }
0xd: {  	s7 =	sadd.s32 s6, s7;
	s8 =	sadd.s32 s8, s5;
	s0 =	ssub.s32 s0, s9  }
0xe: {  	s25 =	sadd.s32 s24, s2;
	s24 =	simm.s32 $0x3;
	s1 =	sadd.s32 s1, s5  }
0xf: {  	s7 =	sshrl.u32 s7, $0x4;
	s9 =	smax.u32 s0, $0x1;
	s13 =	sshrl.u32 s25, $0x3  }
0x10: {  	s25 =	simm.s32 $0x5;
	s0 =	simm.s32 $0x0;
	s10 =	sadd.s32 s7, s5  }
0x11: {  	s5 =	sadd.s32 $0x5FE00, s1;
	s6 =	sadd.s32 $0x5AE00, s1;
	s7 =	sadd.s32 $0x2800, s8  }
0x12: {  	s1 =	simm.s32 $0x27C0;
	s8 =	sadd.s32 $0x64E00, s10;
	s10 =	simm.s32 $0x9  }
.LBB2_1:
0x13: {  	[tilespmem:s3], [sflag:$0x9] =	stream.linear.gather [hbm4b:s5+s3], $0x1400, $0x38;
	[tilespmem:$0x13D80] =	vst v63  }
0x14: {  	_ =	swait.ge [sflag:s10], $0x1400  }
0x15: {  	[sflag:s10] =	ssyncset.done $0x0  }
0x16: {  	[sflag:s10] =	ssyncadd.s32 $0xFFFFEC00  }
0x17: {  	[tilespmem:s11], [sflag:$0x9] =	stream.linear.gather [hbm4b:s6+s3], $0x1400, $0x38;
	[tilespmem:$0x13D80] =	vst v63  }
0x18: {  	_ =	swait.ge [sflag:s10], $0x1400  }
0x19: {  	[sflag:s10] =	ssyncset.done $0x0  }
0x1a: {  	[sflag:s10] =	ssyncadd.s32 $0xFFFFEC00  }
0x1b: {  	[spmem:s13], [sflag:s12] =	dma.local [hbm:s7], $0x18B0  }
0x1c: {  	_ =	swait.ge [sflag:s10], $0x18B0  }
0x1d: {  	[sflag:s10] =	ssyncset.done $0x0  }
0x1e: {  	[sflag:s10] =	ssyncadd.s32 $0xFFFFE750  }
0x1f: {  	[bflag:$0x0] =	sbarrier.arrive $0xFFFF  }
0x20: {  	[tilespmem:s15], [sflag:$0x1] =	stream.indirect.gather [hbm4b:s4+s14], $0x50, s3, s14, $0xb8;
	[tilespmem:$0x13D80] =	vst v63  }
0x21: {  	_ = 	snop  }
0x22: {  	[tilespmem:s16], [sflag:$0x2] =	stream.indirect.gather [hbm4b:s4+s14], $0x50, s14, s14, $0xb8;
	[tilespmem:$0x13D80] =	vst v63  }
0x23: {  	_ =	swait.ge [sflag:s17], $0x1400  }
0x24: {  	[sflag:s17] =	ssyncset.done $0x0  }
0x25: {  	s18 =	simm.s32 $0x80;
	[sflag:s17] =	ssyncadd.s32 $0xFFFFEC00  }
0x26: {  	[tilespmem:s19], [sflag:$0x3] =	stream.indirect.gather [hbm4b:s4+s14], $0x50, s18, s14, $0xb8;
	[tilespmem:$0x13D80] =	vst v63  }
0x27: {  	_ = 	snop  }
0x28: {  	[spmem:s2] =	stream.indirect.scatter.add.bf16 [tilespmem:s15], [sflag:$0x5], $0x50, s11, s14, $0xb8;
	[tilespmem:$0x13D80] =	vst v63  }
0x29: {  	_ =	swait.ge [sflag:s20], $0x1400  }
0x2a: {  	[sflag:s20] =	ssyncset.done $0x0  }
0x2b: {  	s23 =	simm.s32 $0xC0;
	[sflag:s20] =	ssyncadd.s32 $0xFFFFEC00  }
0x2c: {  	[tilespmem:s22], [sflag:$0x4] =	stream.indirect.gather [hbm4b:s4+s14], $0x50, s23, s14, $0xb8;
	[tilespmem:$0x13D80] =	vst v63  }
0x2d: {  	s21 =	simm.s32 $0x1440  }
0x2e: {  	[spmem:s2] =	stream.indirect.scatter.add.bf16 [tilespmem:s16], [sflag:$0x6], $0x50, s21, s14, $0xb8;
	[tilespmem:$0x13D80] =	vst v63  }
0x2f: {  	_ =	swait.ge [sflag:s24], $0x1400  }
0x30: {  	[sflag:s24] =	ssyncset.done $0x0  }
0x31: {  	[sflag:s24] =	ssyncadd.s32 $0xFFFFEC00  }
0x32: {  	_ =	swait.ge [sflag:s25], $0x1400  }
0x33: {  	[sflag:s25] =	ssyncset.done $0x0  }
0x34: {  	s23 =	simm.s32 $0x100;
	[sflag:s25] =	ssyncadd.s32 $0xFFFFEC00  }
0x35: {  	[tilespmem:s15], [sflag:$0x1] =	stream.indirect.gather [hbm4b:s4+s14], $0x50, s23, s14, $0xb8;
	[tilespmem:$0x13D80] =	vst v63  }
0x36: {  	s21 =	simm.s32 $0x1480  }
0x37: {  	[spmem:s2] =	stream.indirect.scatter.add.bf16 [tilespmem:s19], [sflag:$0x7], $0x50, s21, s14, $0xb8;
	[tilespmem:$0x13D80] =	vst v63  }
0x38: {  	_ =	swait.ge [sflag:s26], $0x1400  }
0x39: {  	[sflag:s26] =	ssyncset.done $0x0  }
0x3a: {  	[sflag:s26] =	ssyncadd.s32 $0xFFFFEC00  }
0x3b: {  	_ =	swait.ge [sflag:s28], $0x1400  }
0x3c: {  	[sflag:s28] =	ssyncset.done $0x0  }
0x3d: {  	s23 =	simm.s32 $0x140;
	[sflag:s28] =	ssyncadd.s32 $0xFFFFEC00  }
0x3e: {  	[tilespmem:s16], [sflag:$0x2] =	stream.indirect.gather [hbm4b:s4+s14], $0x50, s23, s14, $0xb8;
	[tilespmem:$0x13D80] =	vst v63  }
0x3f: {  	s21 =	simm.s32 $0x14C0  }
0x40: {  	[spmem:s2] =	stream.indirect.scatter.add.bf16 [tilespmem:s22], [sflag:$0x8], $0x50, s21, s14, $0xb8;
	[tilespmem:$0x13D80] =	vst v63  }
0x41: {  	_ =	swait.ge [sflag:s17], $0x1400  }
0x42: {  	[sflag:s17] =	ssyncset.done $0x0  }
0x43: {  	[sflag:s17] =	ssyncadd.s32 $0xFFFFEC00  }
0x44: {  	_ =	swait.ge [sflag:s29], $0x1400  }
0x45: {  	[sflag:s29] =	ssyncset.done $0x0  }
0x46: {  	s23 =	simm.s32 $0x180;
	[sflag:s29] =	ssyncadd.s32 $0xFFFFEC00  }
0x47: {  	[tilespmem:s19], [sflag:$0x3] =	stream.indirect.gather [hbm4b:s4+s14], $0x50, s23, s14, $0xb8;
	[tilespmem:$0x13D80] =	vst v63  }
0x48: {  	s21 =	simm.s32 $0x1500  }
0x49: {  	[spmem:s2] =	stream.indirect.scatter.add.bf16 [tilespmem:s15], [sflag:$0x5], $0x50, s21, s14, $0xb8;
	[tilespmem:$0x13D80] =	vst v63  }
0x4a: {  	_ =	swait.ge [sflag:s20], $0x1400  }
0x4b: {  	[sflag:s20] =	ssyncset.done $0x0  }
0x4c: {  	[sflag:s20] =	ssyncadd.s32 $0xFFFFEC00  }
0x4d: {  	_ =	swait.ge [sflag:s30], $0x1400  }
0x4e: {  	s18 =	simm.s32 $0x400;
	[sflag:s30] =	ssyncset.done $0x0  }
0x4f: {  	s23 =	simm.s32 $0x1C0;
	s21 =	simm.s32 $0x1540;
	[sflag:s30] =	ssyncadd.s32 $0xFFFFEC00  }
0x50: {  	[tilespmem:s22], [sflag:$0x4] =	stream.indirect.gather [hbm4b:s4+s14], $0x50, s23, s14, $0xb8;
	[tilespmem:$0x13D80] =	vst v63  }
.LBB2_2:
0x51: {  	[spmem:s2] =	stream.indirect.scatter.add.bf16 [tilespmem:s16], [sflag:$0x6], $0x50, s21, s14, $0xb8;
	[tilespmem:$0x13D80] =	vst v63  }
0x52: {  	s21 =	smov.u32 s18  }
0x53: {  	p0 =	sne.s32 s18, $0x4800;
	s18 =	sadd.s32 $0x400, s18;
	_ =	swait.ge [sflag:s24], $0x1400  }
0x54: {  	[sflag:s24] =	ssyncset.done $0x0  }
0x55: {  	[sflag:s24] =	ssyncadd.s32 $0xFFFFEC00  }
0x56: {  	_ =	swait.ge [sflag:s25], $0x1400  }
0x57: {  	s21 =	sshra.s32 s21, $0x2;
	[sflag:s25] =	ssyncset.done $0x0  }
0x58: {  	s23 =	sadd.s32 $0x100, s21;
	[sflag:s25] =	ssyncadd.s32 $0xFFFFEC00  }
0x59: {  	[tilespmem:s15], [sflag:$0x1] =	stream.indirect.gather [hbm4b:s4+s14], $0x50, s23, s14, $0xb8;
	[tilespmem:$0x13D80] =	vst v63  }
0x5a: {  	s23 =	sadd.s32 $0x1480, s21  }
0x5b: {  	[spmem:s2] =	stream.indirect.scatter.add.bf16 [tilespmem:s19], [sflag:$0x7], $0x50, s23, s14, $0xb8;
	[tilespmem:$0x13D80] =	vst v63  }
0x5c: {  	_ =	swait.ge [sflag:s26], $0x1400  }
0x5d: {  	[sflag:s26] =	ssyncset.done $0x0  }
0x5e: {  	[sflag:s26] =	ssyncadd.s32 $0xFFFFEC00  }
0x5f: {  	_ =	swait.ge [sflag:s28], $0x1400  }
0x60: {  	[sflag:s28] =	ssyncset.done $0x0  }
0x61: {  	s23 =	sadd.s32 $0x140, s21;
	[sflag:s28] =	ssyncadd.s32 $0xFFFFEC00  }
0x62: {  	[tilespmem:s16], [sflag:$0x2] =	stream.indirect.gather [hbm4b:s4+s14], $0x50, s23, s14, $0xb8;
	[tilespmem:$0x13D80] =	vst v63  }
0x63: {  	s23 =	sadd.s32 $0x14C0, s21  }
0x64: {  	[spmem:s2] =	stream.indirect.scatter.add.bf16 [tilespmem:s22], [sflag:$0x8], $0x50, s23, s14, $0xb8;
	[tilespmem:$0x13D80] =	vst v63  }
0x65: {  	_ =	swait.ge [sflag:s17], $0x1400  }
0x66: {  	[sflag:s17] =	ssyncset.done $0x0  }
0x67: {  	[sflag:s17] =	ssyncadd.s32 $0xFFFFEC00  }
0x68: {  	_ =	swait.ge [sflag:s29], $0x1400  }
0x69: {  	[sflag:s29] =	ssyncset.done $0x0  }
0x6a: {  	s23 =	sadd.s32 $0x180, s21;
	[sflag:s29] =	ssyncadd.s32 $0xFFFFEC00  }
0x6b: {  	[tilespmem:s19], [sflag:$0x3] =	stream.indirect.gather [hbm4b:s4+s14], $0x50, s23, s14, $0xb8;
	[tilespmem:$0x13D80] =	vst v63  }
0x6c: {  	s23 =	sadd.s32 $0x1500, s21  }
0x6d: {  	[spmem:s2] =	stream.indirect.scatter.add.bf16 [tilespmem:s15], [sflag:$0x5], $0x50, s23, s14, $0xb8;
	[tilespmem:$0x13D80] =	vst v63  }
0x6e: {  	_ =	swait.ge [sflag:s20], $0x1400  }
0x6f: {  	[sflag:s20] =	ssyncset.done $0x0  }
0x70: {  	[sflag:s20] =	ssyncadd.s32 $0xFFFFEC00  }
.Ltmp0:
0x71: {  	_ =	swait.ge [sflag:s30], $0x1400;
	(pc) =	sbr.rel @p0 .LBB2_2-.Ltmp0, $4  }
0x72: {  	[sflag:s30] =	ssyncset.done $0x0  }
0x73: {  	s23 =	sadd.s32 $0x1C0, s21;
	[sflag:s30] =	ssyncadd.s32 $0xFFFFEC00  }
0x74: {  	[tilespmem:s22], [sflag:$0x4] =	stream.indirect.gather [hbm4b:s4+s14], $0x50, s23, s14, $0xb8;
	[tilespmem:$0x13D80] =	vst v63  }
0x75: {  	s21 =	sadd.s32 $0x1540, s21  }
0x76: {  	[spmem:s2] =	stream.indirect.scatter.add.bf16 [tilespmem:s16], [sflag:$0x6], $0x50, s21, s14, $0xb8;
	[tilespmem:$0x13D80] =	vst v63  }
0x77: {  	_ =	swait.ge [sflag:s24], $0x1400  }
0x78: {  	[sflag:s24] =	ssyncset.done $0x0  }
0x79: {  	[sflag:s24] =	ssyncadd.s32 $0xFFFFEC00  }
0x7a: {  	[spmem:s2] =	stream.indirect.scatter.add.bf16 [tilespmem:s19], [sflag:$0x7], $0x50, s31, s14, $0xb8;
	[tilespmem:$0x13D80] =	vst v63  }
0x7b: {  	_ =	swait.ge [sflag:s26], $0x1400  }
0x7c: {  	[sflag:s26] =	ssyncset.done $0x0  }
0x7d: {  	[sflag:s26] =	ssyncadd.s32 $0xFFFFEC00  }
0x7e: {  	[spmem:s2] =	stream.indirect.scatter.add.bf16 [tilespmem:s22], [sflag:$0x8], $0x50, s1, s14, $0xb8;
	[tilespmem:$0x13D80] =	vst v63  }
0x7f: {  	_ =	swait.ge [sflag:s25], $0x1400  }
0x80: {  	[sflag:s25] =	ssyncset.done $0x0  }
0x81: {  	[sflag:s25] =	ssyncadd.s32 $0xFFFFEC00  }
0x82: {  	_ =	swait.ge [sflag:s28], $0x1400  }
0x83: {  	[sflag:s28] =	ssyncset.done $0x0  }
0x84: {  	[sflag:s28] =	ssyncadd.s32 $0xFFFFEC00  }
0x85: {  	_ =	swait.ge [sflag:s29], $0x1400  }
0x86: {  	[sflag:s29] =	ssyncset.done $0x0  }
0x87: {  	[sflag:s29] =	ssyncadd.s32 $0xFFFFEC00  }
0x88: {  	_ =	swait.ge [sflag:s30], $0x1400  }
0x89: {  	s0 =	sadd.s32 $0x1, s0;
	[sflag:s30] =	ssyncset.done $0x0  }
0x8a: {  	p0 =	sne.s32 s0, s9;
	[sflag:s30] =	ssyncadd.s32 $0xFFFFEC00  }
.Ltmp1:
0x8b: {  	[bflag:$0x0] =	sbarrier.arrive $0xFFFF;
	(pc) =	sbr.rel @p0 .LBB2_1-.Ltmp1, $4  }
0x8c: {  	[hbm:s8], [sflag:s12] =	dma.local [spmem:s13], $0x18B0  }
0x8d: {  	_ =	swait.ge [sflag:s10], $0x18B0  }
0x8e: {  	[sflag:s10] =	ssyncset.done $0x0  }
0x8f: {  	[sflag:s10] =	ssyncadd.s32 $0xFFFFE750  }
0x90: {  	_ =	sfence.sel $0x180000  }
0x91: {  	[bflag:$0x0] =	sbarrier.arrive $0xFFFF  }
0x92: {  	_ =	strace $0x90000047  }
0x93: {  	s0 =	stileid.u32;
	[bflag:$0x2] =	sbarrier.arrive $0xFFFF  }
0x94: {  	p0 =	sne.s32 s0, $0x0;
	s0 =	rddreg [dreg:$0x2]  }
0x95: {  	s0 =	sadd.s32 @!p0 $0x100000, s0  }
0x96: {  	[sflag:s0] =	ssyncadd.tile.s32 @!p0 $0x1;
	_ =	shalt  }
.Lfunc_end2:
_tile_overlayer_lowered:
.L_overlay_start_2:
0x97: {  	(tag) =	ssettag $0x2  }
0x98: {  	s0 =	rddreg [dreg:$0x0];
	s2 =	stileid.u32  }
0x99: {  	s1 =	rddreg [dreg:$0x1];
	p0 =	sne.s32 s2, $0x0  }
0x9a: {  	s3 =	rddreg [dreg:$0x2];
	[bflag:$0x3] =	sbarrier.arrive $0xFFFF;
	s2 =	simm.s32 @!p0 $0x1C09  }
0x9b: {  	[timem:s3], [sflag:s2] =	dma.local @!p0 [hbm:s0], s1  }
0x9c: {  	s0 =	simm.s32 @!p0 $0x9  }
0x9d: {  	_ =	swait.ge @!p0 [sflag:s0], s1  }
0x9e: {  	s1 =	ssub.s32 @!p0 $0x0, s1;
	[sflag:s0] =	ssyncset.done @!p0 $0x0  }
0x9f: {  	[sflag:s0] =	ssyncadd.s32 @!p0 s1  }
0xa0: {  	[bflag:$0x3] =	sbarrier.arrive $0xFFFF  }
0xa1: {  	_ =	shalt  }

</sc_bundles>
